<compile_context>
chip_gen: v7x
topology: tpu7x:2x2x1
jax: 0.10.2.dev20260603
libtpu: 0.0.44.dev20260713+nightly
codegen_flags: <defaults>
</compile_context>

<pallas_src>
import functools

import jax
import jax.numpy as jnp
from jax.experimental import pallas as pl
from jax.experimental.pallas import tpu as pltpu
from jax.experimental.pallas import tpu_sc as plsc

N = 10000
K = 16
C = 128
R = N * K
NP = 10240
W8 = NP // 8
PB = 200
DB = 400
RB = DB * K
GK = N // PB
GD = N // DB

_pcall = pl.pallas_call


def _parallel(n):
    return pltpu.CompilerParams(dimension_semantics=("parallel",) * n)


def _expand_rows(x, k):
    n, c = x.shape
    y = jax.lax.broadcast_in_dim(x, (n, k, c), (0, 2))
    return y.reshape(n * k, c)


def _sum8(x):
    return jnp.sum(x.reshape(-1, 8, x.shape[1]), axis=0)


def _qkv_body(x_ref, w_ref, q_ref, k_ref, v_ref):
    y = jnp.dot(x_ref[...], w_ref[...], preferred_element_type=jnp.float32)
    q_ref[...] = y[:, :C]
    k_ref[...] = y[:, C:2 * C]
    v_ref[...] = y[:, 2 * C:]


def _qkv(features, wqkv):
    return _pcall(
        _qkv_body,
        grid=(GD,),
        in_specs=[pl.BlockSpec((DB, C), lambda i: (i, 0)),
                  pl.BlockSpec((C, 3 * C), lambda i: (0, 0))],
        out_specs=[pl.BlockSpec((DB, C), lambda i: (i, 0))] * 3,
        out_shape=[jax.ShapeDtypeStruct((N, C), jnp.float32)] * 3,
        compiler_params=_parallel(1),
    )(features, wqkv)


def _ce(va, vb):
    return jnp.minimum(va, vb), jnp.maximum(va, vb)


def _knn_body(p_ref, pt_ref, sqj_ref, idx_ref):
    p = p_ref[...]
    sqi = jnp.sum(p * p, axis=1, keepdims=True)
    one3 = (jax.lax.broadcasted_iota(jnp.int32, (1, 16), 1) == 3
            ).astype(jnp.float32)
    p_aug = p * (-2.0) + sqi * one3
    v = []
    for k in range(8):
        ptk = pt_ref[:, k * W8:(k + 1) * W8]
        dotk = jnp.dot(p_aug, ptk, preferred_element_type=jnp.float32)
        dk = dotk + sqj_ref[0:1, k * W8:(k + 1) * W8]
        dk = jnp.maximum(dk, jnp.float32(1.2e-38))
        b = jax.lax.bitcast_convert_type(dk, jnp.int32)
        v.append(jax.lax.bitcast_convert_type((b & (-8)) | k, jnp.float32))
    net = [(0, 1), (2, 3), (4, 5), (6, 7), (0, 2), (1, 3), (4, 6), (5, 7),
           (1, 2), (5, 6), (0, 4), (1, 5), (2, 6), (3, 7), (2, 4), (3, 5),
           (1, 2), (3, 4), (5, 6)]
    for a, b2 in net:
        v[a], v[b2] = _ce(v[a], v[b2])
    scol = jax.lax.broadcasted_iota(jnp.int32, (PB, W8), 1)
    big = jnp.int32(2 ** 30)
    outs = []
    for _ in range(K):
        m = jnp.min(v[0], axis=1, keepdims=True)
        cand = jnp.where(v[0] == m, scol, big)
        am = jnp.min(cand, axis=1, keepdims=True)
        slab = jax.lax.bitcast_convert_type(m, jnp.int32) & 7
        outs.append(slab * W8 + am)
        e = cand == am
        for t in range(7):
            v[t] = jnp.where(e, v[t + 1], v[t])
        v[7] = jnp.where(e, jnp.float32(1e30), v[7])
    idx_ref[...] = jnp.concatenate(outs, axis=1)


def _knn(points_pad, pt16, sqj_row):
    return _pcall(
        _knn_body,
        grid=(GK,),
        in_specs=[pl.BlockSpec((PB, 16), lambda i: (i, 0)),
                  pl.BlockSpec((16, NP), lambda i: (0, 0)),
                  pl.BlockSpec((8, NP), lambda i: (0, 0))],
        out_specs=pl.BlockSpec((PB, K), lambda i: (i, 0)),
        out_shape=jax.ShapeDtypeStruct((N, K), jnp.int32),
        compiler_params=_parallel(1),
    )(points_pad, pt16, sqj_row)


def _sc_gather(table, idx_flat):
    width = table.shape[1]
    nworkers = 32
    per_w = R // nworkers
    ch = 200
    npair = (per_w // ch) // 2
    mesh = plsc.VectorSubcoreMesh(core_axis_name="c", subcore_axis_name="s")

    @functools.partial(
        pl.kernel, mesh=mesh,
        out_type=jax.ShapeDtypeStruct((R, width), jnp.float32),
        scratch_types=[pltpu.VMEM((ch,), jnp.int32),
                       pltpu.VMEM((ch,), jnp.int32),
                       pltpu.VMEM((ch, width), jnp.float32),
                       pltpu.VMEM((ch, width), jnp.float32),
                       pltpu.SemaphoreType.DMA,
                       pltpu.SemaphoreType.DMA,
                       pltpu.SemaphoreType.DMA,
                       pltpu.SemaphoreType.DMA])
    def gk(table_hbm, idx_hbm, out_hbm, i0, i1, r0, r1, sg0, sg1, so0, so1):
        wid = jax.lax.axis_index("s") * 2 + jax.lax.axis_index("c")
        base = wid * per_w

        @pl.loop(0, npair)
        def _(j):
            b0 = base + (2 * j) * ch
            b1 = b0 + ch
            pltpu.sync_copy(idx_hbm.at[pl.ds(b0, ch)], i0)
            g0 = pltpu.async_copy(table_hbm.at[i0], r0, sg0)
            pltpu.sync_copy(idx_hbm.at[pl.ds(b1, ch)], i1)
            g1 = pltpu.async_copy(table_hbm.at[i1], r1, sg1)
            g0.wait()
            w0 = pltpu.async_copy(r0, out_hbm.at[pl.ds(b0, ch)], so0)
            g1.wait()
            w1 = pltpu.async_copy(r1, out_hbm.at[pl.ds(b1, ch)], so1)
            w0.wait()
            w1.wait()

        bt = base + 2 * npair * ch
        pltpu.sync_copy(idx_hbm.at[pl.ds(bt, ch)], i0)
        pltpu.async_copy(table_hbm.at[i0], r0, sg0).wait()
        pltpu.sync_copy(r0, out_hbm.at[pl.ds(bt, ch)])

    return gk(table, idx_flat)


def _pos_moment_body(p_ref, pg_ref, m1_ref, m2_ref):
    rel = _expand_rows(p_ref[...], K) - pg_ref[...]
    m1_ref[...] = _sum8(rel)
    m2_ref[...] = jax.lax.dot_general(
        rel, rel, (((0,), (0,)), ((), ())),
        preferred_element_type=jnp.float32)


def _pos_moments(points_pad, pts_g):
    return _pcall(
        _pos_moment_body,
        grid=(GD,),
        in_specs=[pl.BlockSpec((DB, 16), lambda i: (i, 0)),
                  pl.BlockSpec((RB, 16), lambda i: (i, 0))],
        out_specs=[pl.BlockSpec((8, 16), lambda i: (i, 0)),
                   pl.BlockSpec((16, 16), lambda i: (i, 0))],
        out_shape=[jax.ShapeDtypeStruct((GD * 8, 16), jnp.float32),
                   jax.ShapeDtypeStruct((GD * 16, 16), jnp.float32)],
        compiler_params=_parallel(1),
    )(points_pad, pts_g)


def _rpe(rel, w1, a, c, w2):
    rp = jnp.dot(rel, w1, preferred_element_type=jnp.float32)
    rp = jnp.maximum(rp * a + c, 0.0)
    return jnp.dot(rp, w2, preferred_element_type=jnp.float32)


def _stats1_body(p_ref, pg_ref, fq_ref, fk_ref, w1_ref, a_ref, c_ref,
                 w2_ref, s1_ref, s2_ref):
    rel = _expand_rows(p_ref[...], K) - pg_ref[...]
    rpe = _rpe(rel, w1_ref[...], a_ref[...], c_ref[...], w2_ref[...])
    vs = _expand_rows(fq_ref[...], K) - fk_ref[...] + rpe
    s1_ref[...] = _sum8(vs)
    s2_ref[...] = _sum8(vs * vs)


def _stats1(points_pad, pts_g, f_q, fk_g, w1p, apos, cpos, w2p):
    return _pcall(
        _stats1_body,
        grid=(GD,),
        in_specs=[pl.BlockSpec((DB, 16), lambda i: (i, 0)),
                  pl.BlockSpec((RB, 16), lambda i: (i, 0)),
                  pl.BlockSpec((DB, C), lambda i: (i, 0)),
                  pl.BlockSpec((RB, C), lambda i: (i, 0)),
                  pl.BlockSpec((16, 16), lambda i: (0, 0)),
                  pl.BlockSpec((1, 16), lambda i: (0, 0)),
                  pl.BlockSpec((1, 16), lambda i: (0, 0)),
                  pl.BlockSpec((16, C), lambda i: (0, 0))],
        out_specs=[pl.BlockSpec((8, C), lambda i: (i, 0))] * 2,
        out_shape=[jax.ShapeDtypeStruct((GD * 8, C), jnp.float32)] * 2,
        compiler_params=_parallel(1),
    )(points_pad, pts_g, f_q, fk_g, w1p, apos, cpos, w2p)


def _h1_body(p_ref, pg_ref, fq_ref, fk_ref, w1_ref, a_ref, c_ref, w2_ref,
             a1_ref, c1_ref, aw1_ref, h1_ref, t1_ref, t2_ref):
    rel = _expand_rows(p_ref[...], K) - pg_ref[...]
    rpe = _rpe(rel, w1_ref[...], a_ref[...], c_ref[...], w2_ref[...])
    vs = _expand_rows(fq_ref[...], K) - fk_ref[...] + rpe
    r = jnp.maximum(vs * a1_ref[...] + c1_ref[...], 0.0)
    h1 = jnp.dot(r, aw1_ref[...], preferred_element_type=jnp.float32)
    h1_ref[...] = h1
    t1_ref[...] = _sum8(h1)
    t2_ref[...] = _sum8(h1 * h1)


def _h1_pass(points_pad, pts_g, f_q, fk_g, w1p, apos, cpos, w2p, a1, c1, aw1):
    return _pcall(
        _h1_body,
        grid=(GD,),
        in_specs=[pl.BlockSpec((DB, 16), lambda i: (i, 0)),
                  pl.BlockSpec((RB, 16), lambda i: (i, 0)),
                  pl.BlockSpec((DB, C), lambda i: (i, 0)),
                  pl.BlockSpec((RB, C), lambda i: (i, 0)),
                  pl.BlockSpec((16, 16), lambda i: (0, 0)),
                  pl.BlockSpec((1, 16), lambda i: (0, 0)),
                  pl.BlockSpec((1, 16), lambda i: (0, 0)),
                  pl.BlockSpec((16, C), lambda i: (0, 0)),
                  pl.BlockSpec((1, C), lambda i: (0, 0)),
                  pl.BlockSpec((1, C), lambda i: (0, 0)),
                  pl.BlockSpec((C, C), lambda i: (0, 0))],
        out_specs=[pl.BlockSpec((RB, C), lambda i: (i, 0)),
                   pl.BlockSpec((8, C), lambda i: (i, 0)),
                   pl.BlockSpec((8, C), lambda i: (i, 0))],
        out_shape=[jax.ShapeDtypeStruct((R, C), jnp.float32),
                   jax.ShapeDtypeStruct((GD * 8, C), jnp.float32),
                   jax.ShapeDtypeStruct((GD * 8, C), jnp.float32)],
        compiler_params=_parallel(1),
    )(points_pad, pts_g, f_q, fk_g, w1p, apos, cpos, w2p, a1, c1, aw1)


def _final_body(h1_ref, fv_ref, p_ref, pg_ref, w1_ref, a_ref, c_ref, w2_ref,
                a2_ref, c2_ref, aw2_ref, b2_ref, o_ref):
    h = h1_ref[...]
    w = jnp.dot(jnp.maximum(h * a2_ref[...] + c2_ref[...], 0.0), aw2_ref[...],
                preferred_element_type=jnp.float32) + b2_ref[...]
    w3 = w.reshape(DB, K, C)
    mx = jnp.max(w3, axis=1, keepdims=True)
    e = jnp.exp(w3 - mx)
    sm = e / jnp.sum(e, axis=1, keepdims=True)
    rel = _expand_rows(p_ref[...], K) - pg_ref[...]
    rpe = _rpe(rel, w1_ref[...], a_ref[...], c_ref[...], w2_ref[...])
    val = (fv_ref[...] + rpe).reshape(DB, K, C)
    o_ref[...] = jnp.sum(sm * val, axis=1)


def _final(h1, fv_g, points_pad, pts_g, w1p, apos, cpos, w2p, a2, c2, aw2, b2):
    return _pcall(
        _final_body,
        grid=(GD,),
        in_specs=[pl.BlockSpec((RB, C), lambda i: (i, 0)),
                  pl.BlockSpec((RB, C), lambda i: (i, 0)),
                  pl.BlockSpec((DB, 16), lambda i: (i, 0)),
                  pl.BlockSpec((RB, 16), lambda i: (i, 0)),
                  pl.BlockSpec((16, 16), lambda i: (0, 0)),
                  pl.BlockSpec((1, 16), lambda i: (0, 0)),
                  pl.BlockSpec((1, 16), lambda i: (0, 0)),
                  pl.BlockSpec((16, C), lambda i: (0, 0)),
                  pl.BlockSpec((1, C), lambda i: (0, 0)),
                  pl.BlockSpec((1, C), lambda i: (0, 0)),
                  pl.BlockSpec((C, C), lambda i: (0, 0)),
                  pl.BlockSpec((1, C), lambda i: (0, 0))],
        out_specs=pl.BlockSpec((DB, C), lambda i: (i, 0)),
        out_shape=jax.ShapeDtypeStruct((N, C), jnp.float32),
        compiler_params=_parallel(1),
    )(h1, fv_g, points_pad, pts_g, w1p, apos, cpos, w2p, a2, c2, aw2, b2)


def _affine(s1, s2, gamma, beta, eps=1e-5):
    mu = s1 / R
    var = jnp.maximum(s2 / R - mu * mu, 0.0)
    a = gamma[None, :] / jnp.sqrt(var + eps)
    return a, beta[None, :] - mu * a


def kernel(points, features, Wq, Wk, Wv,
           attn_bn1_g, attn_bn1_b, attn_W1, attn_bn2_g, attn_bn2_b,
           attn_W2, attn_b2, pos_W1, pos_bn_g, pos_bn_b, pos_W2):
    wqkv = jnp.concatenate([Wq, Wk, Wv], axis=1)
    f_q, f_k, f_v = _qkv(features, wqkv)

    points_pad = jnp.pad(points, ((0, 0), (0, 13)))
    ptx = jnp.pad(points.T, ((0, 0), (0, NP - N)), constant_values=100.0)
    pt16 = jnp.concatenate(
        [ptx, jnp.ones((1, NP), jnp.float32),
         jnp.zeros((12, NP), jnp.float32)], axis=0)
    sqj_row = jnp.pad(jnp.sum(points * points, axis=1)[None, :],
                      ((0, 7), (0, NP - N)), constant_values=3e4)
    idx = _knn(points_pad, pt16, sqj_row)
    flat_idx = idx.reshape(-1)

    points_pad128 = jnp.pad(points, ((0, 0), (0, C - 3)))
    pts_g = _sc_gather(points_pad128, flat_idx)[:, :16]
    fk_g = _sc_gather(f_k, flat_idx)
    fv_g = _sc_gather(f_v, flat_idx)

    m1p, m2p = _pos_moments(points_pad, pts_g)
    m1 = jnp.sum(m1p.reshape(GD * 8, 16), axis=0, keepdims=True)
    m2 = jnp.sum(m2p.reshape(GD, 16, 16), axis=0)
    w1p = jnp.zeros((16, 16), jnp.float32).at[:3, :3].set(pos_W1)
    w2p = jnp.zeros((16, C), jnp.float32).at[:3, :].set(pos_W2)
    gpos = jnp.concatenate([pos_bn_g, jnp.ones((13,), jnp.float32)])
    bpos = jnp.concatenate([pos_bn_b, jnp.zeros((13,), jnp.float32)])
    mu_rel = m1 / R
    e2 = m2 / R
    mu_rp = mu_rel @ w1p
    var_rp = jnp.maximum(jnp.diag(w1p.T @ e2 @ w1p)[None, :] - mu_rp ** 2, 0.0)
    apos = gpos[None, :] / jnp.sqrt(var_rp + 1e-5)
    cpos = bpos[None, :] - mu_rp * apos

    s1p, s2p = _stats1(points_pad, pts_g, f_q, fk_g, w1p, apos, cpos, w2p)
    a1, c1 = _affine(jnp.sum(s1p, axis=0, keepdims=True),
                     jnp.sum(s2p, axis=0, keepdims=True),
                     attn_bn1_g, attn_bn1_b)

    h1, t1p, t2p = _h1_pass(points_pad, pts_g, f_q, fk_g, w1p, apos, cpos,
                            w2p, a1, c1, attn_W1)
    a2, c2 = _affine(jnp.sum(t1p, axis=0, keepdims=True),
                     jnp.sum(t2p, axis=0, keepdims=True),
                     attn_bn2_g, attn_bn2_b)

    return _final(h1, fv_g, points_pad, pts_g, w1p, apos, cpos, w2p,
                  a2, c2, attn_W2, attn_b2[None, :])

# --- scband reference (transcript-rebuilt; emitter-appended) ---
"""Pipeline reference for scband-point-transformer-layer-15539191676961 (READ-ONLY COPY).

The authoritative reference and input builder live on the scoring server;
editing this copy changes nothing except your own understanding.
"""

import jax, jax.numpy as jnp
import numpy as np

N = 10000
K = 16
C_IN = 128
C_OUT = 128


def _uniform(key, shape, fan_in):
    s = 1.0 / np.sqrt(fan_in)
    return jax.random.uniform(key, shape, minval=-s, maxval=s, dtype=jnp.float32)


def setup_inputs(seed: int = 0) -> dict:
    key = jax.random.key(seed)
    ks = jax.random.split(key, 10)
    d = {}
    d["points"] = jax.random.normal(ks[0], (N, 3), dtype=jnp.float32)
    d["features"] = jax.random.normal(ks[1], (N, C_IN), dtype=jnp.float32)
    d["Wq"] = _uniform(ks[2], (C_IN, C_OUT), C_IN)
    d["Wk"] = _uniform(ks[3], (C_IN, C_OUT), C_IN)
    d["Wv"] = _uniform(ks[4], (C_IN, C_OUT), C_IN)
    d["attn_bn1_g"] = jnp.ones((C_OUT,), dtype=jnp.float32)
    d["attn_bn1_b"] = jnp.zeros((C_OUT,), dtype=jnp.float32)
    d["attn_W1"] = _uniform(ks[5], (C_OUT, C_OUT), C_OUT)
    d["attn_bn2_g"] = jnp.ones((C_OUT,), dtype=jnp.float32)
    d["attn_bn2_b"] = jnp.zeros((C_OUT,), dtype=jnp.float32)
    d["attn_W2"] = _uniform(ks[6], (C_OUT, C_OUT), C_OUT)
    d["attn_b2"] = _uniform(ks[7], (C_OUT,), C_OUT)
    d["pos_W1"] = _uniform(ks[8], (3, 3), 3)
    d["pos_bn_g"] = jnp.ones((3,), dtype=jnp.float32)
    d["pos_bn_b"] = jnp.zeros((3,), dtype=jnp.float32)
    d["pos_W2"] = _uniform(ks[9], (3, C_OUT), 3)
    return d


def batchnorm(x, gamma, beta, eps=1e-5):
    # training-mode BatchNorm1d: biased batch statistics over dim 0
    mu = jnp.mean(x, axis=0, keepdims=True)
    var = jnp.var(x, axis=0, keepdims=True)
    return gamma * (x - mu) / jnp.sqrt(var + eps) + beta


def find_knn(points, k):
    sq = jnp.sum(points * points, axis=1)
    dist = sq[:, None] + sq[None, :] - 2.0 * (points @ points.T)
    neg_d, idx = jax.lax.top_k(-dist, k)
    return jnp.sqrt(jnp.maximum(-neg_d, 0.0)), idx


def reference(points, features, Wq, Wk, Wv,
              attn_bn1_g, attn_bn1_b, attn_W1, attn_bn2_g, attn_bn2_b, attn_W2, attn_b2,
              pos_W1, pos_bn_g, pos_bn_b, pos_W2):
    n = points.shape[0]
    c = Wq.shape[1]
    f_q = features @ Wq
    f_k = features @ Wk
    f_v = features @ Wv
    _, knn_indices = find_knn(jax.lax.stop_gradient(points), K)
    flat_idx = knn_indices.reshape(-1)
    knn_points = jnp.take(points, flat_idx, axis=0).reshape(n, K, 3)
    knn_k = jnp.take(f_k, flat_idx, axis=0).reshape(n, K, c)
    knn_v = jnp.take(f_v, flat_idx, axis=0).reshape(n, K, c)
    rel_pos = points[:, None, :] - knn_points
    rp = rel_pos.reshape(-1, 3) @ pos_W1
    rp = batchnorm(rp, pos_bn_g, pos_bn_b)
    rp = jax.nn.relu(rp)
    rel_pos_enc = (rp @ pos_W2).reshape(n, K, c)
    vec_sim = f_q[:, None, :] - knn_k + rel_pos_enc
    w = vec_sim.reshape(-1, c)
    w = batchnorm(w, attn_bn1_g, attn_bn1_b)
    w = jax.nn.relu(w)
    w = w @ attn_W1
    w = batchnorm(w, attn_bn2_g, attn_bn2_b)
    w = jax.nn.relu(w)
    w = w @ attn_W2 + attn_b2
    w = w.reshape(n, K, c)
    w = jax.nn.softmax(w, axis=1)
    weighted = w * (knn_v + rel_pos_enc)
    out_features = jnp.sum(weighted, axis=1)
    return out_features

if __name__ == "__main__":
    import jax
    _d = setup_inputs()
    print(jax.jit(kernel)(*tuple(_d.values())))

</pallas_src>

<mosaic_0001>
#map = affine_map<(d0, d1) -> (0, 0)>
#map1 = affine_map<(d0, d1) -> (0)>
module attributes {stable_mosaic.version = 14 : i64} {
  func.func @gk(%arg0: i32, %arg1: i32, %arg2: memref<10000x128xf32, #tpu.memory_space<hbm>>, %arg3: memref<160000xi32, #tpu.memory_space<hbm>>, %arg4: memref<160000x128xf32, #tpu.memory_space<hbm>>, %arg5: memref<200xi32, #tpu.memory_space<vmem>>, %arg6: memref<200xi32, #tpu.memory_space<vmem>>, %arg7: memref<200x128xf32, #tpu.memory_space<vmem>>, %arg8: memref<200x128xf32, #tpu.memory_space<vmem>>, %arg9: memref<!tpu.dma_semaphore, #tpu.memory_space<semaphore_mem>>, %arg10: memref<!tpu.dma_semaphore, #tpu.memory_space<semaphore_mem>>, %arg11: memref<!tpu.dma_semaphore, #tpu.memory_space<semaphore_mem>>, %arg12: memref<!tpu.dma_semaphore, #tpu.memory_space<semaphore_mem>>) attributes {dimension_semantics = [#tpu.dimension_semantics<core_parallel>, #tpu.dimension_semantics<subcore_parallel>], iteration_bounds = array<i64: 2, 16>, scalar_prefetch = 0 : i64, scratch_operands = 8 : i64, tpu.core_type = #tpu.core_type<sc_vector_subcore>, window_params = [{transform_indices = #map}, {transform_indices = #map1}, {transform_indices = #map}]} {
    %mul3A = arith.constant 2 : i32
    %mul3A_0 = arith.muli %arg1, %mul3A : i32
    %add3A = arith.addi %mul3A_0, %arg0 : i32
    %mul3A_1 = arith.constant 5000 : i32
    %mul3A_2 = arith.muli %add3A, %mul3A_1 : i32
    %scan3A = arith.constant 0 : i32
    %scan3A_3 = arith.constant 12 : i32
    %scan3A_4 = arith.addi %scan3A, %scan3A_3 : i32
    %scan3A_5 = arith.constant 1 : i32
    scf.for %scan3A_13 = %scan3A to %scan3A_4 step %scan3A_5  : i32 {
      %mul3A_14 = arith.constant 1 : i32
      %mul3A_15 = arith.muli %scan3A_13, %mul3A_14 : i32
      %add3A_16 = arith.constant 0 : i32
      %add3A_17 = arith.addi %add3A_16, %mul3A_15 : i32
      %mul3A_18 = arith.constant 2 : i32
      %mul3A_19 = arith.muli %mul3A_18, %add3A_17 : i32
      %mul3A_20 = arith.constant 200 : i32
      %mul3A_21 = arith.muli %mul3A_19, %mul3A_20 : i32
      %add3A_22 = arith.addi %mul3A_2, %mul3A_21 : i32
      %add3A_23 = arith.constant 200 : i32
      %add3A_24 = arith.addi %add3A_22, %add3A_23 : i32
      "tpu.region"() ({
        %run_scoped3A = tpu.sem_alloc : memref<!tpu.dma_semaphore, #tpu.memory_space<semaphore_mem>>
        %dma_start3A_53 = tpu.memref_slice %arg3[%add3A_22] : memref<160000xi32, #tpu.memory_space<hbm>> -> memref<200xi32, #tpu.memory_space<hbm>>
        %dma_start3A_54 = tpu.memref_slice %arg3[%add3A_22] : memref<160000xi32, #tpu.memory_space<hbm>> -> memref<200xi32, #tpu.memory_space<hbm>>
        tpu.enqueue_dma source(%dma_start3A_54 : memref<200xi32, #tpu.memory_space<hbm>>) target(%arg5 : memref<200xi32, #tpu.memory_space<vmem>>) target_semaphore(%run_scoped3A : memref<!tpu.dma_semaphore, #tpu.memory_space<semaphore_mem>>)
        %dma_wait3A_55 = tpu.memref_slice %arg3[%add3A_22] : memref<160000xi32, #tpu.memory_space<hbm>> -> memref<200xi32, #tpu.memory_space<hbm>>
        %dma_wait3A_56 = tpu.memref_slice %arg3[%add3A_22] : memref<160000xi32, #tpu.memory_space<hbm>> -> memref<200xi32, #tpu.memory_space<hbm>>
        tpu.wait_dma2 semaphore(%run_scoped3A : memref<!tpu.dma_semaphore, #tpu.memory_space<semaphore_mem>>) src(%dma_wait3A_56 : memref<200xi32, #tpu.memory_space<hbm>>) dst(%arg5 : memref<200xi32, #tpu.memory_space<vmem>>)
        tpu.yield
      }) : () -> ()
      %dma_start3A_25 = arith.constant 0 : i32
      %dma_start3A_26 = arith.constant 0 : i32
      %dma_start3A_27 = tpu.memref_slice %arg2[%dma_start3A_25, %dma_start3A_26] : memref<10000x128xf32, #tpu.memory_space<hbm>> -> memref<10000x128xf32, #tpu.memory_space<hbm>>
      tpu.enqueue_indirect_dma source(%dma_start3A_27 : memref<10000x128xf32, #tpu.memory_space<hbm>>) target(%arg7 : memref<200x128xf32, #tpu.memory_space<vmem>>) offsets(%arg5 : memref<200xi32, #tpu.memory_space<vmem>>) semaphore(%arg9 : memref<!tpu.dma_semaphore, #tpu.memory_space<semaphore_mem>>)
      "tpu.region"() ({
        %run_scoped3A = tpu.sem_alloc : memref<!tpu.dma_semaphore, #tpu.memory_space<semaphore_mem>>
        %dma_start3A_53 = tpu.memref_slice %arg3[%add3A_24] : memref<160000xi32, #tpu.memory_space<hbm>> -> memref<200xi32, #tpu.memory_space<hbm>>
        %dma_start3A_54 = tpu.memref_slice %arg3[%add3A_24] : memref<160000xi32, #tpu.memory_space<hbm>> -> memref<200xi32, #tpu.memory_space<hbm>>
        tpu.enqueue_dma source(%dma_start3A_54 : memref<200xi32, #tpu.memory_space<hbm>>) target(%arg6 : memref<200xi32, #tpu.memory_space<vmem>>) target_semaphore(%run_scoped3A : memref<!tpu.dma_semaphore, #tpu.memory_space<semaphore_mem>>)
        %dma_wait3A_55 = tpu.memref_slice %arg3[%add3A_24] : memref<160000xi32, #tpu.memory_space<hbm>> -> memref<200xi32, #tpu.memory_space<hbm>>
        %dma_wait3A_56 = tpu.memref_slice %arg3[%add3A_24] : memref<160000xi32, #tpu.memory_space<hbm>> -> memref<200xi32, #tpu.memory_space<hbm>>
        tpu.wait_dma2 semaphore(%run_scoped3A : memref<!tpu.dma_semaphore, #tpu.memory_space<semaphore_mem>>) src(%dma_wait3A_56 : memref<200xi32, #tpu.memory_space<hbm>>) dst(%arg6 : memref<200xi32, #tpu.memory_space<vmem>>)
        tpu.yield
      }) : () -> ()
      %dma_start3A_28 = arith.constant 0 : i32
      %dma_start3A_29 = arith.constant 0 : i32
      %dma_start3A_30 = tpu.memref_slice %arg2[%dma_start3A_28, %dma_start3A_29] : memref<10000x128xf32, #tpu.memory_space<hbm>> -> memref<10000x128xf32, #tpu.memory_space<hbm>>
      tpu.enqueue_indirect_dma source(%dma_start3A_30 : memref<10000x128xf32, #tpu.memory_space<hbm>>) target(%arg8 : memref<200x128xf32, #tpu.memory_space<vmem>>) offsets(%arg6 : memref<200xi32, #tpu.memory_space<vmem>>) semaphore(%arg10 : memref<!tpu.dma_semaphore, #tpu.memory_space<semaphore_mem>>)
      %dma_wait3A_31 = arith.constant 0 : i32
      %dma_wait3A_32 = arith.constant 0 : i32
      %dma_wait3A_33 = tpu.memref_slice %arg2[%dma_wait3A_31, %dma_wait3A_32] : memref<10000x128xf32, #tpu.memory_space<hbm>> -> memref<10000x128xf32, #tpu.memory_space<hbm>>
      tpu.wait_indirect_dma semaphore(%arg9 : memref<!tpu.dma_semaphore, #tpu.memory_space<semaphore_mem>>) src(%dma_wait3A_33 : memref<10000x128xf32, #tpu.memory_space<hbm>>) dst(%arg7 : memref<200x128xf32, #tpu.memory_space<vmem>>)
      %dma_start3A_34 = arith.constant 0 : i32
      %dma_start3A_35 = tpu.memref_slice %arg4[%add3A_22, %dma_start3A_34] : memref<160000x128xf32, #tpu.memory_space<hbm>> -> memref<200x128xf32, #tpu.memory_space<hbm>>
      %dma_start3A_36 = arith.constant 0 : i32
      %dma_start3A_37 = tpu.memref_slice %arg4[%add3A_22, %dma_start3A_36] : memref<160000x128xf32, #tpu.memory_space<hbm>> -> memref<200x128xf32, #tpu.memory_space<hbm>>
      tpu.enqueue_dma source(%arg7 : memref<200x128xf32, #tpu.memory_space<vmem>>) target(%dma_start3A_37 : memref<200x128xf32, #tpu.memory_space<hbm>>) target_semaphore(%arg11 : memref<!tpu.dma_semaphore, #tpu.memory_space<semaphore_mem>>)
      %dma_wait3A_38 = arith.constant 0 : i32
      %dma_wait3A_39 = arith.constant 0 : i32
      %dma_wait3A_40 = tpu.memref_slice %arg2[%dma_wait3A_38, %dma_wait3A_39] : memref<10000x128xf32, #tpu.memory_space<hbm>> -> memref<10000x128xf32, #tpu.memory_space<hbm>>
      tpu.wait_indirect_dma semaphore(%arg10 : memref<!tpu.dma_semaphore, #tpu.memory_space<semaphore_mem>>) src(%dma_wait3A_40 : memref<10000x128xf32, #tpu.memory_space<hbm>>) dst(%arg8 : memref<200x128xf32, #tpu.memory_space<vmem>>)
      %dma_start3A_41 = arith.constant 0 : i32
      %dma_start3A_42 = tpu.memref_slice %arg4[%add3A_24, %dma_start3A_41] : memref<160000x128xf32, #tpu.memory_space<hbm>> -> memref<200x128xf32, #tpu.memory_space<hbm>>
      %dma_start3A_43 = arith.constant 0 : i32
      %dma_start3A_44 = tpu.memref_slice %arg4[%add3A_24, %dma_start3A_43] : memref<160000x128xf32, #tpu.memory_space<hbm>> -> memref<200x128xf32, #tpu.memory_space<hbm>>
      tpu.enqueue_dma source(%arg8 : memref<200x128xf32, #tpu.memory_space<vmem>>) target(%dma_start3A_44 : memref<200x128xf32, #tpu.memory_space<hbm>>) target_semaphore(%arg12 : memref<!tpu.dma_semaphore, #tpu.memory_space<semaphore_mem>>)
      %dma_wait3A_45 = arith.constant 0 : i32
      %dma_wait3A_46 = tpu.memref_slice %arg4[%add3A_22, %dma_wait3A_45] : memref<160000x128xf32, #tpu.memory_space<hbm>> -> memref<200x128xf32, #tpu.memory_space<hbm>>
      %dma_wait3A_47 = arith.constant 0 : i32
      %dma_wait3A_48 = tpu.memref_slice %arg4[%add3A_22, %dma_wait3A_47] : memref<160000x128xf32, #tpu.memory_space<hbm>> -> memref<200x128xf32, #tpu.memory_space<hbm>>
      tpu.wait_dma2 semaphore(%arg11 : memref<!tpu.dma_semaphore, #tpu.memory_space<semaphore_mem>>) src(%arg7 : memref<200x128xf32, #tpu.memory_space<vmem>>) dst(%dma_wait3A_48 : memref<200x128xf32, #tpu.memory_space<hbm>>)
      %dma_wait3A_49 = arith.constant 0 : i32
      %dma_wait3A_50 = tpu.memref_slice %arg4[%add3A_24, %dma_wait3A_49] : memref<160000x128xf32, #tpu.memory_space<hbm>> -> memref<200x128xf32, #tpu.memory_space<hbm>>
      %dma_wait3A_51 = arith.constant 0 : i32
      %dma_wait3A_52 = tpu.memref_slice %arg4[%add3A_24, %dma_wait3A_51] : memref<160000x128xf32, #tpu.memory_space<hbm>> -> memref<200x128xf32, #tpu.memory_space<hbm>>
      tpu.wait_dma2 semaphore(%arg12 : memref<!tpu.dma_semaphore, #tpu.memory_space<semaphore_mem>>) src(%arg8 : memref<200x128xf32, #tpu.memory_space<vmem>>) dst(%dma_wait3A_52 : memref<200x128xf32, #tpu.memory_space<hbm>>)
    }
    %scan3A_6 = arith.constant 12 : i32
    %add3A_7 = arith.constant 4800 : i32
    %add3A_8 = arith.addi %mul3A_2, %add3A_7 : i32
    "tpu.region"() ({
      %run_scoped3A = tpu.sem_alloc : memref<!tpu.dma_semaphore, #tpu.memory_space<semaphore_mem>>
      %dma_start3A_13 = tpu.memref_slice %arg3[%add3A_8] : memref<160000xi32, #tpu.memory_space<hbm>> -> memref<200xi32, #tpu.memory_space<hbm>>
      %dma_start3A_14 = tpu.memref_slice %arg3[%add3A_8] : memref<160000xi32, #tpu.memory_space<hbm>> -> memref<200xi32, #tpu.memory_space<hbm>>
      tpu.enqueue_dma source(%dma_start3A_14 : memref<200xi32, #tpu.memory_space<hbm>>) target(%arg5 : memref<200xi32, #tpu.memory_space<vmem>>) target_semaphore(%run_scoped3A : memref<!tpu.dma_semaphore, #tpu.memory_space<semaphore_mem>>)
      %dma_wait3A_15 = tpu.memref_slice %arg3[%add3A_8] : memref<160000xi32, #tpu.memory_space<hbm>> -> memref<200xi32, #tpu.memory_space<hbm>>
      %dma_wait3A_16 = tpu.memref_slice %arg3[%add3A_8] : memref<160000xi32, #tpu.memory_space<hbm>> -> memref<200xi32, #tpu.memory_space<hbm>>
      tpu.wait_dma2 semaphore(%run_scoped3A : memref<!tpu.dma_semaphore, #tpu.memory_space<semaphore_mem>>) src(%dma_wait3A_16 : memref<200xi32, #tpu.memory_space<hbm>>) dst(%arg5 : memref<200xi32, #tpu.memory_space<vmem>>)
      tpu.yield
    }) : () -> ()
    %dma_start3A = arith.constant 0 : i32
    %dma_start3A_9 = arith.constant 0 : i32
    %dma_start3A_10 = tpu.memref_slice %arg2[%dma_start3A, %dma_start3A_9] : memref<10000x128xf32, #tpu.memory_space<hbm>> -> memref<10000x128xf32, #tpu.memory_space<hbm>>
    tpu.enqueue_indirect_dma source(%dma_start3A_10 : memref<10000x128xf32, #tpu.memory_space<hbm>>) target(%arg7 : memref<200x128xf32, #tpu.memory_space<vmem>>) offsets(%arg5 : memref<200xi32, #tpu.memory_space<vmem>>) semaphore(%arg9 : memref<!tpu.dma_semaphore, #tpu.memory_space<semaphore_mem>>)
    %dma_wait3A = arith.constant 0 : i32
    %dma_wait3A_11 = arith.constant 0 : i32
    %dma_wait3A_12 = tpu.memref_slice %arg2[%dma_wait3A, %dma_wait3A_11] : memref<10000x128xf32, #tpu.memory_space<hbm>> -> memref<10000x128xf32, #tpu.memory_space<hbm>>
    tpu.wait_indirect_dma semaphore(%arg9 : memref<!tpu.dma_semaphore, #tpu.memory_space<semaphore_mem>>) src(%dma_wait3A_12 : memref<10000x128xf32, #tpu.memory_space<hbm>>) dst(%arg7 : memref<200x128xf32, #tpu.memory_space<vmem>>)
    "tpu.region"() ({
      %run_scoped3A = tpu.sem_alloc : memref<!tpu.dma_semaphore, #tpu.memory_space<semaphore_mem>>
      %dma_start3A_13 = arith.constant 0 : i32
      %dma_start3A_14 = tpu.memref_slice %arg4[%add3A_8, %dma_start3A_13] : memref<160000x128xf32, #tpu.memory_space<hbm>> -> memref<200x128xf32, #tpu.memory_space<hbm>>
      %dma_start3A_15 = arith.constant 0 : i32
      %dma_start3A_16 = tpu.memref_slice %arg4[%add3A_8, %dma_start3A_15] : memref<160000x128xf32, #tpu.memory_space<hbm>> -> memref<200x128xf32, #tpu.memory_space<hbm>>
      tpu.enqueue_dma source(%arg7 : memref<200x128xf32, #tpu.memory_space<vmem>>) target(%dma_start3A_16 : memref<200x128xf32, #tpu.memory_space<hbm>>) target_semaphore(%run_scoped3A : memref<!tpu.dma_semaphore, #tpu.memory_space<semaphore_mem>>)
      %dma_wait3A_17 = arith.constant 0 : i32
      %dma_wait3A_18 = tpu.memref_slice %arg4[%add3A_8, %dma_wait3A_17] : memref<160000x128xf32, #tpu.memory_space<hbm>> -> memref<200x128xf32, #tpu.memory_space<hbm>>
      %dma_wait3A_19 = arith.constant 0 : i32
      %dma_wait3A_20 = tpu.memref_slice %arg4[%add3A_8, %dma_wait3A_19] : memref<160000x128xf32, #tpu.memory_space<hbm>> -> memref<200x128xf32, #tpu.memory_space<hbm>>
      tpu.wait_dma2 semaphore(%run_scoped3A : memref<!tpu.dma_semaphore, #tpu.memory_space<semaphore_mem>>) src(%arg7 : memref<200x128xf32, #tpu.memory_space<vmem>>) dst(%dma_wait3A_20 : memref<200x128xf32, #tpu.memory_space<hbm>>)
      tpu.yield
    }) : () -> ()
    return
  }
}

#map = affine_map<(d0, d1) -> (0, 0)>
#map1 = affine_map<(d0, d1) -> (0)>
module attributes {stable_mosaic.version = 14 : i64} {
  func.func @gk(%arg0: i32, %arg1: i32, %arg2: memref<10000x128xf32, #tpu.memory_space<hbm>>, %arg3: memref<160000xi32, #tpu.memory_space<hbm>>, %arg4: memref<160000x128xf32, #tpu.memory_space<hbm>>, %arg5: memref<200xi32, #tpu.memory_space<vmem>>, %arg6: memref<200xi32, #tpu.memory_space<vmem>>, %arg7: memref<200x128xf32, #tpu.memory_space<vmem>>, %arg8: memref<200x128xf32, #tpu.memory_space<vmem>>, %arg9: memref<!tpu.dma_semaphore, #tpu.memory_space<semaphore_mem>>, %arg10: memref<!tpu.dma_semaphore, #tpu.memory_space<semaphore_mem>>, %arg11: memref<!tpu.dma_semaphore, #tpu.memory_space<semaphore_mem>>, %arg12: memref<!tpu.dma_semaphore, #tpu.memory_space<semaphore_mem>>) attributes {dimension_semantics = [#tpu.dimension_semantics<core_parallel>, #tpu.dimension_semantics<subcore_parallel>], iteration_bounds = array<i64: 2, 16>, scalar_prefetch = 0 : i64, scratch_operands = 8 : i64, tpu.core_type = #tpu.core_type<sc_vector_subcore>, window_params = [{transform_indices = #map}, {transform_indices = #map1}, {transform_indices = #map}]} {
    %mul3A = arith.constant 2 : i32
    %mul3A_0 = arith.muli %arg1, %mul3A : i32
    %add3A = arith.addi %mul3A_0, %arg0 : i32
    %mul3A_1 = arith.constant 5000 : i32
    %mul3A_2 = arith.muli %add3A, %mul3A_1 : i32
    %scan3A = arith.constant 0 : i32
    %scan3A_3 = arith.constant 12 : i32
    %scan3A_4 = arith.addi %scan3A, %scan3A_3 : i32
    %scan3A_5 = arith.constant 1 : i32
    scf.for %scan3A_13 = %scan3A to %scan3A_4 step %scan3A_5  : i32 {
      %mul3A_14 = arith.constant 1 : i32
      %mul3A_15 = arith.muli %scan3A_13, %mul3A_14 : i32
      %add3A_16 = arith.constant 0 : i32
      %add3A_17 = arith.addi %add3A_16, %mul3A_15 : i32
      %mul3A_18 = arith.constant 2 : i32
      %mul3A_19 = arith.muli %mul3A_18, %add3A_17 : i32
      %mul3A_20 = arith.constant 200 : i32
      %mul3A_21 = arith.muli %mul3A_19, %mul3A_20 : i32
      %add3A_22 = arith.addi %mul3A_2, %mul3A_21 : i32
      %add3A_23 = arith.constant 200 : i32
      %add3A_24 = arith.addi %add3A_22, %add3A_23 : i32
      "tpu.region"() ({
        %run_scoped3A = tpu.sem_alloc : memref<!tpu.dma_semaphore, #tpu.memory_space<semaphore_mem>>
        %dma_start3A_53 = tpu.memref_slice %arg3[%add3A_22] : memref<160000xi32, #tpu.memory_space<hbm>> -> memref<200xi32, #tpu.memory_space<hbm>>
        %dma_start3A_54 = tpu.memref_slice %arg3[%add3A_22] : memref<160000xi32, #tpu.memory_space<hbm>> -> memref<200xi32, #tpu.memory_space<hbm>>
        tpu.enqueue_dma source(%dma_start3A_54 : memref<200xi32, #tpu.memory_space<hbm>>) target(%arg5 : memref<200xi32, #tpu.memory_space<vmem>>) target_semaphore(%run_scoped3A : memref<!tpu.dma_semaphore, #tpu.memory_space<semaphore_mem>>)
        %dma_wait3A_55 = tpu.memref_slice %arg3[%add3A_22] : memref<160000xi32, #tpu.memory_space<hbm>> -> memref<200xi32, #tpu.memory_space<hbm>>
        %dma_wait3A_56 = tpu.memref_slice %arg3[%add3A_22] : memref<160000xi32, #tpu.memory_space<hbm>> -> memref<200xi32, #tpu.memory_space<hbm>>
        tpu.wait_dma2 semaphore(%run_scoped3A : memref<!tpu.dma_semaphore, #tpu.memory_space<semaphore_mem>>) src(%dma_wait3A_56 : memref<200xi32, #tpu.memory_space<hbm>>) dst(%arg5 : memref<200xi32, #tpu.memory_space<vmem>>)
        tpu.yield
      }) : () -> ()
      %dma_start3A_25 = arith.constant 0 : i32
      %dma_start3A_26 = arith.constant 0 : i32
      %dma_start3A_27 = tpu.memref_slice %arg2[%dma_start3A_25, %dma_start3A_26] : memref<10000x128xf32, #tpu.memory_space<hbm>> -> memref<10000x128xf32, #tpu.memory_space<hbm>>
      tpu.enqueue_indirect_dma source(%dma_start3A_27 : memref<10000x128xf32, #tpu.memory_space<hbm>>) target(%arg7 : memref<200x128xf32, #tpu.memory_space<vmem>>) offsets(%arg5 : memref<200xi32, #tpu.memory_space<vmem>>) semaphore(%arg9 : memref<!tpu.dma_semaphore, #tpu.memory_space<semaphore_mem>>)
      "tpu.region"() ({
        %run_scoped3A = tpu.sem_alloc : memref<!tpu.dma_semaphore, #tpu.memory_space<semaphore_mem>>
        %dma_start3A_53 = tpu.memref_slice %arg3[%add3A_24] : memref<160000xi32, #tpu.memory_space<hbm>> -> memref<200xi32, #tpu.memory_space<hbm>>
        %dma_start3A_54 = tpu.memref_slice %arg3[%add3A_24] : memref<160000xi32, #tpu.memory_space<hbm>> -> memref<200xi32, #tpu.memory_space<hbm>>
        tpu.enqueue_dma source(%dma_start3A_54 : memref<200xi32, #tpu.memory_space<hbm>>) target(%arg6 : memref<200xi32, #tpu.memory_space<vmem>>) target_semaphore(%run_scoped3A : memref<!tpu.dma_semaphore, #tpu.memory_space<semaphore_mem>>)
        %dma_wait3A_55 = tpu.memref_slice %arg3[%add3A_24] : memref<160000xi32, #tpu.memory_space<hbm>> -> memref<200xi32, #tpu.memory_space<hbm>>
        %dma_wait3A_56 = tpu.memref_slice %arg3[%add3A_24] : memref<160000xi32, #tpu.memory_space<hbm>> -> memref<200xi32, #tpu.memory_space<hbm>>
        tpu.wait_dma2 semaphore(%run_scoped3A : memref<!tpu.dma_semaphore, #tpu.memory_space<semaphore_mem>>) src(%dma_wait3A_56 : memref<200xi32, #tpu.memory_space<hbm>>) dst(%arg6 : memref<200xi32, #tpu.memory_space<vmem>>)
        tpu.yield
      }) : () -> ()
      %dma_start3A_28 = arith.constant 0 : i32
      %dma_start3A_29 = arith.constant 0 : i32
      %dma_start3A_30 = tpu.memref_slice %arg2[%dma_start3A_28, %dma_start3A_29] : memref<10000x128xf32, #tpu.memory_space<hbm>> -> memref<10000x128xf32, #tpu.memory_space<hbm>>
      tpu.enqueue_indirect_dma source(%dma_start3A_30 : memref<10000x128xf32, #tpu.memory_space<hbm>>) target(%arg8 : memref<200x128xf32, #tpu.memory_space<vmem>>) offsets(%arg6 : memref<200xi32, #tpu.memory_space<vmem>>) semaphore(%arg10 : memref<!tpu.dma_semaphore, #tpu.memory_space<semaphore_mem>>)
      %dma_wait3A_31 = arith.constant 0 : i32
      %dma_wait3A_32 = arith.constant 0 : i32
      %dma_wait3A_33 = tpu.memref_slice %arg2[%dma_wait3A_31, %dma_wait3A_32] : memref<10000x128xf32, #tpu.memory_space<hbm>> -> memref<10000x128xf32, #tpu.memory_space<hbm>>
      tpu.wait_indirect_dma semaphore(%arg9 : memref<!tpu.dma_semaphore, #tpu.memory_space<semaphore_mem>>) src(%dma_wait3A_33 : memref<10000x128xf32, #tpu.memory_space<hbm>>) dst(%arg7 : memref<200x128xf32, #tpu.memory_space<vmem>>)
      %dma_start3A_34 = arith.constant 0 : i32
      %dma_start3A_35 = tpu.memref_slice %arg4[%add3A_22, %dma_start3A_34] : memref<160000x128xf32, #tpu.memory_space<hbm>> -> memref<200x128xf32, #tpu.memory_space<hbm>>
      %dma_start3A_36 = arith.constant 0 : i32
      %dma_start3A_37 = tpu.memref_slice %arg4[%add3A_22, %dma_start3A_36] : memref<160000x128xf32, #tpu.memory_space<hbm>> -> memref<200x128xf32, #tpu.memory_space<hbm>>
      tpu.enqueue_dma source(%arg7 : memref<200x128xf32, #tpu.memory_space<vmem>>) target(%dma_start3A_37 : memref<200x128xf32, #tpu.memory_space<hbm>>) target_semaphore(%arg11 : memref<!tpu.dma_semaphore, #tpu.memory_space<semaphore_mem>>)
      %dma_wait3A_38 = arith.constant 0 : i32
      %dma_wait3A_39 = arith.constant 0 : i32
      %dma_wait3A_40 = tpu.memref_slice %arg2[%dma_wait3A_38, %dma_wait3A_39] : memref<10000x128xf32, #tpu.memory_space<hbm>> -> memref<10000x128xf32, #tpu.memory_space<hbm>>
      tpu.wait_indirect_dma semaphore(%arg10 : memref<!tpu.dma_semaphore, #tpu.memory_space<semaphore_mem>>) src(%dma_wait3A_40 : memref<10000x128xf32, #tpu.memory_space<hbm>>) dst(%arg8 : memref<200x128xf32, #tpu.memory_space<vmem>>)
      %dma_start3A_41 = arith.constant 0 : i32
      %dma_start3A_42 = tpu.memref_slice %arg4[%add3A_24, %dma_start3A_41] : memref<160000x128xf32, #tpu.memory_space<hbm>> -> memref<200x128xf32, #tpu.memory_space<hbm>>
      %dma_start3A_43 = arith.constant 0 : i32
      %dma_start3A_44 = tpu.memref_slice %arg4[%add3A_24, %dma_start3A_43] : memref<160000x128xf32, #tpu.memory_space<hbm>> -> memref<200x128xf32, #tpu.memory_space<hbm>>
      tpu.enqueue_dma source(%arg8 : memref<200x128xf32, #tpu.memory_space<vmem>>) target(%dma_start3A_44 : memref<200x128xf32, #tpu.memory_space<hbm>>) target_semaphore(%arg12 : memref<!tpu.dma_semaphore, #tpu.memory_space<semaphore_mem>>)
      %dma_wait3A_45 = arith.constant 0 : i32
      %dma_wait3A_46 = tpu.memref_slice %arg4[%add3A_22, %dma_wait3A_45] : memref<160000x128xf32, #tpu.memory_space<hbm>> -> memref<200x128xf32, #tpu.memory_space<hbm>>
      %dma_wait3A_47 = arith.constant 0 : i32
      %dma_wait3A_48 = tpu.memref_slice %arg4[%add3A_22, %dma_wait3A_47] : memref<160000x128xf32, #tpu.memory_space<hbm>> -> memref<200x128xf32, #tpu.memory_space<hbm>>
      tpu.wait_dma2 semaphore(%arg11 : memref<!tpu.dma_semaphore, #tpu.memory_space<semaphore_mem>>) src(%arg7 : memref<200x128xf32, #tpu.memory_space<vmem>>) dst(%dma_wait3A_48 : memref<200x128xf32, #tpu.memory_space<hbm>>)
      %dma_wait3A_49 = arith.constant 0 : i32
      %dma_wait3A_50 = tpu.memref_slice %arg4[%add3A_24, %dma_wait3A_49] : memref<160000x128xf32, #tpu.memory_space<hbm>> -> memref<200x128xf32, #tpu.memory_space<hbm>>
      %dma_wait3A_51 = arith.constant 0 : i32
      %dma_wait3A_52 = tpu.memref_slice %arg4[%add3A_24, %dma_wait3A_51] : memref<160000x128xf32, #tpu.memory_space<hbm>> -> memref<200x128xf32, #tpu.memory_space<hbm>>
      tpu.wait_dma2 semaphore(%arg12 : memref<!tpu.dma_semaphore, #tpu.memory_space<semaphore_mem>>) src(%arg8 : memref<200x128xf32, #tpu.memory_space<vmem>>) dst(%dma_wait3A_52 : memref<200x128xf32, #tpu.memory_space<hbm>>)
    }
    %scan3A_6 = arith.constant 12 : i32
    %add3A_7 = arith.constant 4800 : i32
    %add3A_8 = arith.addi %mul3A_2, %add3A_7 : i32
    "tpu.region"() ({
      %run_scoped3A = tpu.sem_alloc : memref<!tpu.dma_semaphore, #tpu.memory_space<semaphore_mem>>
      %dma_start3A_13 = tpu.memref_slice %arg3[%add3A_8] : memref<160000xi32, #tpu.memory_space<hbm>> -> memref<200xi32, #tpu.memory_space<hbm>>
      %dma_start3A_14 = tpu.memref_slice %arg3[%add3A_8] : memref<160000xi32, #tpu.memory_space<hbm>> -> memref<200xi32, #tpu.memory_space<hbm>>
      tpu.enqueue_dma source(%dma_start3A_14 : memref<200xi32, #tpu.memory_space<hbm>>) target(%arg5 : memref<200xi32, #tpu.memory_space<vmem>>) target_semaphore(%run_scoped3A : memref<!tpu.dma_semaphore, #tpu.memory_space<semaphore_mem>>)
      %dma_wait3A_15 = tpu.memref_slice %arg3[%add3A_8] : memref<160000xi32, #tpu.memory_space<hbm>> -> memref<200xi32, #tpu.memory_space<hbm>>
      %dma_wait3A_16 = tpu.memref_slice %arg3[%add3A_8] : memref<160000xi32, #tpu.memory_space<hbm>> -> memref<200xi32, #tpu.memory_space<hbm>>
      tpu.wait_dma2 semaphore(%run_scoped3A : memref<!tpu.dma_semaphore, #tpu.memory_space<semaphore_mem>>) src(%dma_wait3A_16 : memref<200xi32, #tpu.memory_space<hbm>>) dst(%arg5 : memref<200xi32, #tpu.memory_space<vmem>>)
      tpu.yield
    }) : () -> ()
    %dma_start3A = arith.constant 0 : i32
    %dma_start3A_9 = arith.constant 0 : i32
    %dma_start3A_10 = tpu.memref_slice %arg2[%dma_start3A, %dma_start3A_9] : memref<10000x128xf32, #tpu.memory_space<hbm>> -> memref<10000x128xf32, #tpu.memory_space<hbm>>
    tpu.enqueue_indirect_dma source(%dma_start3A_10 : memref<10000x128xf32, #tpu.memory_space<hbm>>) target(%arg7 : memref<200x128xf32, #tpu.memory_space<vmem>>) offsets(%arg5 : memref<200xi32, #tpu.memory_space<vmem>>) semaphore(%arg9 : memref<!tpu.dma_semaphore, #tpu.memory_space<semaphore_mem>>)
    %dma_wait3A = arith.constant 0 : i32
    %dma_wait3A_11 = arith.constant 0 : i32
    %dma_wait3A_12 = tpu.memref_slice %arg2[%dma_wait3A, %dma_wait3A_11] : memref<10000x128xf32, #tpu.memory_space<hbm>> -> memref<10000x128xf32, #tpu.memory_space<hbm>>
    tpu.wait_indirect_dma semaphore(%arg9 : memref<!tpu.dma_semaphore, #tpu.memory_space<semaphore_mem>>) src(%dma_wait3A_12 : memref<10000x128xf32, #tpu.memory_space<hbm>>) dst(%arg7 : memref<200x128xf32, #tpu.memory_space<vmem>>)
    "tpu.region"() ({
      %run_scoped3A = tpu.sem_alloc : memref<!tpu.dma_semaphore, #tpu.memory_space<semaphore_mem>>
      %dma_start3A_13 = arith.constant 0 : i32
      %dma_start3A_14 = tpu.memref_slice %arg4[%add3A_8, %dma_start3A_13] : memref<160000x128xf32, #tpu.memory_space<hbm>> -> memref<200x128xf32, #tpu.memory_space<hbm>>
      %dma_start3A_15 = arith.constant 0 : i32
      %dma_start3A_16 = tpu.memref_slice %arg4[%add3A_8, %dma_start3A_15] : memref<160000x128xf32, #tpu.memory_space<hbm>> -> memref<200x128xf32, #tpu.memory_space<hbm>>
      tpu.enqueue_dma source(%arg7 : memref<200x128xf32, #tpu.memory_space<vmem>>) target(%dma_start3A_16 : memref<200x128xf32, #tpu.memory_space<hbm>>) target_semaphore(%run_scoped3A : memref<!tpu.dma_semaphore, #tpu.memory_space<semaphore_mem>>)
      %dma_wait3A_17 = arith.constant 0 : i32
      %dma_wait3A_18 = tpu.memref_slice %arg4[%add3A_8, %dma_wait3A_17] : memref<160000x128xf32, #tpu.memory_space<hbm>> -> memref<200x128xf32, #tpu.memory_space<hbm>>
      %dma_wait3A_19 = arith.constant 0 : i32
      %dma_wait3A_20 = tpu.memref_slice %arg4[%add3A_8, %dma_wait3A_19] : memref<160000x128xf32, #tpu.memory_space<hbm>> -> memref<200x128xf32, #tpu.memory_space<hbm>>
      tpu.wait_dma2 semaphore(%run_scoped3A : memref<!tpu.dma_semaphore, #tpu.memory_space<semaphore_mem>>) src(%arg7 : memref<200x128xf32, #tpu.memory_space<vmem>>) dst(%dma_wait3A_20 : memref<200x128xf32, #tpu.memory_space<hbm>>)
      tpu.yield
    }) : () -> ()
    return
  }
}

#map = affine_map<(d0, d1) -> (0, 0)>
#map1 = affine_map<(d0, d1) -> (0)>
module attributes {stable_mosaic.version = 14 : i64} {
  func.func @gk(%arg0: i32, %arg1: i32, %arg2: memref<10000x128xf32, #tpu.memory_space<hbm>>, %arg3: memref<160000xi32, #tpu.memory_space<hbm>>, %arg4: memref<160000x128xf32, #tpu.memory_space<hbm>>, %arg5: memref<200xi32, #tpu.memory_space<vmem>>, %arg6: memref<200xi32, #tpu.memory_space<vmem>>, %arg7: memref<200x128xf32, #tpu.memory_space<vmem>>, %arg8: memref<200x128xf32, #tpu.memory_space<vmem>>, %arg9: memref<!tpu.dma_semaphore, #tpu.memory_space<semaphore_mem>>, %arg10: memref<!tpu.dma_semaphore, #tpu.memory_space<semaphore_mem>>, %arg11: memref<!tpu.dma_semaphore, #tpu.memory_space<semaphore_mem>>, %arg12: memref<!tpu.dma_semaphore, #tpu.memory_space<semaphore_mem>>) attributes {dimension_semantics = [#tpu.dimension_semantics<core_parallel>, #tpu.dimension_semantics<subcore_parallel>], iteration_bounds = array<i64: 2, 16>, scalar_prefetch = 0 : i64, scratch_operands = 8 : i64, tpu.core_type = #tpu.core_type<sc_vector_subcore>, window_params = [{transform_indices = #map}, {transform_indices = #map1}, {transform_indices = #map}]} {
    %mul3A = arith.constant 2 : i32
    %mul3A_0 = arith.muli %arg1, %mul3A : i32
    %add3A = arith.addi %mul3A_0, %arg0 : i32
    %mul3A_1 = arith.constant 5000 : i32
    %mul3A_2 = arith.muli %add3A, %mul3A_1 : i32
    %scan3A = arith.constant 0 : i32
    %scan3A_3 = arith.constant 12 : i32
    %scan3A_4 = arith.addi %scan3A, %scan3A_3 : i32
    %scan3A_5 = arith.constant 1 : i32
    scf.for %scan3A_13 = %scan3A to %scan3A_4 step %scan3A_5  : i32 {
      %mul3A_14 = arith.constant 1 : i32
      %mul3A_15 = arith.muli %scan3A_13, %mul3A_14 : i32
      %add3A_16 = arith.constant 0 : i32
      %add3A_17 = arith.addi %add3A_16, %mul3A_15 : i32
      %mul3A_18 = arith.constant 2 : i32
      %mul3A_19 = arith.muli %mul3A_18, %add3A_17 : i32
      %mul3A_20 = arith.constant 200 : i32
      %mul3A_21 = arith.muli %mul3A_19, %mul3A_20 : i32
      %add3A_22 = arith.addi %mul3A_2, %mul3A_21 : i32
      %add3A_23 = arith.constant 200 : i32
      %add3A_24 = arith.addi %add3A_22, %add3A_23 : i32
      "tpu.region"() ({
        %run_scoped3A = tpu.sem_alloc : memref<!tpu.dma_semaphore, #tpu.memory_space<semaphore_mem>>
        %dma_start3A_53 = tpu.memref_slice %arg3[%add3A_22] : memref<160000xi32, #tpu.memory_space<hbm>> -> memref<200xi32, #tpu.memory_space<hbm>>
        %dma_start3A_54 = tpu.memref_slice %arg3[%add3A_22] : memref<160000xi32, #tpu.memory_space<hbm>> -> memref<200xi32, #tpu.memory_space<hbm>>
        tpu.enqueue_dma source(%dma_start3A_54 : memref<200xi32, #tpu.memory_space<hbm>>) target(%arg5 : memref<200xi32, #tpu.memory_space<vmem>>) target_semaphore(%run_scoped3A : memref<!tpu.dma_semaphore, #tpu.memory_space<semaphore_mem>>)
        %dma_wait3A_55 = tpu.memref_slice %arg3[%add3A_22] : memref<160000xi32, #tpu.memory_space<hbm>> -> memref<200xi32, #tpu.memory_space<hbm>>
        %dma_wait3A_56 = tpu.memref_slice %arg3[%add3A_22] : memref<160000xi32, #tpu.memory_space<hbm>> -> memref<200xi32, #tpu.memory_space<hbm>>
        tpu.wait_dma2 semaphore(%run_scoped3A : memref<!tpu.dma_semaphore, #tpu.memory_space<semaphore_mem>>) src(%dma_wait3A_56 : memref<200xi32, #tpu.memory_space<hbm>>) dst(%arg5 : memref<200xi32, #tpu.memory_space<vmem>>)
        tpu.yield
      }) : () -> ()
      %dma_start3A_25 = arith.constant 0 : i32
      %dma_start3A_26 = arith.constant 0 : i32
      %dma_start3A_27 = tpu.memref_slice %arg2[%dma_start3A_25, %dma_start3A_26] : memref<10000x128xf32, #tpu.memory_space<hbm>> -> memref<10000x128xf32, #tpu.memory_space<hbm>>
      tpu.enqueue_indirect_dma source(%dma_start3A_27 : memref<10000x128xf32, #tpu.memory_space<hbm>>) target(%arg7 : memref<200x128xf32, #tpu.memory_space<vmem>>) offsets(%arg5 : memref<200xi32, #tpu.memory_space<vmem>>) semaphore(%arg9 : memref<!tpu.dma_semaphore, #tpu.memory_space<semaphore_mem>>)
      "tpu.region"() ({
        %run_scoped3A = tpu.sem_alloc : memref<!tpu.dma_semaphore, #tpu.memory_space<semaphore_mem>>
        %dma_start3A_53 = tpu.memref_slice %arg3[%add3A_24] : memref<160000xi32, #tpu.memory_space<hbm>> -> memref<200xi32, #tpu.memory_space<hbm>>
        %dma_start3A_54 = tpu.memref_slice %arg3[%add3A_24] : memref<160000xi32, #tpu.memory_space<hbm>> -> memref<200xi32, #tpu.memory_space<hbm>>
        tpu.enqueue_dma source(%dma_start3A_54 : memref<200xi32, #tpu.memory_space<hbm>>) target(%arg6 : memref<200xi32, #tpu.memory_space<vmem>>) target_semaphore(%run_scoped3A : memref<!tpu.dma_semaphore, #tpu.memory_space<semaphore_mem>>)
        %dma_wait3A_55 = tpu.memref_slice %arg3[%add3A_24] : memref<160000xi32, #tpu.memory_space<hbm>> -> memref<200xi32, #tpu.memory_space<hbm>>
        %dma_wait3A_56 = tpu.memref_slice %arg3[%add3A_24] : memref<160000xi32, #tpu.memory_space<hbm>> -> memref<200xi32, #tpu.memory_space<hbm>>
        tpu.wait_dma2 semaphore(%run_scoped3A : memref<!tpu.dma_semaphore, #tpu.memory_space<semaphore_mem>>) src(%dma_wait3A_56 : memref<200xi32, #tpu.memory_space<hbm>>) dst(%arg6 : memref<200xi32, #tpu.memory_space<vmem>>)
        tpu.yield
      }) : () -> ()
      %dma_start3A_28 = arith.constant 0 : i32
      %dma_start3A_29 = arith.constant 0 : i32
      %dma_start3A_30 = tpu.memref_slice %arg2[%dma_start3A_28, %dma_start3A_29] : memref<10000x128xf32, #tpu.memory_space<hbm>> -> memref<10000x128xf32, #tpu.memory_space<hbm>>
      tpu.enqueue_indirect_dma source(%dma_start3A_30 : memref<10000x128xf32, #tpu.memory_space<hbm>>) target(%arg8 : memref<200x128xf32, #tpu.memory_space<vmem>>) offsets(%arg6 : memref<200xi32, #tpu.memory_space<vmem>>) semaphore(%arg10 : memref<!tpu.dma_semaphore, #tpu.memory_space<semaphore_mem>>)
      %dma_wait3A_31 = arith.constant 0 : i32
      %dma_wait3A_32 = arith.constant 0 : i32
      %dma_wait3A_33 = tpu.memref_slice %arg2[%dma_wait3A_31, %dma_wait3A_32] : memref<10000x128xf32, #tpu.memory_space<hbm>> -> memref<10000x128xf32, #tpu.memory_space<hbm>>
      tpu.wait_indirect_dma semaphore(%arg9 : memref<!tpu.dma_semaphore, #tpu.memory_space<semaphore_mem>>) src(%dma_wait3A_33 : memref<10000x128xf32, #tpu.memory_space<hbm>>) dst(%arg7 : memref<200x128xf32, #tpu.memory_space<vmem>>)
      %dma_start3A_34 = arith.constant 0 : i32
      %dma_start3A_35 = tpu.memref_slice %arg4[%add3A_22, %dma_start3A_34] : memref<160000x128xf32, #tpu.memory_space<hbm>> -> memref<200x128xf32, #tpu.memory_space<hbm>>
      %dma_start3A_36 = arith.constant 0 : i32
      %dma_start3A_37 = tpu.memref_slice %arg4[%add3A_22, %dma_start3A_36] : memref<160000x128xf32, #tpu.memory_space<hbm>> -> memref<200x128xf32, #tpu.memory_space<hbm>>
      tpu.enqueue_dma source(%arg7 : memref<200x128xf32, #tpu.memory_space<vmem>>) target(%dma_start3A_37 : memref<200x128xf32, #tpu.memory_space<hbm>>) target_semaphore(%arg11 : memref<!tpu.dma_semaphore, #tpu.memory_space<semaphore_mem>>)
      %dma_wait3A_38 = arith.constant 0 : i32
      %dma_wait3A_39 = arith.constant 0 : i32
      %dma_wait3A_40 = tpu.memref_slice %arg2[%dma_wait3A_38, %dma_wait3A_39] : memref<10000x128xf32, #tpu.memory_space<hbm>> -> memref<10000x128xf32, #tpu.memory_space<hbm>>
      tpu.wait_indirect_dma semaphore(%arg10 : memref<!tpu.dma_semaphore, #tpu.memory_space<semaphore_mem>>) src(%dma_wait3A_40 : memref<10000x128xf32, #tpu.memory_space<hbm>>) dst(%arg8 : memref<200x128xf32, #tpu.memory_space<vmem>>)
      %dma_start3A_41 = arith.constant 0 : i32
      %dma_start3A_42 = tpu.memref_slice %arg4[%add3A_24, %dma_start3A_41] : memref<160000x128xf32, #tpu.memory_space<hbm>> -> memref<200x128xf32, #tpu.memory_space<hbm>>
      %dma_start3A_43 = arith.constant 0 : i32
      %dma_start3A_44 = tpu.memref_slice %arg4[%add3A_24, %dma_start3A_43] : memref<160000x128xf32, #tpu.memory_space<hbm>> -> memref<200x128xf32, #tpu.memory_space<hbm>>
      tpu.enqueue_dma source(%arg8 : memref<200x128xf32, #tpu.memory_space<vmem>>) target(%dma_start3A_44 : memref<200x128xf32, #tpu.memory_space<hbm>>) target_semaphore(%arg12 : memref<!tpu.dma_semaphore, #tpu.memory_space<semaphore_mem>>)
      %dma_wait3A_45 = arith.constant 0 : i32
      %dma_wait3A_46 = tpu.memref_slice %arg4[%add3A_22, %dma_wait3A_45] : memref<160000x128xf32, #tpu.memory_space<hbm>> -> memref<200x128xf32, #tpu.memory_space<hbm>>
      %dma_wait3A_47 = arith.constant 0 : i32
      %dma_wait3A_48 = tpu.memref_slice %arg4[%add3A_22, %dma_wait3A_47] : memref<160000x128xf32, #tpu.memory_space<hbm>> -> memref<200x128xf32, #tpu.memory_space<hbm>>
      tpu.wait_dma2 semaphore(%arg11 : memref<!tpu.dma_semaphore, #tpu.memory_space<semaphore_mem>>) src(%arg7 : memref<200x128xf32, #tpu.memory_space<vmem>>) dst(%dma_wait3A_48 : memref<200x128xf32, #tpu.memory_space<hbm>>)
      %dma_wait3A_49 = arith.constant 0 : i32
      %dma_wait3A_50 = tpu.memref_slice %arg4[%add3A_24, %dma_wait3A_49] : memref<160000x128xf32, #tpu.memory_space<hbm>> -> memref<200x128xf32, #tpu.memory_space<hbm>>
      %dma_wait3A_51 = arith.constant 0 : i32
      %dma_wait3A_52 = tpu.memref_slice %arg4[%add3A_24, %dma_wait3A_51] : memref<160000x128xf32, #tpu.memory_space<hbm>> -> memref<200x128xf32, #tpu.memory_space<hbm>>
      tpu.wait_dma2 semaphore(%arg12 : memref<!tpu.dma_semaphore, #tpu.memory_space<semaphore_mem>>) src(%arg8 : memref<200x128xf32, #tpu.memory_space<vmem>>) dst(%dma_wait3A_52 : memref<200x128xf32, #tpu.memory_space<hbm>>)
    }
    %scan3A_6 = arith.constant 12 : i32
    %add3A_7 = arith.constant 4800 : i32
    %add3A_8 = arith.addi %mul3A_2, %add3A_7 : i32
    "tpu.region"() ({
      %run_scoped3A = tpu.sem_alloc : memref<!tpu.dma_semaphore, #tpu.memory_space<semaphore_mem>>
      %dma_start3A_13 = tpu.memref_slice %arg3[%add3A_8] : memref<160000xi32, #tpu.memory_space<hbm>> -> memref<200xi32, #tpu.memory_space<hbm>>
      %dma_start3A_14 = tpu.memref_slice %arg3[%add3A_8] : memref<160000xi32, #tpu.memory_space<hbm>> -> memref<200xi32, #tpu.memory_space<hbm>>
      tpu.enqueue_dma source(%dma_start3A_14 : memref<200xi32, #tpu.memory_space<hbm>>) target(%arg5 : memref<200xi32, #tpu.memory_space<vmem>>) target_semaphore(%run_scoped3A : memref<!tpu.dma_semaphore, #tpu.memory_space<semaphore_mem>>)
      %dma_wait3A_15 = tpu.memref_slice %arg3[%add3A_8] : memref<160000xi32, #tpu.memory_space<hbm>> -> memref<200xi32, #tpu.memory_space<hbm>>
      %dma_wait3A_16 = tpu.memref_slice %arg3[%add3A_8] : memref<160000xi32, #tpu.memory_space<hbm>> -> memref<200xi32, #tpu.memory_space<hbm>>
      tpu.wait_dma2 semaphore(%run_scoped3A : memref<!tpu.dma_semaphore, #tpu.memory_space<semaphore_mem>>) src(%dma_wait3A_16 : memref<200xi32, #tpu.memory_space<hbm>>) dst(%arg5 : memref<200xi32, #tpu.memory_space<vmem>>)
      tpu.yield
    }) : () -> ()
    %dma_start3A = arith.constant 0 : i32
    %dma_start3A_9 = arith.constant 0 : i32
    %dma_start3A_10 = tpu.memref_slice %arg2[%dma_start3A, %dma_start3A_9] : memref<10000x128xf32, #tpu.memory_space<hbm>> -> memref<10000x128xf32, #tpu.memory_space<hbm>>
    tpu.enqueue_indirect_dma source(%dma_start3A_10 : memref<10000x128xf32, #tpu.memory_space<hbm>>) target(%arg7 : memref<200x128xf32, #tpu.memory_space<vmem>>) offsets(%arg5 : memref<200xi32, #tpu.memory_space<vmem>>) semaphore(%arg9 : memref<!tpu.dma_semaphore, #tpu.memory_space<semaphore_mem>>)
    %dma_wait3A = arith.constant 0 : i32
    %dma_wait3A_11 = arith.constant 0 : i32
    %dma_wait3A_12 = tpu.memref_slice %arg2[%dma_wait3A, %dma_wait3A_11] : memref<10000x128xf32, #tpu.memory_space<hbm>> -> memref<10000x128xf32, #tpu.memory_space<hbm>>
    tpu.wait_indirect_dma semaphore(%arg9 : memref<!tpu.dma_semaphore, #tpu.memory_space<semaphore_mem>>) src(%dma_wait3A_12 : memref<10000x128xf32, #tpu.memory_space<hbm>>) dst(%arg7 : memref<200x128xf32, #tpu.memory_space<vmem>>)
    "tpu.region"() ({
      %run_scoped3A = tpu.sem_alloc : memref<!tpu.dma_semaphore, #tpu.memory_space<semaphore_mem>>
      %dma_start3A_13 = arith.constant 0 : i32
      %dma_start3A_14 = tpu.memref_slice %arg4[%add3A_8, %dma_start3A_13] : memref<160000x128xf32, #tpu.memory_space<hbm>> -> memref<200x128xf32, #tpu.memory_space<hbm>>
      %dma_start3A_15 = arith.constant 0 : i32
      %dma_start3A_16 = tpu.memref_slice %arg4[%add3A_8, %dma_start3A_15] : memref<160000x128xf32, #tpu.memory_space<hbm>> -> memref<200x128xf32, #tpu.memory_space<hbm>>
      tpu.enqueue_dma source(%arg7 : memref<200x128xf32, #tpu.memory_space<vmem>>) target(%dma_start3A_16 : memref<200x128xf32, #tpu.memory_space<hbm>>) target_semaphore(%run_scoped3A : memref<!tpu.dma_semaphore, #tpu.memory_space<semaphore_mem>>)
      %dma_wait3A_17 = arith.constant 0 : i32
      %dma_wait3A_18 = tpu.memref_slice %arg4[%add3A_8, %dma_wait3A_17] : memref<160000x128xf32, #tpu.memory_space<hbm>> -> memref<200x128xf32, #tpu.memory_space<hbm>>
      %dma_wait3A_19 = arith.constant 0 : i32
      %dma_wait3A_20 = tpu.memref_slice %arg4[%add3A_8, %dma_wait3A_19] : memref<160000x128xf32, #tpu.memory_space<hbm>> -> memref<200x128xf32, #tpu.memory_space<hbm>>
      tpu.wait_dma2 semaphore(%run_scoped3A : memref<!tpu.dma_semaphore, #tpu.memory_space<semaphore_mem>>) src(%arg7 : memref<200x128xf32, #tpu.memory_space<vmem>>) dst(%dma_wait3A_20 : memref<200x128xf32, #tpu.memory_space<hbm>>)
      tpu.yield
    }) : () -> ()
    return
  }
}

module attributes {stable_mosaic.version = 14 : i64} {
  func.func @_knn_body(%arg0: i32, %arg1: memref<200x16xf32, #tpu.memory_space<vmem>>, %arg2: memref<16x10240xf32, #tpu.memory_space<vmem>>, %arg3: memref<8x10240xf32, #tpu.memory_space<vmem>>, %arg4: memref<200x16xi32, #tpu.memory_space<vmem>>) attributes {dimension_semantics = [#tpu.dimension_semantics<parallel>], iteration_bounds = array<i64: 50>, scalar_prefetch = 0 : i64, scratch_operands = 0 : i64, tpu.core_type = #tpu.core_type<tc>, window_params = [{transform_indices = @transform_0, window_bounds = array<i64: 200, 16>}, {pipeline_mode = #tpu.pipeline_mode<synchronous>, transform_indices = @transform_1, window_bounds = array<i64: 16, 10240>}, {pipeline_mode = #tpu.pipeline_mode<synchronous>, transform_indices = @transform_2, window_bounds = array<i64: 8, 10240>}, {transform_indices = @transform_3, window_bounds = array<i64: 200, 16>}]} {
    %get3A = arith.constant 0 : index
    %get3A_0 = arith.constant 0 : index
    %get3A_1 = vector.load %arg1[%get3A, %get3A_0] : memref<200x16xf32, #tpu.memory_space<vmem>>, vector<200x16xf32>
    %mul3A = arith.mulf %get3A_1, %get3A_1 : vector<200x16xf32>
    %reduce_sum3A = arith.constant dense<0.000000e+00> : vector<200xf32>
    %reduce_sum3A_2 = vector.multi_reduction <add>, %mul3A, %reduce_sum3A [1] : vector<200x16xf32> to vector<200xf32>
    %broadcast_in_dim3A = vector.shape_cast %reduce_sum3A_2 : vector<200xf32> to vector<200x1xf32>
    %iota3A = tpu.iota {dimensions = array<i32: 1>} : vector<1x16xi32>
    %eq3A = arith.constant 3 : i32
    %eq3A_3 = vector.broadcast %eq3A : i32 to vector<1x16xi32>
    %eq3A_4 = arith.cmpi eq, %iota3A, %eq3A_3 : vector<1x16xi32>
    %convert_element_type3A = arith.extui %eq3A_4 : vector<1x16xi1> to vector<1x16xi32>
    %convert_element_type3A_5 = arith.sitofp %convert_element_type3A : vector<1x16xi32> to vector<1x16xf32>
    %mul3A_6 = arith.constant -2.000000e+00 : f32
    %mul3A_7 = vector.broadcast %mul3A_6 : f32 to vector<200x16xf32>
    %mul3A_8 = arith.mulf %get3A_1, %mul3A_7 : vector<200x16xf32>
    %mul3A_9 = vector.broadcast %broadcast_in_dim3A : vector<200x1xf32> to vector<200x16xf32>
    %mul3A_10 = vector.broadcast %convert_element_type3A_5 : vector<1x16xf32> to vector<200x16xf32>
    %mul3A_11 = arith.mulf %mul3A_9, %mul3A_10 : vector<200x16xf32>
    %add3A = arith.addf %mul3A_8, %mul3A_11 : vector<200x16xf32>
    %get3A_12 = arith.constant 0 : index
    %get3A_13 = arith.constant 0 : index
    %get3A_14 = vector.load %arg2[%get3A_12, %get3A_13] : memref<16x10240xf32, #tpu.memory_space<vmem>>, vector<16x1280xf32>
    %dot_general3A = arith.constant dense<0.000000e+00> : vector<200x1280xf32>
    %dot_general3A_15 = tpu.matmul %add3A, %get3A_14, %dot_general3A {dimension_numbers = #tpu.dot_dimension_numbers<[1], [0], [0], [1], [0, 0, 1, 1], [], []>, transpose_lhs_hint = false} : vector<200x16xf32>, vector<16x1280xf32>, vector<200x1280xf32> -> vector<200x1280xf32>
    %get3A_16 = arith.constant 0 : index
    %get3A_17 = arith.constant 0 : index
    %get3A_18 = vector.load %arg3[%get3A_16, %get3A_17] : memref<8x10240xf32, #tpu.memory_space<vmem>>, vector<1x1280xf32>
    %add3A_19 = vector.broadcast %get3A_18 : vector<1x1280xf32> to vector<200x1280xf32>
    %add3A_20 = arith.addf %dot_general3A_15, %add3A_19 : vector<200x1280xf32>
    %max3A = arith.constant 1.200000e-38 : f32
    %max3A_21 = vector.broadcast %max3A : f32 to vector<200x1280xf32>
    %max3A_22 = arith.maximumf %add3A_20, %max3A_21 : vector<200x1280xf32>
    %bitcast_convert_type3A = tpu.bitcast %max3A_22 : vector<200x1280xf32> -> vector<200x1280xi32>
    %and3A = arith.constant -8 : i32
    %and3A_23 = vector.broadcast %and3A : i32 to vector<200x1280xi32>
    %and3A_24 = arith.andi %bitcast_convert_type3A, %and3A_23 : vector<200x1280xi32>
    %or3A = arith.constant 0 : i32
    %or3A_25 = vector.broadcast %or3A : i32 to vector<200x1280xi32>
    %or3A_26 = arith.ori %and3A_24, %or3A_25 : vector<200x1280xi32>
    %bitcast_convert_type3A_27 = tpu.bitcast %or3A_26 : vector<200x1280xi32> -> vector<200x1280xf32>
    %get3A_28 = arith.constant 0 : index
    %get3A_29 = arith.constant 1280 : index
    %get3A_30 = vector.load %arg2[%get3A_28, %get3A_29] : memref<16x10240xf32, #tpu.memory_space<vmem>>, vector<16x1280xf32>
    %dot_general3A_31 = arith.constant dense<0.000000e+00> : vector<200x1280xf32>
    %dot_general3A_32 = tpu.matmul %add3A, %get3A_30, %dot_general3A_31 {dimension_numbers = #tpu.dot_dimension_numbers<[1], [0], [0], [1], [0, 0, 1, 1], [], []>, transpose_lhs_hint = false} : vector<200x16xf32>, vector<16x1280xf32>, vector<200x1280xf32> -> vector<200x1280xf32>
    %get3A_33 = arith.constant 0 : index
    %get3A_34 = arith.constant 1280 : index
    %get3A_35 = vector.load %arg3[%get3A_33, %get3A_34] : memref<8x10240xf32, #tpu.memory_space<vmem>>, vector<1x1280xf32>
    %add3A_36 = vector.broadcast %get3A_35 : vector<1x1280xf32> to vector<200x1280xf32>
    %add3A_37 = arith.addf %dot_general3A_32, %add3A_36 : vector<200x1280xf32>
    %max3A_38 = arith.constant 1.200000e-38 : f32
    %max3A_39 = vector.broadcast %max3A_38 : f32 to vector<200x1280xf32>
    %max3A_40 = arith.maximumf %add3A_37, %max3A_39 : vector<200x1280xf32>
    %bitcast_convert_type3A_41 = tpu.bitcast %max3A_40 : vector<200x1280xf32> -> vector<200x1280xi32>
    %and3A_42 = arith.constant -8 : i32
    %and3A_43 = vector.broadcast %and3A_42 : i32 to vector<200x1280xi32>
    %and3A_44 = arith.andi %bitcast_convert_type3A_41, %and3A_43 : vector<200x1280xi32>
    %or3A_45 = arith.constant 1 : i32
    %or3A_46 = vector.broadcast %or3A_45 : i32 to vector<200x1280xi32>
    %or3A_47 = arith.ori %and3A_44, %or3A_46 : vector<200x1280xi32>
    %bitcast_convert_type3A_48 = tpu.bitcast %or3A_47 : vector<200x1280xi32> -> vector<200x1280xf32>
    %get3A_49 = arith.constant 0 : index
    %get3A_50 = arith.constant 2560 : index
    %get3A_51 = vector.load %arg2[%get3A_49, %get3A_50] : memref<16x10240xf32, #tpu.memory_space<vmem>>, vector<16x1280xf32>
    %dot_general3A_52 = arith.constant dense<0.000000e+00> : vector<200x1280xf32>
    %dot_general3A_53 = tpu.matmul %add3A, %get3A_51, %dot_general3A_52 {dimension_numbers = #tpu.dot_dimension_numbers<[1], [0], [0], [1], [0, 0, 1, 1], [], []>, transpose_lhs_hint = false} : vector<200x16xf32>, vector<16x1280xf32>, vector<200x1280xf32> -> vector<200x1280xf32>
    %get3A_54 = arith.constant 0 : index
    %get3A_55 = arith.constant 2560 : index
    %get3A_56 = vector.load %arg3[%get3A_54, %get3A_55] : memref<8x10240xf32, #tpu.memory_space<vmem>>, vector<1x1280xf32>
    %add3A_57 = vector.broadcast %get3A_56 : vector<1x1280xf32> to vector<200x1280xf32>
    %add3A_58 = arith.addf %dot_general3A_53, %add3A_57 : vector<200x1280xf32>
    %max3A_59 = arith.constant 1.200000e-38 : f32
    %max3A_60 = vector.broadcast %max3A_59 : f32 to vector<200x1280xf32>
    %max3A_61 = arith.maximumf %add3A_58, %max3A_60 : vector<200x1280xf32>
    %bitcast_convert_type3A_62 = tpu.bitcast %max3A_61 : vector<200x1280xf32> -> vector<200x1280xi32>
    %and3A_63 = arith.constant -8 : i32
    %and3A_64 = vector.broadcast %and3A_63 : i32 to vector<200x1280xi32>
    %and3A_65 = arith.andi %bitcast_convert_type3A_62, %and3A_64 : vector<200x1280xi32>
    %or3A_66 = arith.constant 2 : i32
    %or3A_67 = vector.broadcast %or3A_66 : i32 to vector<200x1280xi32>
    %or3A_68 = arith.ori %and3A_65, %or3A_67 : vector<200x1280xi32>
    %bitcast_convert_type3A_69 = tpu.bitcast %or3A_68 : vector<200x1280xi32> -> vector<200x1280xf32>
    %get3A_70 = arith.constant 0 : index
    %get3A_71 = arith.constant 3840 : index
    %get3A_72 = vector.load %arg2[%get3A_70, %get3A_71] : memref<16x10240xf32, #tpu.memory_space<vmem>>, vector<16x1280xf32>
    %dot_general3A_73 = arith.constant dense<0.000000e+00> : vector<200x1280xf32>
    %dot_general3A_74 = tpu.matmul %add3A, %get3A_72, %dot_general3A_73 {dimension_numbers = #tpu.dot_dimension_numbers<[1], [0], [0], [1], [0, 0, 1, 1], [], []>, transpose_lhs_hint = false} : vector<200x16xf32>, vector<16x1280xf32>, vector<200x1280xf32> -> vector<200x1280xf32>
    %get3A_75 = arith.constant 0 : index
    %get3A_76 = arith.constant 3840 : index
    %get3A_77 = vector.load %arg3[%get3A_75, %get3A_76] : memref<8x10240xf32, #tpu.memory_space<vmem>>, vector<1x1280xf32>
    %add3A_78 = vector.broadcast %get3A_77 : vector<1x1280xf32> to vector<200x1280xf32>
    %add3A_79 = arith.addf %dot_general3A_74, %add3A_78 : vector<200x1280xf32>
    %max3A_80 = arith.constant 1.200000e-38 : f32
    %max3A_81 = vector.broadcast %max3A_80 : f32 to vector<200x1280xf32>
    %max3A_82 = arith.maximumf %add3A_79, %max3A_81 : vector<200x1280xf32>
    %bitcast_convert_type3A_83 = tpu.bitcast %max3A_82 : vector<200x1280xf32> -> vector<200x1280xi32>
    %and3A_84 = arith.constant -8 : i32
    %and3A_85 = vector.broadcast %and3A_84 : i32 to vector<200x1280xi32>
    %and3A_86 = arith.andi %bitcast_convert_type3A_83, %and3A_85 : vector<200x1280xi32>
    %or3A_87 = arith.constant 3 : i32
    %or3A_88 = vector.broadcast %or3A_87 : i32 to vector<200x1280xi32>
    %or3A_89 = arith.ori %and3A_86, %or3A_88 : vector<200x1280xi32>
    %bitcast_convert_type3A_90 = tpu.bitcast %or3A_89 : vector<200x1280xi32> -> vector<200x1280xf32>
    %get3A_91 = arith.constant 0 : index
    %get3A_92 = arith.constant 5120 : index
    %get3A_93 = vector.load %arg2[%get3A_91, %get3A_92] : memref<16x10240xf32, #tpu.memory_space<vmem>>, vector<16x1280xf32>
    %dot_general3A_94 = arith.constant dense<0.000000e+00> : vector<200x1280xf32>
    %dot_general3A_95 = tpu.matmul %add3A, %get3A_93, %dot_general3A_94 {dimension_numbers = #tpu.dot_dimension_numbers<[1], [0], [0], [1], [0, 0, 1, 1], [], []>, transpose_lhs_hint = false} : vector<200x16xf32>, vector<16x1280xf32>, vector<200x1280xf32> -> vector<200x1280xf32>
    %get3A_96 = arith.constant 0 : index
    %get3A_97 = arith.constant 5120 : index
    %get3A_98 = vector.load %arg3[%get3A_96, %get3A_97] : memref<8x10240xf32, #tpu.memory_space<vmem>>, vector<1x1280xf32>
    %add3A_99 = vector.broadcast %get3A_98 : vector<1x1280xf32> to vector<200x1280xf32>
    %add3A_100 = arith.addf %dot_general3A_95, %add3A_99 : vector<200x1280xf32>
    %max3A_101 = arith.constant 1.200000e-38 : f32
    %max3A_102 = vector.broadcast %max3A_101 : f32 to vector<200x1280xf32>
    %max3A_103 = arith.maximumf %add3A_100, %max3A_102 : vector<200x1280xf32>
    %bitcast_convert_type3A_104 = tpu.bitcast %max3A_103 : vector<200x1280xf32> -> vector<200x1280xi32>
    %and3A_105 = arith.constant -8 : i32
    %and3A_106 = vector.broadcast %and3A_105 : i32 to vector<200x1280xi32>
    %and3A_107 = arith.andi %bitcast_convert_type3A_104, %and3A_106 : vector<200x1280xi32>
    %or3A_108 = arith.constant 4 : i32
    %or3A_109 = vector.broadcast %or3A_108 : i32 to vector<200x1280xi32>
    %or3A_110 = arith.ori %and3A_107, %or3A_109 : vector<200x1280xi32>
    %bitcast_convert_type3A_111 = tpu.bitcast %or3A_110 : vector<200x1280xi32> -> vector<200x1280xf32>
    %get3A_112 = arith.constant 0 : index
    %get3A_113 = arith.constant 6400 : index
    %get3A_114 = vector.load %arg2[%get3A_112, %get3A_113] : memref<16x10240xf32, #tpu.memory_space<vmem>>, vector<16x1280xf32>
    %dot_general3A_115 = arith.constant dense<0.000000e+00> : vector<200x1280xf32>
    %dot_general3A_116 = tpu.matmul %add3A, %get3A_114, %dot_general3A_115 {dimension_numbers = #tpu.dot_dimension_numbers<[1], [0], [0], [1], [0, 0, 1, 1], [], []>, transpose_lhs_hint = false} : vector<200x16xf32>, vector<16x1280xf32>, vector<200x1280xf32> -> vector<200x1280xf32>
    %get3A_117 = arith.constant 0 : index
    %get3A_118 = arith.constant 6400 : index
    %get3A_119 = vector.load %arg3[%get3A_117, %get3A_118] : memref<8x10240xf32, #tpu.memory_space<vmem>>, vector<1x1280xf32>
    %add3A_120 = vector.broadcast %get3A_119 : vector<1x1280xf32> to vector<200x1280xf32>
    %add3A_121 = arith.addf %dot_general3A_116, %add3A_120 : vector<200x1280xf32>
    %max3A_122 = arith.constant 1.200000e-38 : f32
    %max3A_123 = vector.broadcast %max3A_122 : f32 to vector<200x1280xf32>
    %max3A_124 = arith.maximumf %add3A_121, %max3A_123 : vector<200x1280xf32>
    %bitcast_convert_type3A_125 = tpu.bitcast %max3A_124 : vector<200x1280xf32> -> vector<200x1280xi32>
    %and3A_126 = arith.constant -8 : i32
    %and3A_127 = vector.broadcast %and3A_126 : i32 to vector<200x1280xi32>
    %and3A_128 = arith.andi %bitcast_convert_type3A_125, %and3A_127 : vector<200x1280xi32>
    %or3A_129 = arith.constant 5 : i32
    %or3A_130 = vector.broadcast %or3A_129 : i32 to vector<200x1280xi32>
    %or3A_131 = arith.ori %and3A_128, %or3A_130 : vector<200x1280xi32>
    %bitcast_convert_type3A_132 = tpu.bitcast %or3A_131 : vector<200x1280xi32> -> vector<200x1280xf32>
    %get3A_133 = arith.constant 0 : index
    %get3A_134 = arith.constant 7680 : index
    %get3A_135 = vector.load %arg2[%get3A_133, %get3A_134] : memref<16x10240xf32, #tpu.memory_space<vmem>>, vector<16x1280xf32>
    %dot_general3A_136 = arith.constant dense<0.000000e+00> : vector<200x1280xf32>
    %dot_general3A_137 = tpu.matmul %add3A, %get3A_135, %dot_general3A_136 {dimension_numbers = #tpu.dot_dimension_numbers<[1], [0], [0], [1], [0, 0, 1, 1], [], []>, transpose_lhs_hint = false} : vector<200x16xf32>, vector<16x1280xf32>, vector<200x1280xf32> -> vector<200x1280xf32>
    %get3A_138 = arith.constant 0 : index
    %get3A_139 = arith.constant 7680 : index
    %get3A_140 = vector.load %arg3[%get3A_138, %get3A_139] : memref<8x10240xf32, #tpu.memory_space<vmem>>, vector<1x1280xf32>
    %add3A_141 = vector.broadcast %get3A_140 : vector<1x1280xf32> to vector<200x1280xf32>
    %add3A_142 = arith.addf %dot_general3A_137, %add3A_141 : vector<200x1280xf32>
    %max3A_143 = arith.constant 1.200000e-38 : f32
    %max3A_144 = vector.broadcast %max3A_143 : f32 to vector<200x1280xf32>
    %max3A_145 = arith.maximumf %add3A_142, %max3A_144 : vector<200x1280xf32>
    %bitcast_convert_type3A_146 = tpu.bitcast %max3A_145 : vector<200x1280xf32> -> vector<200x1280xi32>
    %and3A_147 = arith.constant -8 : i32
    %and3A_148 = vector.broadcast %and3A_147 : i32 to vector<200x1280xi32>
    %and3A_149 = arith.andi %bitcast_convert_type3A_146, %and3A_148 : vector<200x1280xi32>
    %or3A_150 = arith.constant 6 : i32
    %or3A_151 = vector.broadcast %or3A_150 : i32 to vector<200x1280xi32>
    %or3A_152 = arith.ori %and3A_149, %or3A_151 : vector<200x1280xi32>
    %bitcast_convert_type3A_153 = tpu.bitcast %or3A_152 : vector<200x1280xi32> -> vector<200x1280xf32>
    %get3A_154 = arith.constant 0 : index
    %get3A_155 = arith.constant 8960 : index
    %get3A_156 = vector.load %arg2[%get3A_154, %get3A_155] : memref<16x10240xf32, #tpu.memory_space<vmem>>, vector<16x1280xf32>
    %dot_general3A_157 = arith.constant dense<0.000000e+00> : vector<200x1280xf32>
    %dot_general3A_158 = tpu.matmul %add3A, %get3A_156, %dot_general3A_157 {dimension_numbers = #tpu.dot_dimension_numbers<[1], [0], [0], [1], [0, 0, 1, 1], [], []>, transpose_lhs_hint = false} : vector<200x16xf32>, vector<16x1280xf32>, vector<200x1280xf32> -> vector<200x1280xf32>
    %get3A_159 = arith.constant 0 : index
    %get3A_160 = arith.constant 8960 : index
    %get3A_161 = vector.load %arg3[%get3A_159, %get3A_160] : memref<8x10240xf32, #tpu.memory_space<vmem>>, vector<1x1280xf32>
    %add3A_162 = vector.broadcast %get3A_161 : vector<1x1280xf32> to vector<200x1280xf32>
    %add3A_163 = arith.addf %dot_general3A_158, %add3A_162 : vector<200x1280xf32>
    %max3A_164 = arith.constant 1.200000e-38 : f32
    %max3A_165 = vector.broadcast %max3A_164 : f32 to vector<200x1280xf32>
    %max3A_166 = arith.maximumf %add3A_163, %max3A_165 : vector<200x1280xf32>
    %bitcast_convert_type3A_167 = tpu.bitcast %max3A_166 : vector<200x1280xf32> -> vector<200x1280xi32>
    %and3A_168 = arith.constant -8 : i32
    %and3A_169 = vector.broadcast %and3A_168 : i32 to vector<200x1280xi32>
    %and3A_170 = arith.andi %bitcast_convert_type3A_167, %and3A_169 : vector<200x1280xi32>
    %or3A_171 = arith.constant 7 : i32
    %or3A_172 = vector.broadcast %or3A_171 : i32 to vector<200x1280xi32>
    %or3A_173 = arith.ori %and3A_170, %or3A_172 : vector<200x1280xi32>
    %bitcast_convert_type3A_174 = tpu.bitcast %or3A_173 : vector<200x1280xi32> -> vector<200x1280xf32>
    %min3A = arith.minimumf %bitcast_convert_type3A_27, %bitcast_convert_type3A_48 : vector<200x1280xf32>
    %max3A_175 = arith.maximumf %bitcast_convert_type3A_27, %bitcast_convert_type3A_48 : vector<200x1280xf32>
    %min3A_176 = arith.minimumf %bitcast_convert_type3A_69, %bitcast_convert_type3A_90 : vector<200x1280xf32>
    %max3A_177 = arith.maximumf %bitcast_convert_type3A_69, %bitcast_convert_type3A_90 : vector<200x1280xf32>
    %min3A_178 = arith.minimumf %bitcast_convert_type3A_111, %bitcast_convert_type3A_132 : vector<200x1280xf32>
    %max3A_179 = arith.maximumf %bitcast_convert_type3A_111, %bitcast_convert_type3A_132 : vector<200x1280xf32>
    %min3A_180 = arith.minimumf %bitcast_convert_type3A_153, %bitcast_convert_type3A_174 : vector<200x1280xf32>
    %max3A_181 = arith.maximumf %bitcast_convert_type3A_153, %bitcast_convert_type3A_174 : vector<200x1280xf32>
    %min3A_182 = arith.minimumf %min3A, %min3A_176 : vector<200x1280xf32>
    %max3A_183 = arith.maximumf %min3A, %min3A_176 : vector<200x1280xf32>
    %min3A_184 = arith.minimumf %max3A_175, %max3A_177 : vector<200x1280xf32>
    %max3A_185 = arith.maximumf %max3A_175, %max3A_177 : vector<200x1280xf32>
    %min3A_186 = arith.minimumf %min3A_178, %min3A_180 : vector<200x1280xf32>
    %max3A_187 = arith.maximumf %min3A_178, %min3A_180 : vector<200x1280xf32>
    %min3A_188 = arith.minimumf %max3A_179, %max3A_181 : vector<200x1280xf32>
    %max3A_189 = arith.maximumf %max3A_179, %max3A_181 : vector<200x1280xf32>
    %min3A_190 = arith.minimumf %min3A_184, %max3A_183 : vector<200x1280xf32>
    %max3A_191 = arith.maximumf %min3A_184, %max3A_183 : vector<200x1280xf32>
    %min3A_192 = arith.minimumf %min3A_188, %max3A_187 : vector<200x1280xf32>
    %max3A_193 = arith.maximumf %min3A_188, %max3A_187 : vector<200x1280xf32>
    %min3A_194 = arith.minimumf %min3A_182, %min3A_186 : vector<200x1280xf32>
    %max3A_195 = arith.maximumf %min3A_182, %min3A_186 : vector<200x1280xf32>
    %min3A_196 = arith.minimumf %min3A_190, %min3A_192 : vector<200x1280xf32>
    %max3A_197 = arith.maximumf %min3A_190, %min3A_192 : vector<200x1280xf32>
    %min3A_198 = arith.minimumf %max3A_191, %max3A_193 : vector<200x1280xf32>
    %max3A_199 = arith.maximumf %max3A_191, %max3A_193 : vector<200x1280xf32>
    %min3A_200 = arith.minimumf %max3A_185, %max3A_189 : vector<200x1280xf32>
    %max3A_201 = arith.maximumf %max3A_185, %max3A_189 : vector<200x1280xf32>
    %min3A_202 = arith.minimumf %min3A_198, %max3A_195 : vector<200x1280xf32>
    %max3A_203 = arith.maximumf %min3A_198, %max3A_195 : vector<200x1280xf32>
    %min3A_204 = arith.minimumf %min3A_200, %max3A_197 : vector<200x1280xf32>
    %max3A_205 = arith.maximumf %min3A_200, %max3A_197 : vector<200x1280xf32>
    %min3A_206 = arith.minimumf %min3A_196, %min3A_202 : vector<200x1280xf32>
    %max3A_207 = arith.maximumf %min3A_196, %min3A_202 : vector<200x1280xf32>
    %min3A_208 = arith.minimumf %min3A_204, %max3A_203 : vector<200x1280xf32>
    %max3A_209 = arith.maximumf %min3A_204, %max3A_203 : vector<200x1280xf32>
    %min3A_210 = arith.minimumf %max3A_205, %max3A_199 : vector<200x1280xf32>
    %max3A_211 = arith.maximumf %max3A_205, %max3A_199 : vector<200x1280xf32>
    %iota3A_212 = tpu.iota {dimensions = array<i32: 1>} : vector<200x1280xi32>
    %reduce_min3A = arith.constant dense<0x7F800000> : vector<200xf32>
    %reduce_min3A_213 = vector.multi_reduction <minimumf>, %min3A_194, %reduce_min3A [1] : vector<200x1280xf32> to vector<200xf32>
    %broadcast_in_dim3A_214 = vector.shape_cast %reduce_min3A_213 : vector<200xf32> to vector<200x1xf32>
    %eq3A_215 = vector.broadcast %broadcast_in_dim3A_214 : vector<200x1xf32> to vector<200x1280xf32>
    %eq3A_216 = arith.cmpf oeq, %min3A_194, %eq3A_215 : vector<200x1280xf32>
    %jit3A = arith.constant 1073741824 : i32
    %broadcast_in_dim3A_217 = vector.broadcast %jit3A : i32 to vector<200x1280xi32>
    %select_n3A = arith.select %eq3A_216, %iota3A_212, %broadcast_in_dim3A_217 : vector<200x1280xi1>, vector<200x1280xi32>
    %reduce_min3A_218 = arith.constant dense<2147483647> : vector<200xi32>
    %reduce_min3A_219 = vector.multi_reduction <minsi>, %select_n3A, %reduce_min3A_218 [1] : vector<200x1280xi32> to vector<200xi32>
    %broadcast_in_dim3A_220 = vector.shape_cast %reduce_min3A_219 : vector<200xi32> to vector<200x1xi32>
    %bitcast_convert_type3A_221 = tpu.bitcast %broadcast_in_dim3A_214 : vector<200x1xf32> -> vector<200x1xi32>
    %and3A_222 = arith.constant 7 : i32
    %and3A_223 = vector.broadcast %and3A_222 : i32 to vector<200x1xi32>
    %and3A_224 = arith.andi %bitcast_convert_type3A_221, %and3A_223 : vector<200x1xi32>
    %mul3A_225 = arith.constant 1280 : i32
    %mul3A_226 = vector.broadcast %mul3A_225 : i32 to vector<200x1xi32>
    %mul3A_227 = arith.muli %and3A_224, %mul3A_226 : vector<200x1xi32>
    %add3A_228 = arith.addi %mul3A_227, %broadcast_in_dim3A_220 : vector<200x1xi32>
    %eq3A_229 = vector.broadcast %broadcast_in_dim3A_220 : vector<200x1xi32> to vector<200x1280xi32>
    %eq3A_230 = arith.cmpi eq, %select_n3A, %eq3A_229 : vector<200x1280xi32>
    %select_n3A_231 = arith.select %eq3A_230, %min3A_206, %min3A_194 : vector<200x1280xi1>, vector<200x1280xf32>
    %select_n3A_232 = arith.select %eq3A_230, %max3A_207, %min3A_206 : vector<200x1280xi1>, vector<200x1280xf32>
    %select_n3A_233 = arith.select %eq3A_230, %min3A_208, %max3A_207 : vector<200x1280xi1>, vector<200x1280xf32>
    %select_n3A_234 = arith.select %eq3A_230, %max3A_209, %min3A_208 : vector<200x1280xi1>, vector<200x1280xf32>
    %select_n3A_235 = arith.select %eq3A_230, %min3A_210, %max3A_209 : vector<200x1280xi1>, vector<200x1280xf32>
    %select_n3A_236 = arith.select %eq3A_230, %max3A_211, %min3A_210 : vector<200x1280xi1>, vector<200x1280xf32>
    %select_n3A_237 = arith.select %eq3A_230, %max3A_201, %max3A_211 : vector<200x1280xi1>, vector<200x1280xf32>
    %jit3A_238 = arith.constant 1.000000e+30 : f32
    %broadcast_in_dim3A_239 = vector.broadcast %jit3A_238 : f32 to vector<200x1280xf32>
    %select_n3A_240 = arith.select %eq3A_230, %broadcast_in_dim3A_239, %max3A_201 : vector<200x1280xi1>, vector<200x1280xf32>
    %reduce_min3A_241 = arith.constant dense<0x7F800000> : vector<200xf32>
    %reduce_min3A_242 = vector.multi_reduction <minimumf>, %select_n3A_231, %reduce_min3A_241 [1] : vector<200x1280xf32> to vector<200xf32>
    %broadcast_in_dim3A_243 = vector.shape_cast %reduce_min3A_242 : vector<200xf32> to vector<200x1xf32>
    %eq3A_244 = vector.broadcast %broadcast_in_dim3A_243 : vector<200x1xf32> to vector<200x1280xf32>
    %eq3A_245 = arith.cmpf oeq, %select_n3A_231, %eq3A_244 : vector<200x1280xf32>
    %jit3A_246 = arith.constant 1073741824 : i32
    %broadcast_in_dim3A_247 = vector.broadcast %jit3A_246 : i32 to vector<200x1280xi32>
    %select_n3A_248 = arith.select %eq3A_245, %iota3A_212, %broadcast_in_dim3A_247 : vector<200x1280xi1>, vector<200x1280xi32>
    %reduce_min3A_249 = arith.constant dense<2147483647> : vector<200xi32>
    %reduce_min3A_250 = vector.multi_reduction <minsi>, %select_n3A_248, %reduce_min3A_249 [1] : vector<200x1280xi32> to vector<200xi32>
    %broadcast_in_dim3A_251 = vector.shape_cast %reduce_min3A_250 : vector<200xi32> to vector<200x1xi32>
    %bitcast_convert_type3A_252 = tpu.bitcast %broadcast_in_dim3A_243 : vector<200x1xf32> -> vector<200x1xi32>
    %and3A_253 = arith.constant 7 : i32
    %and3A_254 = vector.broadcast %and3A_253 : i32 to vector<200x1xi32>
    %and3A_255 = arith.andi %bitcast_convert_type3A_252, %and3A_254 : vector<200x1xi32>
    %mul3A_256 = arith.constant 1280 : i32
    %mul3A_257 = vector.broadcast %mul3A_256 : i32 to vector<200x1xi32>
    %mul3A_258 = arith.muli %and3A_255, %mul3A_257 : vector<200x1xi32>
    %add3A_259 = arith.addi %mul3A_258, %broadcast_in_dim3A_251 : vector<200x1xi32>
    %eq3A_260 = vector.broadcast %broadcast_in_dim3A_251 : vector<200x1xi32> to vector<200x1280xi32>
    %eq3A_261 = arith.cmpi eq, %select_n3A_248, %eq3A_260 : vector<200x1280xi32>
    %select_n3A_262 = arith.select %eq3A_261, %select_n3A_232, %select_n3A_231 : vector<200x1280xi1>, vector<200x1280xf32>
    %select_n3A_263 = arith.select %eq3A_261, %select_n3A_233, %select_n3A_232 : vector<200x1280xi1>, vector<200x1280xf32>
    %select_n3A_264 = arith.select %eq3A_261, %select_n3A_234, %select_n3A_233 : vector<200x1280xi1>, vector<200x1280xf32>
    %select_n3A_265 = arith.select %eq3A_261, %select_n3A_235, %select_n3A_234 : vector<200x1280xi1>, vector<200x1280xf32>
    %select_n3A_266 = arith.select %eq3A_261, %select_n3A_236, %select_n3A_235 : vector<200x1280xi1>, vector<200x1280xf32>
    %select_n3A_267 = arith.select %eq3A_261, %select_n3A_237, %select_n3A_236 : vector<200x1280xi1>, vector<200x1280xf32>
    %select_n3A_268 = arith.select %eq3A_261, %select_n3A_240, %select_n3A_237 : vector<200x1280xi1>, vector<200x1280xf32>
    %jit3A_269 = arith.constant 1.000000e+30 : f32
    %broadcast_in_dim3A_270 = vector.broadcast %jit3A_269 : f32 to vector<200x1280xf32>
    %select_n3A_271 = arith.select %eq3A_261, %broadcast_in_dim3A_270, %select_n3A_240 : vector<200x1280xi1>, vector<200x1280xf32>
    %reduce_min3A_272 = arith.constant dense<0x7F800000> : vector<200xf32>
    %reduce_min3A_273 = vector.multi_reduction <minimumf>, %select_n3A_262, %reduce_min3A_272 [1] : vector<200x1280xf32> to vector<200xf32>
    %broadcast_in_dim3A_274 = vector.shape_cast %reduce_min3A_273 : vector<200xf32> to vector<200x1xf32>
    %eq3A_275 = vector.broadcast %broadcast_in_dim3A_274 : vector<200x1xf32> to vector<200x1280xf32>
    %eq3A_276 = arith.cmpf oeq, %select_n3A_262, %eq3A_275 : vector<200x1280xf32>
    %jit3A_277 = arith.constant 1073741824 : i32
    %broadcast_in_dim3A_278 = vector.broadcast %jit3A_277 : i32 to vector<200x1280xi32>
    %select_n3A_279 = arith.select %eq3A_276, %iota3A_212, %broadcast_in_dim3A_278 : vector<200x1280xi1>, vector<200x1280xi32>
    %reduce_min3A_280 = arith.constant dense<2147483647> : vector<200xi32>
    %reduce_min3A_281 = vector.multi_reduction <minsi>, %select_n3A_279, %reduce_min3A_280 [1] : vector<200x1280xi32> to vector<200xi32>
    %broadcast_in_dim3A_282 = vector.shape_cast %reduce_min3A_281 : vector<200xi32> to vector<200x1xi32>
    %bitcast_convert_type3A_283 = tpu.bitcast %broadcast_in_dim3A_274 : vector<200x1xf32> -> vector<200x1xi32>
    %and3A_284 = arith.constant 7 : i32
    %and3A_285 = vector.broadcast %and3A_284 : i32 to vector<200x1xi32>
    %and3A_286 = arith.andi %bitcast_convert_type3A_283, %and3A_285 : vector<200x1xi32>
    %mul3A_287 = arith.constant 1280 : i32
    %mul3A_288 = vector.broadcast %mul3A_287 : i32 to vector<200x1xi32>
    %mul3A_289 = arith.muli %and3A_286, %mul3A_288 : vector<200x1xi32>
    %add3A_290 = arith.addi %mul3A_289, %broadcast_in_dim3A_282 : vector<200x1xi32>
    %eq3A_291 = vector.broadcast %broadcast_in_dim3A_282 : vector<200x1xi32> to vector<200x1280xi32>
    %eq3A_292 = arith.cmpi eq, %select_n3A_279, %eq3A_291 : vector<200x1280xi32>
    %select_n3A_293 = arith.select %eq3A_292, %select_n3A_263, %select_n3A_262 : vector<200x1280xi1>, vector<200x1280xf32>
    %select_n3A_294 = arith.select %eq3A_292, %select_n3A_264, %select_n3A_263 : vector<200x1280xi1>, vector<200x1280xf32>
    %select_n3A_295 = arith.select %eq3A_292, %select_n3A_265, %select_n3A_264 : vector<200x1280xi1>, vector<200x1280xf32>
    %select_n3A_296 = arith.select %eq3A_292, %select_n3A_266, %select_n3A_265 : vector<200x1280xi1>, vector<200x1280xf32>
    %select_n3A_297 = arith.select %eq3A_292, %select_n3A_267, %select_n3A_266 : vector<200x1280xi1>, vector<200x1280xf32>
    %select_n3A_298 = arith.select %eq3A_292, %select_n3A_268, %select_n3A_267 : vector<200x1280xi1>, vector<200x1280xf32>
    %select_n3A_299 = arith.select %eq3A_292, %select_n3A_271, %select_n3A_268 : vector<200x1280xi1>, vector<200x1280xf32>
    %jit3A_300 = arith.constant 1.000000e+30 : f32
    %broadcast_in_dim3A_301 = vector.broadcast %jit3A_300 : f32 to vector<200x1280xf32>
    %select_n3A_302 = arith.select %eq3A_292, %broadcast_in_dim3A_301, %select_n3A_271 : vector<200x1280xi1>, vector<200x1280xf32>
    %reduce_min3A_303 = arith.constant dense<0x7F800000> : vector<200xf32>
    %reduce_min3A_304 = vector.multi_reduction <minimumf>, %select_n3A_293, %reduce_min3A_303 [1] : vector<200x1280xf32> to vector<200xf32>
    %broadcast_in_dim3A_305 = vector.shape_cast %reduce_min3A_304 : vector<200xf32> to vector<200x1xf32>
    %eq3A_306 = vector.broadcast %broadcast_in_dim3A_305 : vector<200x1xf32> to vector<200x1280xf32>
    %eq3A_307 = arith.cmpf oeq, %select_n3A_293, %eq3A_306 : vector<200x1280xf32>
    %jit3A_308 = arith.constant 1073741824 : i32
    %broadcast_in_dim3A_309 = vector.broadcast %jit3A_308 : i32 to vector<200x1280xi32>
    %select_n3A_310 = arith.select %eq3A_307, %iota3A_212, %broadcast_in_dim3A_309 : vector<200x1280xi1>, vector<200x1280xi32>
    %reduce_min3A_311 = arith.constant dense<2147483647> : vector<200xi32>
    %reduce_min3A_312 = vector.multi_reduction <minsi>, %select_n3A_310, %reduce_min3A_311 [1] : vector<200x1280xi32> to vector<200xi32>
    %broadcast_in_dim3A_313 = vector.shape_cast %reduce_min3A_312 : vector<200xi32> to vector<200x1xi32>
    %bitcast_convert_type3A_314 = tpu.bitcast %broadcast_in_dim3A_305 : vector<200x1xf32> -> vector<200x1xi32>
    %and3A_315 = arith.constant 7 : i32
    %and3A_316 = vector.broadcast %and3A_315 : i32 to vector<200x1xi32>
    %and3A_317 = arith.andi %bitcast_convert_type3A_314, %and3A_316 : vector<200x1xi32>
    %mul3A_318 = arith.constant 1280 : i32
    %mul3A_319 = vector.broadcast %mul3A_318 : i32 to vector<200x1xi32>
    %mul3A_320 = arith.muli %and3A_317, %mul3A_319 : vector<200x1xi32>
    %add3A_321 = arith.addi %mul3A_320, %broadcast_in_dim3A_313 : vector<200x1xi32>
    %eq3A_322 = vector.broadcast %broadcast_in_dim3A_313 : vector<200x1xi32> to vector<200x1280xi32>
    %eq3A_323 = arith.cmpi eq, %select_n3A_310, %eq3A_322 : vector<200x1280xi32>
    %select_n3A_324 = arith.select %eq3A_323, %select_n3A_294, %select_n3A_293 : vector<200x1280xi1>, vector<200x1280xf32>
    %select_n3A_325 = arith.select %eq3A_323, %select_n3A_295, %select_n3A_294 : vector<200x1280xi1>, vector<200x1280xf32>
    %select_n3A_326 = arith.select %eq3A_323, %select_n3A_296, %select_n3A_295 : vector<200x1280xi1>, vector<200x1280xf32>
    %select_n3A_327 = arith.select %eq3A_323, %select_n3A_297, %select_n3A_296 : vector<200x1280xi1>, vector<200x1280xf32>
    %select_n3A_328 = arith.select %eq3A_323, %select_n3A_298, %select_n3A_297 : vector<200x1280xi1>, vector<200x1280xf32>
    %select_n3A_329 = arith.select %eq3A_323, %select_n3A_299, %select_n3A_298 : vector<200x1280xi1>, vector<200x1280xf32>
    %select_n3A_330 = arith.select %eq3A_323, %select_n3A_302, %select_n3A_299 : vector<200x1280xi1>, vector<200x1280xf32>
    %jit3A_331 = arith.constant 1.000000e+30 : f32
    %broadcast_in_dim3A_332 = vector.broadcast %jit3A_331 : f32 to vector<200x1280xf32>
    %select_n3A_333 = arith.select %eq3A_323, %broadcast_in_dim3A_332, %select_n3A_302 : vector<200x1280xi1>, vector<200x1280xf32>
    %reduce_min3A_334 = arith.constant dense<0x7F800000> : vector<200xf32>
    %reduce_min3A_335 = vector.multi_reduction <minimumf>, %select_n3A_324, %reduce_min3A_334 [1] : vector<200x1280xf32> to vector<200xf32>
    %broadcast_in_dim3A_336 = vector.shape_cast %reduce_min3A_335 : vector<200xf32> to vector<200x1xf32>
    %eq3A_337 = vector.broadcast %broadcast_in_dim3A_336 : vector<200x1xf32> to vector<200x1280xf32>
    %eq3A_338 = arith.cmpf oeq, %select_n3A_324, %eq3A_337 : vector<200x1280xf32>
    %jit3A_339 = arith.constant 1073741824 : i32
    %broadcast_in_dim3A_340 = vector.broadcast %jit3A_339 : i32 to vector<200x1280xi32>
    %select_n3A_341 = arith.select %eq3A_338, %iota3A_212, %broadcast_in_dim3A_340 : vector<200x1280xi1>, vector<200x1280xi32>
    %reduce_min3A_342 = arith.constant dense<2147483647> : vector<200xi32>
    %reduce_min3A_343 = vector.multi_reduction <minsi>, %select_n3A_341, %reduce_min3A_342 [1] : vector<200x1280xi32> to vector<200xi32>
    %broadcast_in_dim3A_344 = vector.shape_cast %reduce_min3A_343 : vector<200xi32> to vector<200x1xi32>
    %bitcast_convert_type3A_345 = tpu.bitcast %broadcast_in_dim3A_336 : vector<200x1xf32> -> vector<200x1xi32>
    %and3A_346 = arith.constant 7 : i32
    %and3A_347 = vector.broadcast %and3A_346 : i32 to vector<200x1xi32>
    %and3A_348 = arith.andi %bitcast_convert_type3A_345, %and3A_347 : vector<200x1xi32>
    %mul3A_349 = arith.constant 1280 : i32
    %mul3A_350 = vector.broadcast %mul3A_349 : i32 to vector<200x1xi32>
    %mul3A_351 = arith.muli %and3A_348, %mul3A_350 : vector<200x1xi32>
    %add3A_352 = arith.addi %mul3A_351, %broadcast_in_dim3A_344 : vector<200x1xi32>
    %eq3A_353 = vector.broadcast %broadcast_in_dim3A_344 : vector<200x1xi32> to vector<200x1280xi32>
    %eq3A_354 = arith.cmpi eq, %select_n3A_341, %eq3A_353 : vector<200x1280xi32>
    %select_n3A_355 = arith.select %eq3A_354, %select_n3A_325, %select_n3A_324 : vector<200x1280xi1>, vector<200x1280xf32>
    %select_n3A_356 = arith.select %eq3A_354, %select_n3A_326, %select_n3A_325 : vector<200x1280xi1>, vector<200x1280xf32>
    %select_n3A_357 = arith.select %eq3A_354, %select_n3A_327, %select_n3A_326 : vector<200x1280xi1>, vector<200x1280xf32>
    %select_n3A_358 = arith.select %eq3A_354, %select_n3A_328, %select_n3A_327 : vector<200x1280xi1>, vector<200x1280xf32>
    %select_n3A_359 = arith.select %eq3A_354, %select_n3A_329, %select_n3A_328 : vector<200x1280xi1>, vector<200x1280xf32>
    %select_n3A_360 = arith.select %eq3A_354, %select_n3A_330, %select_n3A_329 : vector<200x1280xi1>, vector<200x1280xf32>
    %select_n3A_361 = arith.select %eq3A_354, %select_n3A_333, %select_n3A_330 : vector<200x1280xi1>, vector<200x1280xf32>
    %jit3A_362 = arith.constant 1.000000e+30 : f32
    %broadcast_in_dim3A_363 = vector.broadcast %jit3A_362 : f32 to vector<200x1280xf32>
    %select_n3A_364 = arith.select %eq3A_354, %broadcast_in_dim3A_363, %select_n3A_333 : vector<200x1280xi1>, vector<200x1280xf32>
    %reduce_min3A_365 = arith.constant dense<0x7F800000> : vector<200xf32>
    %reduce_min3A_366 = vector.multi_reduction <minimumf>, %select_n3A_355, %reduce_min3A_365 [1] : vector<200x1280xf32> to vector<200xf32>
    %broadcast_in_dim3A_367 = vector.shape_cast %reduce_min3A_366 : vector<200xf32> to vector<200x1xf32>
    %eq3A_368 = vector.broadcast %broadcast_in_dim3A_367 : vector<200x1xf32> to vector<200x1280xf32>
    %eq3A_369 = arith.cmpf oeq, %select_n3A_355, %eq3A_368 : vector<200x1280xf32>
    %jit3A_370 = arith.constant 1073741824 : i32
    %broadcast_in_dim3A_371 = vector.broadcast %jit3A_370 : i32 to vector<200x1280xi32>
    %select_n3A_372 = arith.select %eq3A_369, %iota3A_212, %broadcast_in_dim3A_371 : vector<200x1280xi1>, vector<200x1280xi32>
    %reduce_min3A_373 = arith.constant dense<2147483647> : vector<200xi32>
    %reduce_min3A_374 = vector.multi_reduction <minsi>, %select_n3A_372, %reduce_min3A_373 [1] : vector<200x1280xi32> to vector<200xi32>
    %broadcast_in_dim3A_375 = vector.shape_cast %reduce_min3A_374 : vector<200xi32> to vector<200x1xi32>
    %bitcast_convert_type3A_376 = tpu.bitcast %broadcast_in_dim3A_367 : vector<200x1xf32> -> vector<200x1xi32>
    %and3A_377 = arith.constant 7 : i32
    %and3A_378 = vector.broadcast %and3A_377 : i32 to vector<200x1xi32>
    %and3A_379 = arith.andi %bitcast_convert_type3A_376, %and3A_378 : vector<200x1xi32>
    %mul3A_380 = arith.constant 1280 : i32
    %mul3A_381 = vector.broadcast %mul3A_380 : i32 to vector<200x1xi32>
    %mul3A_382 = arith.muli %and3A_379, %mul3A_381 : vector<200x1xi32>
    %add3A_383 = arith.addi %mul3A_382, %broadcast_in_dim3A_375 : vector<200x1xi32>
    %eq3A_384 = vector.broadcast %broadcast_in_dim3A_375 : vector<200x1xi32> to vector<200x1280xi32>
    %eq3A_385 = arith.cmpi eq, %select_n3A_372, %eq3A_384 : vector<200x1280xi32>
    %select_n3A_386 = arith.select %eq3A_385, %select_n3A_356, %select_n3A_355 : vector<200x1280xi1>, vector<200x1280xf32>
    %select_n3A_387 = arith.select %eq3A_385, %select_n3A_357, %select_n3A_356 : vector<200x1280xi1>, vector<200x1280xf32>
    %select_n3A_388 = arith.select %eq3A_385, %select_n3A_358, %select_n3A_357 : vector<200x1280xi1>, vector<200x1280xf32>
    %select_n3A_389 = arith.select %eq3A_385, %select_n3A_359, %select_n3A_358 : vector<200x1280xi1>, vector<200x1280xf32>
    %select_n3A_390 = arith.select %eq3A_385, %select_n3A_360, %select_n3A_359 : vector<200x1280xi1>, vector<200x1280xf32>
    %select_n3A_391 = arith.select %eq3A_385, %select_n3A_361, %select_n3A_360 : vector<200x1280xi1>, vector<200x1280xf32>
    %select_n3A_392 = arith.select %eq3A_385, %select_n3A_364, %select_n3A_361 : vector<200x1280xi1>, vector<200x1280xf32>
    %jit3A_393 = arith.constant 1.000000e+30 : f32
    %broadcast_in_dim3A_394 = vector.broadcast %jit3A_393 : f32 to vector<200x1280xf32>
    %select_n3A_395 = arith.select %eq3A_385, %broadcast_in_dim3A_394, %select_n3A_364 : vector<200x1280xi1>, vector<200x1280xf32>
    %reduce_min3A_396 = arith.constant dense<0x7F800000> : vector<200xf32>
    %reduce_min3A_397 = vector.multi_reduction <minimumf>, %select_n3A_386, %reduce_min3A_396 [1] : vector<200x1280xf32> to vector<200xf32>
    %broadcast_in_dim3A_398 = vector.shape_cast %reduce_min3A_397 : vector<200xf32> to vector<200x1xf32>
    %eq3A_399 = vector.broadcast %broadcast_in_dim3A_398 : vector<200x1xf32> to vector<200x1280xf32>
    %eq3A_400 = arith.cmpf oeq, %select_n3A_386, %eq3A_399 : vector<200x1280xf32>
    %jit3A_401 = arith.constant 1073741824 : i32
    %broadcast_in_dim3A_402 = vector.broadcast %jit3A_401 : i32 to vector<200x1280xi32>
    %select_n3A_403 = arith.select %eq3A_400, %iota3A_212, %broadcast_in_dim3A_402 : vector<200x1280xi1>, vector<200x1280xi32>
    %reduce_min3A_404 = arith.constant dense<2147483647> : vector<200xi32>
    %reduce_min3A_405 = vector.multi_reduction <minsi>, %select_n3A_403, %reduce_min3A_404 [1] : vector<200x1280xi32> to vector<200xi32>
    %broadcast_in_dim3A_406 = vector.shape_cast %reduce_min3A_405 : vector<200xi32> to vector<200x1xi32>
    %bitcast_convert_type3A_407 = tpu.bitcast %broadcast_in_dim3A_398 : vector<200x1xf32> -> vector<200x1xi32>
    %and3A_408 = arith.constant 7 : i32
    %and3A_409 = vector.broadcast %and3A_408 : i32 to vector<200x1xi32>
    %and3A_410 = arith.andi %bitcast_convert_type3A_407, %and3A_409 : vector<200x1xi32>
    %mul3A_411 = arith.constant 1280 : i32
    %mul3A_412 = vector.broadcast %mul3A_411 : i32 to vector<200x1xi32>
    %mul3A_413 = arith.muli %and3A_410, %mul3A_412 : vector<200x1xi32>
    %add3A_414 = arith.addi %mul3A_413, %broadcast_in_dim3A_406 : vector<200x1xi32>
    %eq3A_415 = vector.broadcast %broadcast_in_dim3A_406 : vector<200x1xi32> to vector<200x1280xi32>
    %eq3A_416 = arith.cmpi eq, %select_n3A_403, %eq3A_415 : vector<200x1280xi32>
    %select_n3A_417 = arith.select %eq3A_416, %select_n3A_387, %select_n3A_386 : vector<200x1280xi1>, vector<200x1280xf32>
    %select_n3A_418 = arith.select %eq3A_416, %select_n3A_388, %select_n3A_387 : vector<200x1280xi1>, vector<200x1280xf32>
    %select_n3A_419 = arith.select %eq3A_416, %select_n3A_389, %select_n3A_388 : vector<200x1280xi1>, vector<200x1280xf32>
    %select_n3A_420 = arith.select %eq3A_416, %select_n3A_390, %select_n3A_389 : vector<200x1280xi1>, vector<200x1280xf32>
    %select_n3A_421 = arith.select %eq3A_416, %select_n3A_391, %select_n3A_390 : vector<200x1280xi1>, vector<200x1280xf32>
    %select_n3A_422 = arith.select %eq3A_416, %select_n3A_392, %select_n3A_391 : vector<200x1280xi1>, vector<200x1280xf32>
    %select_n3A_423 = arith.select %eq3A_416, %select_n3A_395, %select_n3A_392 : vector<200x1280xi1>, vector<200x1280xf32>
    %jit3A_424 = arith.constant 1.000000e+30 : f32
    %broadcast_in_dim3A_425 = vector.broadcast %jit3A_424 : f32 to vector<200x1280xf32>
    %select_n3A_426 = arith.select %eq3A_416, %broadcast_in_dim3A_425, %select_n3A_395 : vector<200x1280xi1>, vector<200x1280xf32>
    %reduce_min3A_427 = arith.constant dense<0x7F800000> : vector<200xf32>
    %reduce_min3A_428 = vector.multi_reduction <minimumf>, %select_n3A_417, %reduce_min3A_427 [1] : vector<200x1280xf32> to vector<200xf32>
    %broadcast_in_dim3A_429 = vector.shape_cast %reduce_min3A_428 : vector<200xf32> to vector<200x1xf32>
    %eq3A_430 = vector.broadcast %broadcast_in_dim3A_429 : vector<200x1xf32> to vector<200x1280xf32>
    %eq3A_431 = arith.cmpf oeq, %select_n3A_417, %eq3A_430 : vector<200x1280xf32>
    %jit3A_432 = arith.constant 1073741824 : i32
    %broadcast_in_dim3A_433 = vector.broadcast %jit3A_432 : i32 to vector<200x1280xi32>
    %select_n3A_434 = arith.select %eq3A_431, %iota3A_212, %broadcast_in_dim3A_433 : vector<200x1280xi1>, vector<200x1280xi32>
    %reduce_min3A_435 = arith.constant dense<2147483647> : vector<200xi32>
    %reduce_min3A_436 = vector.multi_reduction <minsi>, %select_n3A_434, %reduce_min3A_435 [1] : vector<200x1280xi32> to vector<200xi32>
    %broadcast_in_dim3A_437 = vector.shape_cast %reduce_min3A_436 : vector<200xi32> to vector<200x1xi32>
    %bitcast_convert_type3A_438 = tpu.bitcast %broadcast_in_dim3A_429 : vector<200x1xf32> -> vector<200x1xi32>
    %and3A_439 = arith.constant 7 : i32
    %and3A_440 = vector.broadcast %and3A_439 : i32 to vector<200x1xi32>
    %and3A_441 = arith.andi %bitcast_convert_type3A_438, %and3A_440 : vector<200x1xi32>
    %mul3A_442 = arith.constant 1280 : i32
    %mul3A_443 = vector.broadcast %mul3A_442 : i32 to vector<200x1xi32>
    %mul3A_444 = arith.muli %and3A_441, %mul3A_443 : vector<200x1xi32>
    %add3A_445 = arith.addi %mul3A_444, %broadcast_in_dim3A_437 : vector<200x1xi32>
    %eq3A_446 = vector.broadcast %broadcast_in_dim3A_437 : vector<200x1xi32> to vector<200x1280xi32>
    %eq3A_447 = arith.cmpi eq, %select_n3A_434, %eq3A_446 : vector<200x1280xi32>
    %select_n3A_448 = arith.select %eq3A_447, %select_n3A_418, %select_n3A_417 : vector<200x1280xi1>, vector<200x1280xf32>
    %select_n3A_449 = arith.select %eq3A_447, %select_n3A_419, %select_n3A_418 : vector<200x1280xi1>, vector<200x1280xf32>
    %select_n3A_450 = arith.select %eq3A_447, %select_n3A_420, %select_n3A_419 : vector<200x1280xi1>, vector<200x1280xf32>
    %select_n3A_451 = arith.select %eq3A_447, %select_n3A_421, %select_n3A_420 : vector<200x1280xi1>, vector<200x1280xf32>
    %select_n3A_452 = arith.select %eq3A_447, %select_n3A_422, %select_n3A_421 : vector<200x1280xi1>, vector<200x1280xf32>
    %select_n3A_453 = arith.select %eq3A_447, %select_n3A_423, %select_n3A_422 : vector<200x1280xi1>, vector<200x1280xf32>
    %select_n3A_454 = arith.select %eq3A_447, %select_n3A_426, %select_n3A_423 : vector<200x1280xi1>, vector<200x1280xf32>
    %jit3A_455 = arith.constant 1.000000e+30 : f32
    %broadcast_in_dim3A_456 = vector.broadcast %jit3A_455 : f32 to vector<200x1280xf32>
    %select_n3A_457 = arith.select %eq3A_447, %broadcast_in_dim3A_456, %select_n3A_426 : vector<200x1280xi1>, vector<200x1280xf32>
    %reduce_min3A_458 = arith.constant dense<0x7F800000> : vector<200xf32>
    %reduce_min3A_459 = vector.multi_reduction <minimumf>, %select_n3A_448, %reduce_min3A_458 [1] : vector<200x1280xf32> to vector<200xf32>
    %broadcast_in_dim3A_460 = vector.shape_cast %reduce_min3A_459 : vector<200xf32> to vector<200x1xf32>
    %eq3A_461 = vector.broadcast %broadcast_in_dim3A_460 : vector<200x1xf32> to vector<200x1280xf32>
    %eq3A_462 = arith.cmpf oeq, %select_n3A_448, %eq3A_461 : vector<200x1280xf32>
    %jit3A_463 = arith.constant 1073741824 : i32
    %broadcast_in_dim3A_464 = vector.broadcast %jit3A_463 : i32 to vector<200x1280xi32>
    %select_n3A_465 = arith.select %eq3A_462, %iota3A_212, %broadcast_in_dim3A_464 : vector<200x1280xi1>, vector<200x1280xi32>
    %reduce_min3A_466 = arith.constant dense<2147483647> : vector<200xi32>
    %reduce_min3A_467 = vector.multi_reduction <minsi>, %select_n3A_465, %reduce_min3A_466 [1] : vector<200x1280xi32> to vector<200xi32>
    %broadcast_in_dim3A_468 = vector.shape_cast %reduce_min3A_467 : vector<200xi32> to vector<200x1xi32>
    %bitcast_convert_type3A_469 = tpu.bitcast %broadcast_in_dim3A_460 : vector<200x1xf32> -> vector<200x1xi32>
    %and3A_470 = arith.constant 7 : i32
    %and3A_471 = vector.broadcast %and3A_470 : i32 to vector<200x1xi32>
    %and3A_472 = arith.andi %bitcast_convert_type3A_469, %and3A_471 : vector<200x1xi32>
    %mul3A_473 = arith.constant 1280 : i32
    %mul3A_474 = vector.broadcast %mul3A_473 : i32 to vector<200x1xi32>
    %mul3A_475 = arith.muli %and3A_472, %mul3A_474 : vector<200x1xi32>
    %add3A_476 = arith.addi %mul3A_475, %broadcast_in_dim3A_468 : vector<200x1xi32>
    %eq3A_477 = vector.broadcast %broadcast_in_dim3A_468 : vector<200x1xi32> to vector<200x1280xi32>
    %eq3A_478 = arith.cmpi eq, %select_n3A_465, %eq3A_477 : vector<200x1280xi32>
    %select_n3A_479 = arith.select %eq3A_478, %select_n3A_449, %select_n3A_448 : vector<200x1280xi1>, vector<200x1280xf32>
    %select_n3A_480 = arith.select %eq3A_478, %select_n3A_450, %select_n3A_449 : vector<200x1280xi1>, vector<200x1280xf32>
    %select_n3A_481 = arith.select %eq3A_478, %select_n3A_451, %select_n3A_450 : vector<200x1280xi1>, vector<200x1280xf32>
    %select_n3A_482 = arith.select %eq3A_478, %select_n3A_452, %select_n3A_451 : vector<200x1280xi1>, vector<200x1280xf32>
    %select_n3A_483 = arith.select %eq3A_478, %select_n3A_453, %select_n3A_452 : vector<200x1280xi1>, vector<200x1280xf32>
    %select_n3A_484 = arith.select %eq3A_478, %select_n3A_454, %select_n3A_453 : vector<200x1280xi1>, vector<200x1280xf32>
    %select_n3A_485 = arith.select %eq3A_478, %select_n3A_457, %select_n3A_454 : vector<200x1280xi1>, vector<200x1280xf32>
    %reduce_min3A_486 = arith.constant dense<0x7F800000> : vector<200xf32>
    %reduce_min3A_487 = vector.multi_reduction <minimumf>, %select_n3A_479, %reduce_min3A_486 [1] : vector<200x1280xf32> to vector<200xf32>
    %broadcast_in_dim3A_488 = vector.shape_cast %reduce_min3A_487 : vector<200xf32> to vector<200x1xf32>
    %eq3A_489 = vector.broadcast %broadcast_in_dim3A_488 : vector<200x1xf32> to vector<200x1280xf32>
    %eq3A_490 = arith.cmpf oeq, %select_n3A_479, %eq3A_489 : vector<200x1280xf32>
    %jit3A_491 = arith.constant 1073741824 : i32
    %broadcast_in_dim3A_492 = vector.broadcast %jit3A_491 : i32 to vector<200x1280xi32>
    %select_n3A_493 = arith.select %eq3A_490, %iota3A_212, %broadcast_in_dim3A_492 : vector<200x1280xi1>, vector<200x1280xi32>
    %reduce_min3A_494 = arith.constant dense<2147483647> : vector<200xi32>
    %reduce_min3A_495 = vector.multi_reduction <minsi>, %select_n3A_493, %reduce_min3A_494 [1] : vector<200x1280xi32> to vector<200xi32>
    %broadcast_in_dim3A_496 = vector.shape_cast %reduce_min3A_495 : vector<200xi32> to vector<200x1xi32>
    %bitcast_convert_type3A_497 = tpu.bitcast %broadcast_in_dim3A_488 : vector<200x1xf32> -> vector<200x1xi32>
    %and3A_498 = arith.constant 7 : i32
    %and3A_499 = vector.broadcast %and3A_498 : i32 to vector<200x1xi32>
    %and3A_500 = arith.andi %bitcast_convert_type3A_497, %and3A_499 : vector<200x1xi32>
    %mul3A_501 = arith.constant 1280 : i32
    %mul3A_502 = vector.broadcast %mul3A_501 : i32 to vector<200x1xi32>
    %mul3A_503 = arith.muli %and3A_500, %mul3A_502 : vector<200x1xi32>
    %add3A_504 = arith.addi %mul3A_503, %broadcast_in_dim3A_496 : vector<200x1xi32>
    %eq3A_505 = vector.broadcast %broadcast_in_dim3A_496 : vector<200x1xi32> to vector<200x1280xi32>
    %eq3A_506 = arith.cmpi eq, %select_n3A_493, %eq3A_505 : vector<200x1280xi32>
    %select_n3A_507 = arith.select %eq3A_506, %select_n3A_480, %select_n3A_479 : vector<200x1280xi1>, vector<200x1280xf32>
    %select_n3A_508 = arith.select %eq3A_506, %select_n3A_481, %select_n3A_480 : vector<200x1280xi1>, vector<200x1280xf32>
    %select_n3A_509 = arith.select %eq3A_506, %select_n3A_482, %select_n3A_481 : vector<200x1280xi1>, vector<200x1280xf32>
    %select_n3A_510 = arith.select %eq3A_506, %select_n3A_483, %select_n3A_482 : vector<200x1280xi1>, vector<200x1280xf32>
    %select_n3A_511 = arith.select %eq3A_506, %select_n3A_484, %select_n3A_483 : vector<200x1280xi1>, vector<200x1280xf32>
    %select_n3A_512 = arith.select %eq3A_506, %select_n3A_485, %select_n3A_484 : vector<200x1280xi1>, vector<200x1280xf32>
    %reduce_min3A_513 = arith.constant dense<0x7F800000> : vector<200xf32>
    %reduce_min3A_514 = vector.multi_reduction <minimumf>, %select_n3A_507, %reduce_min3A_513 [1] : vector<200x1280xf32> to vector<200xf32>
    %broadcast_in_dim3A_515 = vector.shape_cast %reduce_min3A_514 : vector<200xf32> to vector<200x1xf32>
    %eq3A_516 = vector.broadcast %broadcast_in_dim3A_515 : vector<200x1xf32> to vector<200x1280xf32>
    %eq3A_517 = arith.cmpf oeq, %select_n3A_507, %eq3A_516 : vector<200x1280xf32>
    %jit3A_518 = arith.constant 1073741824 : i32
    %broadcast_in_dim3A_519 = vector.broadcast %jit3A_518 : i32 to vector<200x1280xi32>
    %select_n3A_520 = arith.select %eq3A_517, %iota3A_212, %broadcast_in_dim3A_519 : vector<200x1280xi1>, vector<200x1280xi32>
    %reduce_min3A_521 = arith.constant dense<2147483647> : vector<200xi32>
    %reduce_min3A_522 = vector.multi_reduction <minsi>, %select_n3A_520, %reduce_min3A_521 [1] : vector<200x1280xi32> to vector<200xi32>
    %broadcast_in_dim3A_523 = vector.shape_cast %reduce_min3A_522 : vector<200xi32> to vector<200x1xi32>
    %bitcast_convert_type3A_524 = tpu.bitcast %broadcast_in_dim3A_515 : vector<200x1xf32> -> vector<200x1xi32>
    %and3A_525 = arith.constant 7 : i32
    %and3A_526 = vector.broadcast %and3A_525 : i32 to vector<200x1xi32>
    %and3A_527 = arith.andi %bitcast_convert_type3A_524, %and3A_526 : vector<200x1xi32>
    %mul3A_528 = arith.constant 1280 : i32
    %mul3A_529 = vector.broadcast %mul3A_528 : i32 to vector<200x1xi32>
    %mul3A_530 = arith.muli %and3A_527, %mul3A_529 : vector<200x1xi32>
    %add3A_531 = arith.addi %mul3A_530, %broadcast_in_dim3A_523 : vector<200x1xi32>
    %eq3A_532 = vector.broadcast %broadcast_in_dim3A_523 : vector<200x1xi32> to vector<200x1280xi32>
    %eq3A_533 = arith.cmpi eq, %select_n3A_520, %eq3A_532 : vector<200x1280xi32>
    %select_n3A_534 = arith.select %eq3A_533, %select_n3A_508, %select_n3A_507 : vector<200x1280xi1>, vector<200x1280xf32>
    %select_n3A_535 = arith.select %eq3A_533, %select_n3A_509, %select_n3A_508 : vector<200x1280xi1>, vector<200x1280xf32>
    %select_n3A_536 = arith.select %eq3A_533, %select_n3A_510, %select_n3A_509 : vector<200x1280xi1>, vector<200x1280xf32>
    %select_n3A_537 = arith.select %eq3A_533, %select_n3A_511, %select_n3A_510 : vector<200x1280xi1>, vector<200x1280xf32>
    %select_n3A_538 = arith.select %eq3A_533, %select_n3A_512, %select_n3A_511 : vector<200x1280xi1>, vector<200x1280xf32>
    %reduce_min3A_539 = arith.constant dense<0x7F800000> : vector<200xf32>
    %reduce_min3A_540 = vector.multi_reduction <minimumf>, %select_n3A_534, %reduce_min3A_539 [1] : vector<200x1280xf32> to vector<200xf32>
    %broadcast_in_dim3A_541 = vector.shape_cast %reduce_min3A_540 : vector<200xf32> to vector<200x1xf32>
    %eq3A_542 = vector.broadcast %broadcast_in_dim3A_541 : vector<200x1xf32> to vector<200x1280xf32>
    %eq3A_543 = arith.cmpf oeq, %select_n3A_534, %eq3A_542 : vector<200x1280xf32>
    %jit3A_544 = arith.constant 1073741824 : i32
    %broadcast_in_dim3A_545 = vector.broadcast %jit3A_544 : i32 to vector<200x1280xi32>
    %select_n3A_546 = arith.select %eq3A_543, %iota3A_212, %broadcast_in_dim3A_545 : vector<200x1280xi1>, vector<200x1280xi32>
    %reduce_min3A_547 = arith.constant dense<2147483647> : vector<200xi32>
    %reduce_min3A_548 = vector.multi_reduction <minsi>, %select_n3A_546, %reduce_min3A_547 [1] : vector<200x1280xi32> to vector<200xi32>
    %broadcast_in_dim3A_549 = vector.shape_cast %reduce_min3A_548 : vector<200xi32> to vector<200x1xi32>
    %bitcast_convert_type3A_550 = tpu.bitcast %broadcast_in_dim3A_541 : vector<200x1xf32> -> vector<200x1xi32>
    %and3A_551 = arith.constant 7 : i32
    %and3A_552 = vector.broadcast %and3A_551 : i32 to vector<200x1xi32>
    %and3A_553 = arith.andi %bitcast_convert_type3A_550, %and3A_552 : vector<200x1xi32>
    %mul3A_554 = arith.constant 1280 : i32
    %mul3A_555 = vector.broadcast %mul3A_554 : i32 to vector<200x1xi32>
    %mul3A_556 = arith.muli %and3A_553, %mul3A_555 : vector<200x1xi32>
    %add3A_557 = arith.addi %mul3A_556, %broadcast_in_dim3A_549 : vector<200x1xi32>
    %eq3A_558 = vector.broadcast %broadcast_in_dim3A_549 : vector<200x1xi32> to vector<200x1280xi32>
    %eq3A_559 = arith.cmpi eq, %select_n3A_546, %eq3A_558 : vector<200x1280xi32>
    %select_n3A_560 = arith.select %eq3A_559, %select_n3A_535, %select_n3A_534 : vector<200x1280xi1>, vector<200x1280xf32>
    %select_n3A_561 = arith.select %eq3A_559, %select_n3A_536, %select_n3A_535 : vector<200x1280xi1>, vector<200x1280xf32>
    %select_n3A_562 = arith.select %eq3A_559, %select_n3A_537, %select_n3A_536 : vector<200x1280xi1>, vector<200x1280xf32>
    %select_n3A_563 = arith.select %eq3A_559, %select_n3A_538, %select_n3A_537 : vector<200x1280xi1>, vector<200x1280xf32>
    %reduce_min3A_564 = arith.constant dense<0x7F800000> : vector<200xf32>
    %reduce_min3A_565 = vector.multi_reduction <minimumf>, %select_n3A_560, %reduce_min3A_564 [1] : vector<200x1280xf32> to vector<200xf32>
    %broadcast_in_dim3A_566 = vector.shape_cast %reduce_min3A_565 : vector<200xf32> to vector<200x1xf32>
    %eq3A_567 = vector.broadcast %broadcast_in_dim3A_566 : vector<200x1xf32> to vector<200x1280xf32>
    %eq3A_568 = arith.cmpf oeq, %select_n3A_560, %eq3A_567 : vector<200x1280xf32>
    %jit3A_569 = arith.constant 1073741824 : i32
    %broadcast_in_dim3A_570 = vector.broadcast %jit3A_569 : i32 to vector<200x1280xi32>
    %select_n3A_571 = arith.select %eq3A_568, %iota3A_212, %broadcast_in_dim3A_570 : vector<200x1280xi1>, vector<200x1280xi32>
    %reduce_min3A_572 = arith.constant dense<2147483647> : vector<200xi32>
    %reduce_min3A_573 = vector.multi_reduction <minsi>, %select_n3A_571, %reduce_min3A_572 [1] : vector<200x1280xi32> to vector<200xi32>
    %broadcast_in_dim3A_574 = vector.shape_cast %reduce_min3A_573 : vector<200xi32> to vector<200x1xi32>
    %bitcast_convert_type3A_575 = tpu.bitcast %broadcast_in_dim3A_566 : vector<200x1xf32> -> vector<200x1xi32>
    %and3A_576 = arith.constant 7 : i32
    %and3A_577 = vector.broadcast %and3A_576 : i32 to vector<200x1xi32>
    %and3A_578 = arith.andi %bitcast_convert_type3A_575, %and3A_577 : vector<200x1xi32>
    %mul3A_579 = arith.constant 1280 : i32
    %mul3A_580 = vector.broadcast %mul3A_579 : i32 to vector<200x1xi32>
    %mul3A_581 = arith.muli %and3A_578, %mul3A_580 : vector<200x1xi32>
    %add3A_582 = arith.addi %mul3A_581, %broadcast_in_dim3A_574 : vector<200x1xi32>
    %eq3A_583 = vector.broadcast %broadcast_in_dim3A_574 : vector<200x1xi32> to vector<200x1280xi32>
    %eq3A_584 = arith.cmpi eq, %select_n3A_571, %eq3A_583 : vector<200x1280xi32>
    %select_n3A_585 = arith.select %eq3A_584, %select_n3A_561, %select_n3A_560 : vector<200x1280xi1>, vector<200x1280xf32>
    %select_n3A_586 = arith.select %eq3A_584, %select_n3A_562, %select_n3A_561 : vector<200x1280xi1>, vector<200x1280xf32>
    %select_n3A_587 = arith.select %eq3A_584, %select_n3A_563, %select_n3A_562 : vector<200x1280xi1>, vector<200x1280xf32>
    %reduce_min3A_588 = arith.constant dense<0x7F800000> : vector<200xf32>
    %reduce_min3A_589 = vector.multi_reduction <minimumf>, %select_n3A_585, %reduce_min3A_588 [1] : vector<200x1280xf32> to vector<200xf32>
    %broadcast_in_dim3A_590 = vector.shape_cast %reduce_min3A_589 : vector<200xf32> to vector<200x1xf32>
    %eq3A_591 = vector.broadcast %broadcast_in_dim3A_590 : vector<200x1xf32> to vector<200x1280xf32>
    %eq3A_592 = arith.cmpf oeq, %select_n3A_585, %eq3A_591 : vector<200x1280xf32>
    %jit3A_593 = arith.constant 1073741824 : i32
    %broadcast_in_dim3A_594 = vector.broadcast %jit3A_593 : i32 to vector<200x1280xi32>
    %select_n3A_595 = arith.select %eq3A_592, %iota3A_212, %broadcast_in_dim3A_594 : vector<200x1280xi1>, vector<200x1280xi32>
    %reduce_min3A_596 = arith.constant dense<2147483647> : vector<200xi32>
    %reduce_min3A_597 = vector.multi_reduction <minsi>, %select_n3A_595, %reduce_min3A_596 [1] : vector<200x1280xi32> to vector<200xi32>
    %broadcast_in_dim3A_598 = vector.shape_cast %reduce_min3A_597 : vector<200xi32> to vector<200x1xi32>
    %bitcast_convert_type3A_599 = tpu.bitcast %broadcast_in_dim3A_590 : vector<200x1xf32> -> vector<200x1xi32>
    %and3A_600 = arith.constant 7 : i32
    %and3A_601 = vector.broadcast %and3A_600 : i32 to vector<200x1xi32>
    %and3A_602 = arith.andi %bitcast_convert_type3A_599, %and3A_601 : vector<200x1xi32>
    %mul3A_603 = arith.constant 1280 : i32
    %mul3A_604 = vector.broadcast %mul3A_603 : i32 to vector<200x1xi32>
    %mul3A_605 = arith.muli %and3A_602, %mul3A_604 : vector<200x1xi32>
    %add3A_606 = arith.addi %mul3A_605, %broadcast_in_dim3A_598 : vector<200x1xi32>
    %eq3A_607 = vector.broadcast %broadcast_in_dim3A_598 : vector<200x1xi32> to vector<200x1280xi32>
    %eq3A_608 = arith.cmpi eq, %select_n3A_595, %eq3A_607 : vector<200x1280xi32>
    %select_n3A_609 = arith.select %eq3A_608, %select_n3A_586, %select_n3A_585 : vector<200x1280xi1>, vector<200x1280xf32>
    %select_n3A_610 = arith.select %eq3A_608, %select_n3A_587, %select_n3A_586 : vector<200x1280xi1>, vector<200x1280xf32>
    %reduce_min3A_611 = arith.constant dense<0x7F800000> : vector<200xf32>
    %reduce_min3A_612 = vector.multi_reduction <minimumf>, %select_n3A_609, %reduce_min3A_611 [1] : vector<200x1280xf32> to vector<200xf32>
    %broadcast_in_dim3A_613 = vector.shape_cast %reduce_min3A_612 : vector<200xf32> to vector<200x1xf32>
    %eq3A_614 = vector.broadcast %broadcast_in_dim3A_613 : vector<200x1xf32> to vector<200x1280xf32>
    %eq3A_615 = arith.cmpf oeq, %select_n3A_609, %eq3A_614 : vector<200x1280xf32>
    %jit3A_616 = arith.constant 1073741824 : i32
    %broadcast_in_dim3A_617 = vector.broadcast %jit3A_616 : i32 to vector<200x1280xi32>
    %select_n3A_618 = arith.select %eq3A_615, %iota3A_212, %broadcast_in_dim3A_617 : vector<200x1280xi1>, vector<200x1280xi32>
    %reduce_min3A_619 = arith.constant dense<2147483647> : vector<200xi32>
    %reduce_min3A_620 = vector.multi_reduction <minsi>, %select_n3A_618, %reduce_min3A_619 [1] : vector<200x1280xi32> to vector<200xi32>
    %broadcast_in_dim3A_621 = vector.shape_cast %reduce_min3A_620 : vector<200xi32> to vector<200x1xi32>
    %bitcast_convert_type3A_622 = tpu.bitcast %broadcast_in_dim3A_613 : vector<200x1xf32> -> vector<200x1xi32>
    %and3A_623 = arith.constant 7 : i32
    %and3A_624 = vector.broadcast %and3A_623 : i32 to vector<200x1xi32>
    %and3A_625 = arith.andi %bitcast_convert_type3A_622, %and3A_624 : vector<200x1xi32>
    %mul3A_626 = arith.constant 1280 : i32
    %mul3A_627 = vector.broadcast %mul3A_626 : i32 to vector<200x1xi32>
    %mul3A_628 = arith.muli %and3A_625, %mul3A_627 : vector<200x1xi32>
    %add3A_629 = arith.addi %mul3A_628, %broadcast_in_dim3A_621 : vector<200x1xi32>
    %eq3A_630 = vector.broadcast %broadcast_in_dim3A_621 : vector<200x1xi32> to vector<200x1280xi32>
    %eq3A_631 = arith.cmpi eq, %select_n3A_618, %eq3A_630 : vector<200x1280xi32>
    %select_n3A_632 = arith.select %eq3A_631, %select_n3A_610, %select_n3A_609 : vector<200x1280xi1>, vector<200x1280xf32>
    %reduce_min3A_633 = arith.constant dense<0x7F800000> : vector<200xf32>
    %reduce_min3A_634 = vector.multi_reduction <minimumf>, %select_n3A_632, %reduce_min3A_633 [1] : vector<200x1280xf32> to vector<200xf32>
    %broadcast_in_dim3A_635 = vector.shape_cast %reduce_min3A_634 : vector<200xf32> to vector<200x1xf32>
    %eq3A_636 = vector.broadcast %broadcast_in_dim3A_635 : vector<200x1xf32> to vector<200x1280xf32>
    %eq3A_637 = arith.cmpf oeq, %select_n3A_632, %eq3A_636 : vector<200x1280xf32>
    %jit3A_638 = arith.constant 1073741824 : i32
    %broadcast_in_dim3A_639 = vector.broadcast %jit3A_638 : i32 to vector<200x1280xi32>
    %select_n3A_640 = arith.select %eq3A_637, %iota3A_212, %broadcast_in_dim3A_639 : vector<200x1280xi1>, vector<200x1280xi32>
    %reduce_min3A_641 = arith.constant dense<2147483647> : vector<200xi32>
    %reduce_min3A_642 = vector.multi_reduction <minsi>, %select_n3A_640, %reduce_min3A_641 [1] : vector<200x1280xi32> to vector<200xi32>
    %broadcast_in_dim3A_643 = vector.shape_cast %reduce_min3A_642 : vector<200xi32> to vector<200x1xi32>
    %bitcast_convert_type3A_644 = tpu.bitcast %broadcast_in_dim3A_635 : vector<200x1xf32> -> vector<200x1xi32>
    %and3A_645 = arith.constant 7 : i32
    %and3A_646 = vector.broadcast %and3A_645 : i32 to vector<200x1xi32>
    %and3A_647 = arith.andi %bitcast_convert_type3A_644, %and3A_646 : vector<200x1xi32>
    %mul3A_648 = arith.constant 1280 : i32
    %mul3A_649 = vector.broadcast %mul3A_648 : i32 to vector<200x1xi32>
    %mul3A_650 = arith.muli %and3A_647, %mul3A_649 : vector<200x1xi32>
    %add3A_651 = arith.addi %mul3A_650, %broadcast_in_dim3A_643 : vector<200x1xi32>
    %concatenate3A = tpu.concatenate %add3A_228, %add3A_259, %add3A_290, %add3A_321, %add3A_352, %add3A_383, %add3A_414, %add3A_445, %add3A_476, %add3A_504, %add3A_531, %add3A_557, %add3A_582, %add3A_606, %add3A_629, %add3A_651 in 1 : vector<200x1xi32>, vector<200x1xi32>, vector<200x1xi32>, vector<200x1xi32>, vector<200x1xi32>, vector<200x1xi32>, vector<200x1xi32>, vector<200x1xi32>, vector<200x1xi32>, vector<200x1xi32>, vector<200x1xi32>, vector<200x1xi32>, vector<200x1xi32>, vector<200x1xi32>, vector<200x1xi32>, vector<200x1xi32> -> vector<200x16xi32>
    %swap3A = arith.constant 0 : index
    %swap3A_652 = arith.constant 0 : index
    %swap3A_653 = vector.load %arg4[%swap3A, %swap3A_652] : memref<200x16xi32, #tpu.memory_space<vmem>>, vector<200x16xi32>
    tpu.vector_store %arg4[%swap3A, %swap3A_652], %concatenate3A {strides = array<i32>} : memref<200x16xi32, #tpu.memory_space<vmem>>, vector<200x16xi32>,
    return
  }
  func.func @transform_0(%arg0: i32) -> (i32, i32) {
    %c0_i32 = arith.constant 0 : i32
    %c0_i32_0 = arith.constant 0 : i32
    return %arg0, %c0_i32 : i32, i32
  }
  func.func @transform_1(%arg0: i32) -> (i32, i32) {
    %c0_i32 = arith.constant 0 : i32
    %c0_i32_0 = arith.constant 0 : i32
    %c0_i32_1 = arith.constant 0 : i32
    return %c0_i32, %c0_i32_0 : i32, i32
  }
  func.func @transform_2(%arg0: i32) -> (i32, i32) {
    %c0_i32 = arith.constant 0 : i32
    %c0_i32_0 = arith.constant 0 : i32
    %c0_i32_1 = arith.constant 0 : i32
    return %c0_i32, %c0_i32_0 : i32, i32
  }
  func.func @transform_3(%arg0: i32) -> (i32, i32) {
    %c0_i32 = arith.constant 0 : i32
    %c0_i32_0 = arith.constant 0 : i32
    return %arg0, %c0_i32 : i32, i32
  }
}

module attributes {stable_mosaic.version = 14 : i64} {
  func.func @_qkv_body(%arg0: i32, %arg1: memref<400x128xf32, #tpu.memory_space<vmem>>, %arg2: memref<128x384xf32, #tpu.memory_space<vmem>>, %arg3: memref<400x128xf32, #tpu.memory_space<vmem>>, %arg4: memref<400x128xf32, #tpu.memory_space<vmem>>, %arg5: memref<400x128xf32, #tpu.memory_space<vmem>>) attributes {dimension_semantics = [#tpu.dimension_semantics<parallel>], iteration_bounds = array<i64: 25>, scalar_prefetch = 0 : i64, scratch_operands = 0 : i64, tpu.core_type = #tpu.core_type<tc>, window_params = [{transform_indices = @transform_0, window_bounds = array<i64: 400, 128>}, {pipeline_mode = #tpu.pipeline_mode<synchronous>, transform_indices = @transform_1, window_bounds = array<i64: 128, 384>}, {transform_indices = @transform_2, window_bounds = array<i64: 400, 128>}, {transform_indices = @transform_3, window_bounds = array<i64: 400, 128>}, {transform_indices = @transform_4, window_bounds = array<i64: 400, 128>}]} {
    %get3A = arith.constant 0 : index
    %get3A_0 = arith.constant 0 : index
    %get3A_1 = vector.load %arg1[%get3A, %get3A_0] : memref<400x128xf32, #tpu.memory_space<vmem>>, vector<400x128xf32>
    %get3A_2 = arith.constant 0 : index
    %get3A_3 = arith.constant 0 : index
    %get3A_4 = vector.load %arg2[%get3A_2, %get3A_3] : memref<128x384xf32, #tpu.memory_space<vmem>>, vector<128x384xf32>
    %dot_general3A = arith.constant dense<0.000000e+00> : vector<400x384xf32>
    %dot_general3A_5 = tpu.matmul %get3A_1, %get3A_4, %dot_general3A {dimension_numbers = #tpu.dot_dimension_numbers<[1], [0], [0], [1], [0, 0, 1, 1], [], []>, transpose_lhs_hint = false} : vector<400x128xf32>, vector<128x384xf32>, vector<400x384xf32> -> vector<400x384xf32>
    %slice3A = vector.extract_strided_slice %dot_general3A_5 {offsets = [0, 0], sizes = [400, 128], strides = [1, 1]} : vector<400x384xf32> to vector<400x128xf32>
    %swap3A = arith.constant 0 : index
    %swap3A_6 = arith.constant 0 : index
    %swap3A_7 = vector.load %arg3[%swap3A, %swap3A_6] : memref<400x128xf32, #tpu.memory_space<vmem>>, vector<400x128xf32>
    tpu.vector_store %arg3[%swap3A, %swap3A_6], %slice3A {strides = array<i32>} : memref<400x128xf32, #tpu.memory_space<vmem>>, vector<400x128xf32>,
    %slice3A_8 = vector.extract_strided_slice %dot_general3A_5 {offsets = [0, 128], sizes = [400, 128], strides = [1, 1]} : vector<400x384xf32> to vector<400x128xf32>
    %swap3A_9 = arith.constant 0 : index
    %swap3A_10 = arith.constant 0 : index
    %swap3A_11 = vector.load %arg4[%swap3A_9, %swap3A_10] : memref<400x128xf32, #tpu.memory_space<vmem>>, vector<400x128xf32>
    tpu.vector_store %arg4[%swap3A_9, %swap3A_10], %slice3A_8 {strides = array<i32>} : memref<400x128xf32, #tpu.memory_space<vmem>>, vector<400x128xf32>,
    %slice3A_12 = vector.extract_strided_slice %dot_general3A_5 {offsets = [0, 256], sizes = [400, 128], strides = [1, 1]} : vector<400x384xf32> to vector<400x128xf32>
    %swap3A_13 = arith.constant 0 : index
    %swap3A_14 = arith.constant 0 : index
    %swap3A_15 = vector.load %arg5[%swap3A_13, %swap3A_14] : memref<400x128xf32, #tpu.memory_space<vmem>>, vector<400x128xf32>
    tpu.vector_store %arg5[%swap3A_13, %swap3A_14], %slice3A_12 {strides = array<i32>} : memref<400x128xf32, #tpu.memory_space<vmem>>, vector<400x128xf32>,
    return
  }
  func.func @transform_0(%arg0: i32) -> (i32, i32) {
    %c0_i32 = arith.constant 0 : i32
    %c0_i32_0 = arith.constant 0 : i32
    return %arg0, %c0_i32 : i32, i32
  }
  func.func @transform_1(%arg0: i32) -> (i32, i32) {
    %c0_i32 = arith.constant 0 : i32
    %c0_i32_0 = arith.constant 0 : i32
    %c0_i32_1 = arith.constant 0 : i32
    return %c0_i32, %c0_i32_0 : i32, i32
  }
  func.func @transform_2(%arg0: i32) -> (i32, i32) {
    %c0_i32 = arith.constant 0 : i32
    %c0_i32_0 = arith.constant 0 : i32
    return %arg0, %c0_i32 : i32, i32
  }
  func.func @transform_3(%arg0: i32) -> (i32, i32) {
    %c0_i32 = arith.constant 0 : i32
    %c0_i32_0 = arith.constant 0 : i32
    return %arg0, %c0_i32 : i32, i32
  }
  func.func @transform_4(%arg0: i32) -> (i32, i32) {
    %c0_i32 = arith.constant 0 : i32
    %c0_i32_0 = arith.constant 0 : i32
    return %arg0, %c0_i32 : i32, i32
  }
}

module attributes {stable_mosaic.version = 14 : i64} {
  func.func @_pos_moment_body(%arg0: i32, %arg1: memref<400x16xf32, #tpu.memory_space<vmem>>, %arg2: memref<6400x16xf32, #tpu.memory_space<vmem>>, %arg3: memref<8x16xf32, #tpu.memory_space<vmem>>, %arg4: memref<16x16xf32, #tpu.memory_space<vmem>>) attributes {dimension_semantics = [#tpu.dimension_semantics<parallel>], iteration_bounds = array<i64: 25>, scalar_prefetch = 0 : i64, scratch_operands = 0 : i64, tpu.core_type = #tpu.core_type<tc>, window_params = [{transform_indices = @transform_0, window_bounds = array<i64: 400, 16>}, {transform_indices = @transform_1, window_bounds = array<i64: 6400, 16>}, {transform_indices = @transform_2, window_bounds = array<i64: 8, 16>}, {transform_indices = @transform_3, window_bounds = array<i64: 16, 16>}]} {
    %get3A = arith.constant 0 : index
    %get3A_0 = arith.constant 0 : index
    %get3A_1 = vector.load %arg1[%get3A, %get3A_0] : memref<400x16xf32, #tpu.memory_space<vmem>>, vector<400x16xf32>
    %broadcast_in_dim3A = vector.shape_cast %get3A_1 : vector<400x16xf32> to vector<400x1x16xf32>
    %broadcast_in_dim3A_2 = vector.broadcast %broadcast_in_dim3A : vector<400x1x16xf32> to vector<400x16x16xf32>
    %reshape3A = vector.shape_cast %broadcast_in_dim3A_2 : vector<400x16x16xf32> to vector<6400x16xf32>
    %get3A_3 = arith.constant 0 : index
    %get3A_4 = arith.constant 0 : index
    %get3A_5 = vector.load %arg2[%get3A_3, %get3A_4] : memref<6400x16xf32, #tpu.memory_space<vmem>>, vector<6400x16xf32>
    %sub3A = arith.subf %reshape3A, %get3A_5 : vector<6400x16xf32>
    %reshape3A_6 = vector.shape_cast %sub3A : vector<6400x16xf32> to vector<800x8x16xf32>
    %reduce_sum3A = arith.constant dense<0.000000e+00> : vector<8x16xf32>
    %reduce_sum3A_7 = vector.multi_reduction <add>, %reshape3A_6, %reduce_sum3A [0] : vector<800x8x16xf32> to vector<8x16xf32>
    %swap3A = arith.constant 0 : index
    %swap3A_8 = arith.constant 0 : index
    %swap3A_9 = vector.load %arg3[%swap3A, %swap3A_8] : memref<8x16xf32, #tpu.memory_space<vmem>>, vector<8x16xf32>
    tpu.vector_store %arg3[%swap3A, %swap3A_8], %reduce_sum3A_7 {strides = array<i32>} : memref<8x16xf32, #tpu.memory_space<vmem>>, vector<8x16xf32>,
    %dot_general3A = arith.constant dense<0.000000e+00> : vector<16x16xf32>
    %dot_general3A_10 = tpu.matmul %sub3A, %sub3A, %dot_general3A {dimension_numbers = #tpu.dot_dimension_numbers<[0], [0], [1], [1], [0, 1, 1, 1], [], []>, transpose_lhs_hint = false} : vector<6400x16xf32>, vector<6400x16xf32>, vector<16x16xf32> -> vector<16x16xf32>
    %swap3A_11 = arith.constant 0 : index
    %swap3A_12 = arith.constant 0 : index
    %swap3A_13 = vector.load %arg4[%swap3A_11, %swap3A_12] : memref<16x16xf32, #tpu.memory_space<vmem>>, vector<16x16xf32>
    tpu.vector_store %arg4[%swap3A_11, %swap3A_12], %dot_general3A_10 {strides = array<i32>} : memref<16x16xf32, #tpu.memory_space<vmem>>, vector<16x16xf32>,
    return
  }
  func.func @transform_0(%arg0: i32) -> (i32, i32) {
    %c0_i32 = arith.constant 0 : i32
    %c0_i32_0 = arith.constant 0 : i32
    return %arg0, %c0_i32 : i32, i32
  }
  func.func @transform_1(%arg0: i32) -> (i32, i32) {
    %c0_i32 = arith.constant 0 : i32
    %c0_i32_0 = arith.constant 0 : i32
    return %arg0, %c0_i32 : i32, i32
  }
  func.func @transform_2(%arg0: i32) -> (i32, i32) {
    %c0_i32 = arith.constant 0 : i32
    %c0_i32_0 = arith.constant 0 : i32
    return %arg0, %c0_i32 : i32, i32
  }
  func.func @transform_3(%arg0: i32) -> (i32, i32) {
    %c0_i32 = arith.constant 0 : i32
    %c0_i32_0 = arith.constant 0 : i32
    return %arg0, %c0_i32 : i32, i32
  }
}

module attributes {stable_mosaic.version = 14 : i64} {
  func.func @_stats1_body(%arg0: i32, %arg1: memref<400x16xf32, #tpu.memory_space<vmem>>, %arg2: memref<6400x16xf32, #tpu.memory_space<vmem>>, %arg3: memref<400x128xf32, #tpu.memory_space<vmem>>, %arg4: memref<6400x128xf32, #tpu.memory_space<vmem>>, %arg5: memref<16x16xf32, #tpu.memory_space<vmem>>, %arg6: memref<1x16xf32, #tpu.memory_space<vmem>>, %arg7: memref<1x16xf32, #tpu.memory_space<vmem>>, %arg8: memref<16x128xf32, #tpu.memory_space<vmem>>, %arg9: memref<8x128xf32, #tpu.memory_space<vmem>>, %arg10: memref<8x128xf32, #tpu.memory_space<vmem>>) attributes {dimension_semantics = [#tpu.dimension_semantics<parallel>], iteration_bounds = array<i64: 25>, scalar_prefetch = 0 : i64, scratch_operands = 0 : i64, tpu.core_type = #tpu.core_type<tc>, window_params = [{transform_indices = @transform_0, window_bounds = array<i64: 400, 16>}, {transform_indices = @transform_1, window_bounds = array<i64: 6400, 16>}, {transform_indices = @transform_2, window_bounds = array<i64: 400, 128>}, {transform_indices = @transform_3, window_bounds = array<i64: 6400, 128>}, {pipeline_mode = #tpu.pipeline_mode<synchronous>, transform_indices = @transform_4, window_bounds = array<i64: 16, 16>}, {pipeline_mode = #tpu.pipeline_mode<synchronous>, transform_indices = @transform_5, window_bounds = array<i64: 1, 16>}, {pipeline_mode = #tpu.pipeline_mode<synchronous>, transform_indices = @transform_6, window_bounds = array<i64: 1, 16>}, {pipeline_mode = #tpu.pipeline_mode<synchronous>, transform_indices = @transform_7, window_bounds = array<i64: 16, 128>}, {transform_indices = @transform_8, window_bounds = array<i64: 8, 128>}, {transform_indices = @transform_9, window_bounds = array<i64: 8, 128>}]} {
    %get3A = arith.constant 0 : index
    %get3A_0 = arith.constant 0 : index
    %get3A_1 = vector.load %arg1[%get3A, %get3A_0] : memref<400x16xf32, #tpu.memory_space<vmem>>, vector<400x16xf32>
    %broadcast_in_dim3A = vector.shape_cast %get3A_1 : vector<400x16xf32> to vector<400x1x16xf32>
    %broadcast_in_dim3A_2 = vector.broadcast %broadcast_in_dim3A : vector<400x1x16xf32> to vector<400x16x16xf32>
    %reshape3A = vector.shape_cast %broadcast_in_dim3A_2 : vector<400x16x16xf32> to vector<6400x16xf32>
    %get3A_3 = arith.constant 0 : index
    %get3A_4 = arith.constant 0 : index
    %get3A_5 = vector.load %arg2[%get3A_3, %get3A_4] : memref<6400x16xf32, #tpu.memory_space<vmem>>, vector<6400x16xf32>
    %sub3A = arith.subf %reshape3A, %get3A_5 : vector<6400x16xf32>
    %get3A_6 = arith.constant 0 : index
    %get3A_7 = arith.constant 0 : index
    %get3A_8 = vector.load %arg5[%get3A_6, %get3A_7] : memref<16x16xf32, #tpu.memory_space<vmem>>, vector<16x16xf32>
    %get3A_9 = arith.constant 0 : index
    %get3A_10 = arith.constant 0 : index
    %get3A_11 = vector.load %arg6[%get3A_9, %get3A_10] : memref<1x16xf32, #tpu.memory_space<vmem>>, vector<1x16xf32>
    %get3A_12 = arith.constant 0 : index
    %get3A_13 = arith.constant 0 : index
    %get3A_14 = vector.load %arg7[%get3A_12, %get3A_13] : memref<1x16xf32, #tpu.memory_space<vmem>>, vector<1x16xf32>
    %get3A_15 = arith.constant 0 : index
    %get3A_16 = arith.constant 0 : index
    %get3A_17 = vector.load %arg8[%get3A_15, %get3A_16] : memref<16x128xf32, #tpu.memory_space<vmem>>, vector<16x128xf32>
    %dot_general3A = arith.constant dense<0.000000e+00> : vector<6400x16xf32>
    %dot_general3A_18 = tpu.matmul %sub3A, %get3A_8, %dot_general3A {dimension_numbers = #tpu.dot_dimension_numbers<[1], [0], [0], [1], [0, 0, 1, 1], [], []>, transpose_lhs_hint = false} : vector<6400x16xf32>, vector<16x16xf32>, vector<6400x16xf32> -> vector<6400x16xf32>
    %mul3A = vector.broadcast %get3A_11 : vector<1x16xf32> to vector<6400x16xf32>
    %mul3A_19 = arith.mulf %dot_general3A_18, %mul3A : vector<6400x16xf32>
    %add3A = vector.broadcast %get3A_14 : vector<1x16xf32> to vector<6400x16xf32>
    %add3A_20 = arith.addf %mul3A_19, %add3A : vector<6400x16xf32>
    %max3A = arith.constant 0.000000e+00 : f32
    %max3A_21 = vector.broadcast %max3A : f32 to vector<6400x16xf32>
    %max3A_22 = arith.maximumf %add3A_20, %max3A_21 : vector<6400x16xf32>
    %dot_general3A_23 = arith.constant dense<0.000000e+00> : vector<6400x128xf32>
    %dot_general3A_24 = tpu.matmul %max3A_22, %get3A_17, %dot_general3A_23 {dimension_numbers = #tpu.dot_dimension_numbers<[1], [0], [0], [1], [0, 0, 1, 1], [], []>, transpose_lhs_hint = false} : vector<6400x16xf32>, vector<16x128xf32>, vector<6400x128xf32> -> vector<6400x128xf32>
    %get3A_25 = arith.constant 0 : index
    %get3A_26 = arith.constant 0 : index
    %get3A_27 = vector.load %arg3[%get3A_25, %get3A_26] : memref<400x128xf32, #tpu.memory_space<vmem>>, vector<400x128xf32>
    %broadcast_in_dim3A_28 = vector.shape_cast %get3A_27 : vector<400x128xf32> to vector<400x1x128xf32>
    %broadcast_in_dim3A_29 = vector.broadcast %broadcast_in_dim3A_28 : vector<400x1x128xf32> to vector<400x16x128xf32>
    %reshape3A_30 = vector.shape_cast %broadcast_in_dim3A_29 : vector<400x16x128xf32> to vector<6400x128xf32>
    %get3A_31 = arith.constant 0 : index
    %get3A_32 = arith.constant 0 : index
    %get3A_33 = vector.load %arg4[%get3A_31, %get3A_32] : memref<6400x128xf32, #tpu.memory_space<vmem>>, vector<6400x128xf32>
    %sub3A_34 = arith.subf %reshape3A_30, %get3A_33 : vector<6400x128xf32>
    %add3A_35 = arith.addf %sub3A_34, %dot_general3A_24 : vector<6400x128xf32>
    %reshape3A_36 = vector.shape_cast %add3A_35 : vector<6400x128xf32> to vector<800x8x128xf32>
    %reduce_sum3A = arith.constant dense<0.000000e+00> : vector<8x128xf32>
    %reduce_sum3A_37 = vector.multi_reduction <add>, %reshape3A_36, %reduce_sum3A [0] : vector<800x8x128xf32> to vector<8x128xf32>
    %swap3A = arith.constant 0 : index
    %swap3A_38 = arith.constant 0 : index
    %swap3A_39 = vector.load %arg9[%swap3A, %swap3A_38] : memref<8x128xf32, #tpu.memory_space<vmem>>, vector<8x128xf32>
    tpu.vector_store %arg9[%swap3A, %swap3A_38], %reduce_sum3A_37 {strides = array<i32>} : memref<8x128xf32, #tpu.memory_space<vmem>>, vector<8x128xf32>,
    %mul3A_40 = arith.mulf %add3A_35, %add3A_35 : vector<6400x128xf32>
    %reshape3A_41 = vector.shape_cast %mul3A_40 : vector<6400x128xf32> to vector<800x8x128xf32>
    %reduce_sum3A_42 = arith.constant dense<0.000000e+00> : vector<8x128xf32>
    %reduce_sum3A_43 = vector.multi_reduction <add>, %reshape3A_41, %reduce_sum3A_42 [0] : vector<800x8x128xf32> to vector<8x128xf32>
    %swap3A_44 = arith.constant 0 : index
    %swap3A_45 = arith.constant 0 : index
    %swap3A_46 = vector.load %arg10[%swap3A_44, %swap3A_45] : memref<8x128xf32, #tpu.memory_space<vmem>>, vector<8x128xf32>
    tpu.vector_store %arg10[%swap3A_44, %swap3A_45], %reduce_sum3A_43 {strides = array<i32>} : memref<8x128xf32, #tpu.memory_space<vmem>>, vector<8x128xf32>,
    return
  }
  func.func @transform_0(%arg0: i32) -> (i32, i32) {
    %c0_i32 = arith.constant 0 : i32
    %c0_i32_0 = arith.constant 0 : i32
    return %arg0, %c0_i32 : i32, i32
  }
  func.func @transform_1(%arg0: i32) -> (i32, i32) {
    %c0_i32 = arith.constant 0 : i32
    %c0_i32_0 = arith.constant 0 : i32
    return %arg0, %c0_i32 : i32, i32
  }
  func.func @transform_2(%arg0: i32) -> (i32, i32) {
    %c0_i32 = arith.constant 0 : i32
    %c0_i32_0 = arith.constant 0 : i32
    return %arg0, %c0_i32 : i32, i32
  }
  func.func @transform_3(%arg0: i32) -> (i32, i32) {
    %c0_i32 = arith.constant 0 : i32
    %c0_i32_0 = arith.constant 0 : i32
    return %arg0, %c0_i32 : i32, i32
  }
  func.func @transform_4(%arg0: i32) -> (i32, i32) {
    %c0_i32 = arith.constant 0 : i32
    %c0_i32_0 = arith.constant 0 : i32
    %c0_i32_1 = arith.constant 0 : i32
    return %c0_i32, %c0_i32_0 : i32, i32
  }
  func.func @transform_5(%arg0: i32) -> (i32, i32) {
    %c0_i32 = arith.constant 0 : i32
    %c0_i32_0 = arith.constant 0 : i32
    %c0_i32_1 = arith.constant 0 : i32
    return %c0_i32, %c0_i32_0 : i32, i32
  }
  func.func @transform_6(%arg0: i32) -> (i32, i32) {
    %c0_i32 = arith.constant 0 : i32
    %c0_i32_0 = arith.constant 0 : i32
    %c0_i32_1 = arith.constant 0 : i32
    return %c0_i32, %c0_i32_0 : i32, i32
  }
  func.func @transform_7(%arg0: i32) -> (i32, i32) {
    %c0_i32 = arith.constant 0 : i32
    %c0_i32_0 = arith.constant 0 : i32
    %c0_i32_1 = arith.constant 0 : i32
    return %c0_i32, %c0_i32_0 : i32, i32
  }
  func.func @transform_8(%arg0: i32) -> (i32, i32) {
    %c0_i32 = arith.constant 0 : i32
    %c0_i32_0 = arith.constant 0 : i32
    return %arg0, %c0_i32 : i32, i32
  }
  func.func @transform_9(%arg0: i32) -> (i32, i32) {
    %c0_i32 = arith.constant 0 : i32
    %c0_i32_0 = arith.constant 0 : i32
    return %arg0, %c0_i32 : i32, i32
  }
}

module attributes {stable_mosaic.version = 14 : i64} {
  func.func @_h1_body(%arg0: i32, %arg1: memref<400x16xf32, #tpu.memory_space<vmem>>, %arg2: memref<6400x16xf32, #tpu.memory_space<vmem>>, %arg3: memref<400x128xf32, #tpu.memory_space<vmem>>, %arg4: memref<6400x128xf32, #tpu.memory_space<vmem>>, %arg5: memref<16x16xf32, #tpu.memory_space<vmem>>, %arg6: memref<1x16xf32, #tpu.memory_space<vmem>>, %arg7: memref<1x16xf32, #tpu.memory_space<vmem>>, %arg8: memref<16x128xf32, #tpu.memory_space<vmem>>, %arg9: memref<1x128xf32, #tpu.memory_space<vmem>>, %arg10: memref<1x128xf32, #tpu.memory_space<vmem>>, %arg11: memref<128x128xf32, #tpu.memory_space<vmem>>, %arg12: memref<6400x128xf32, #tpu.memory_space<vmem>>, %arg13: memref<8x128xf32, #tpu.memory_space<vmem>>, %arg14: memref<8x128xf32, #tpu.memory_space<vmem>>) attributes {dimension_semantics = [#tpu.dimension_semantics<parallel>], iteration_bounds = array<i64: 25>, scalar_prefetch = 0 : i64, scratch_operands = 0 : i64, tpu.core_type = #tpu.core_type<tc>, window_params = [{transform_indices = @transform_0, window_bounds = array<i64: 400, 16>}, {transform_indices = @transform_1, window_bounds = array<i64: 6400, 16>}, {transform_indices = @transform_2, window_bounds = array<i64: 400, 128>}, {transform_indices = @transform_3, window_bounds = array<i64: 6400, 128>}, {pipeline_mode = #tpu.pipeline_mode<synchronous>, transform_indices = @transform_4, window_bounds = array<i64: 16, 16>}, {pipeline_mode = #tpu.pipeline_mode<synchronous>, transform_indices = @transform_5, window_bounds = array<i64: 1, 16>}, {pipeline_mode = #tpu.pipeline_mode<synchronous>, transform_indices = @transform_6, window_bounds = array<i64: 1, 16>}, {pipeline_mode = #tpu.pipeline_mode<synchronous>, transform_indices = @transform_7, window_bounds = array<i64: 16, 128>}, {pipeline_mode = #tpu.pipeline_mode<synchronous>, transform_indices = @transform_8, window_bounds = array<i64: 1, 128>}, {pipeline_mode = #tpu.pipeline_mode<synchronous>, transform_indices = @transform_9, window_bounds = array<i64: 1, 128>}, {pipeline_mode = #tpu.pipeline_mode<synchronous>, transform_indices = @transform_10, window_bounds = array<i64: 128, 128>}, {transform_indices = @transform_11, window_bounds = array<i64: 6400, 128>}, {transform_indices = @transform_12, window_bounds = array<i64: 8, 128>}, {transform_indices = @transform_13, window_bounds = array<i64: 8, 128>}]} {
    %get3A = arith.constant 0 : index
    %get3A_0 = arith.constant 0 : index
    %get3A_1 = vector.load %arg1[%get3A, %get3A_0] : memref<400x16xf32, #tpu.memory_space<vmem>>, vector<400x16xf32>
    %broadcast_in_dim3A = vector.shape_cast %get3A_1 : vector<400x16xf32> to vector<400x1x16xf32>
    %broadcast_in_dim3A_2 = vector.broadcast %broadcast_in_dim3A : vector<400x1x16xf32> to vector<400x16x16xf32>
    %reshape3A = vector.shape_cast %broadcast_in_dim3A_2 : vector<400x16x16xf32> to vector<6400x16xf32>
    %get3A_3 = arith.constant 0 : index
    %get3A_4 = arith.constant 0 : index
    %get3A_5 = vector.load %arg2[%get3A_3, %get3A_4] : memref<6400x16xf32, #tpu.memory_space<vmem>>, vector<6400x16xf32>
    %sub3A = arith.subf %reshape3A, %get3A_5 : vector<6400x16xf32>
    %get3A_6 = arith.constant 0 : index
    %get3A_7 = arith.constant 0 : index
    %get3A_8 = vector.load %arg5[%get3A_6, %get3A_7] : memref<16x16xf32, #tpu.memory_space<vmem>>, vector<16x16xf32>
    %get3A_9 = arith.constant 0 : index
    %get3A_10 = arith.constant 0 : index
    %get3A_11 = vector.load %arg6[%get3A_9, %get3A_10] : memref<1x16xf32, #tpu.memory_space<vmem>>, vector<1x16xf32>
    %get3A_12 = arith.constant 0 : index
    %get3A_13 = arith.constant 0 : index
    %get3A_14 = vector.load %arg7[%get3A_12, %get3A_13] : memref<1x16xf32, #tpu.memory_space<vmem>>, vector<1x16xf32>
    %get3A_15 = arith.constant 0 : index
    %get3A_16 = arith.constant 0 : index
    %get3A_17 = vector.load %arg8[%get3A_15, %get3A_16] : memref<16x128xf32, #tpu.memory_space<vmem>>, vector<16x128xf32>
    %dot_general3A = arith.constant dense<0.000000e+00> : vector<6400x16xf32>
    %dot_general3A_18 = tpu.matmul %sub3A, %get3A_8, %dot_general3A {dimension_numbers = #tpu.dot_dimension_numbers<[1], [0], [0], [1], [0, 0, 1, 1], [], []>, transpose_lhs_hint = false} : vector<6400x16xf32>, vector<16x16xf32>, vector<6400x16xf32> -> vector<6400x16xf32>
    %mul3A = vector.broadcast %get3A_11 : vector<1x16xf32> to vector<6400x16xf32>
    %mul3A_19 = arith.mulf %dot_general3A_18, %mul3A : vector<6400x16xf32>
    %add3A = vector.broadcast %get3A_14 : vector<1x16xf32> to vector<6400x16xf32>
    %add3A_20 = arith.addf %mul3A_19, %add3A : vector<6400x16xf32>
    %max3A = arith.constant 0.000000e+00 : f32
    %max3A_21 = vector.broadcast %max3A : f32 to vector<6400x16xf32>
    %max3A_22 = arith.maximumf %add3A_20, %max3A_21 : vector<6400x16xf32>
    %dot_general3A_23 = arith.constant dense<0.000000e+00> : vector<6400x128xf32>
    %dot_general3A_24 = tpu.matmul %max3A_22, %get3A_17, %dot_general3A_23 {dimension_numbers = #tpu.dot_dimension_numbers<[1], [0], [0], [1], [0, 0, 1, 1], [], []>, transpose_lhs_hint = false} : vector<6400x16xf32>, vector<16x128xf32>, vector<6400x128xf32> -> vector<6400x128xf32>
    %get3A_25 = arith.constant 0 : index
    %get3A_26 = arith.constant 0 : index
    %get3A_27 = vector.load %arg3[%get3A_25, %get3A_26] : memref<400x128xf32, #tpu.memory_space<vmem>>, vector<400x128xf32>
    %broadcast_in_dim3A_28 = vector.shape_cast %get3A_27 : vector<400x128xf32> to vector<400x1x128xf32>
    %broadcast_in_dim3A_29 = vector.broadcast %broadcast_in_dim3A_28 : vector<400x1x128xf32> to vector<400x16x128xf32>
    %reshape3A_30 = vector.shape_cast %broadcast_in_dim3A_29 : vector<400x16x128xf32> to vector<6400x128xf32>
    %get3A_31 = arith.constant 0 : index
    %get3A_32 = arith.constant 0 : index
    %get3A_33 = vector.load %arg4[%get3A_31, %get3A_32] : memref<6400x128xf32, #tpu.memory_space<vmem>>, vector<6400x128xf32>
    %sub3A_34 = arith.subf %reshape3A_30, %get3A_33 : vector<6400x128xf32>
    %add3A_35 = arith.addf %sub3A_34, %dot_general3A_24 : vector<6400x128xf32>
    %get3A_36 = arith.constant 0 : index
    %get3A_37 = arith.constant 0 : index
    %get3A_38 = vector.load %arg9[%get3A_36, %get3A_37] : memref<1x128xf32, #tpu.memory_space<vmem>>, vector<1x128xf32>
    %mul3A_39 = vector.broadcast %get3A_38 : vector<1x128xf32> to vector<6400x128xf32>
    %mul3A_40 = arith.mulf %add3A_35, %mul3A_39 : vector<6400x128xf32>
    %get3A_41 = arith.constant 0 : index
    %get3A_42 = arith.constant 0 : index
    %get3A_43 = vector.load %arg10[%get3A_41, %get3A_42] : memref<1x128xf32, #tpu.memory_space<vmem>>, vector<1x128xf32>
    %add3A_44 = vector.broadcast %get3A_43 : vector<1x128xf32> to vector<6400x128xf32>
    %add3A_45 = arith.addf %mul3A_40, %add3A_44 : vector<6400x128xf32>
    %max3A_46 = arith.constant 0.000000e+00 : f32
    %max3A_47 = vector.broadcast %max3A_46 : f32 to vector<6400x128xf32>
    %max3A_48 = arith.maximumf %add3A_45, %max3A_47 : vector<6400x128xf32>
    %get3A_49 = arith.constant 0 : index
    %get3A_50 = arith.constant 0 : index
    %get3A_51 = vector.load %arg11[%get3A_49, %get3A_50] : memref<128x128xf32, #tpu.memory_space<vmem>>, vector<128x128xf32>
    %dot_general3A_52 = arith.constant dense<0.000000e+00> : vector<6400x128xf32>
    %dot_general3A_53 = tpu.matmul %max3A_48, %get3A_51, %dot_general3A_52 {dimension_numbers = #tpu.dot_dimension_numbers<[1], [0], [0], [1], [0, 0, 1, 1], [], []>, transpose_lhs_hint = false} : vector<6400x128xf32>, vector<128x128xf32>, vector<6400x128xf32> -> vector<6400x128xf32>
    %swap3A = arith.constant 0 : index
    %swap3A_54 = arith.constant 0 : index
    %swap3A_55 = vector.load %arg12[%swap3A, %swap3A_54] : memref<6400x128xf32, #tpu.memory_space<vmem>>, vector<6400x128xf32>
    tpu.vector_store %arg12[%swap3A, %swap3A_54], %dot_general3A_53 {strides = array<i32>} : memref<6400x128xf32, #tpu.memory_space<vmem>>, vector<6400x128xf32>,
    %reshape3A_56 = vector.shape_cast %dot_general3A_53 : vector<6400x128xf32> to vector<800x8x128xf32>
    %reduce_sum3A = arith.constant dense<0.000000e+00> : vector<8x128xf32>
    %reduce_sum3A_57 = vector.multi_reduction <add>, %reshape3A_56, %reduce_sum3A [0] : vector<800x8x128xf32> to vector<8x128xf32>
    %swap3A_58 = arith.constant 0 : index
    %swap3A_59 = arith.constant 0 : index
    %swap3A_60 = vector.load %arg13[%swap3A_58, %swap3A_59] : memref<8x128xf32, #tpu.memory_space<vmem>>, vector<8x128xf32>
    tpu.vector_store %arg13[%swap3A_58, %swap3A_59], %reduce_sum3A_57 {strides = array<i32>} : memref<8x128xf32, #tpu.memory_space<vmem>>, vector<8x128xf32>,
    %mul3A_61 = arith.mulf %dot_general3A_53, %dot_general3A_53 : vector<6400x128xf32>
    %reshape3A_62 = vector.shape_cast %mul3A_61 : vector<6400x128xf32> to vector<800x8x128xf32>
    %reduce_sum3A_63 = arith.constant dense<0.000000e+00> : vector<8x128xf32>
    %reduce_sum3A_64 = vector.multi_reduction <add>, %reshape3A_62, %reduce_sum3A_63 [0] : vector<800x8x128xf32> to vector<8x128xf32>
    %swap3A_65 = arith.constant 0 : index
    %swap3A_66 = arith.constant 0 : index
    %swap3A_67 = vector.load %arg14[%swap3A_65, %swap3A_66] : memref<8x128xf32, #tpu.memory_space<vmem>>, vector<8x128xf32>
    tpu.vector_store %arg14[%swap3A_65, %swap3A_66], %reduce_sum3A_64 {strides = array<i32>} : memref<8x128xf32, #tpu.memory_space<vmem>>, vector<8x128xf32>,
    return
  }
  func.func @transform_0(%arg0: i32) -> (i32, i32) {
    %c0_i32 = arith.constant 0 : i32
    %c0_i32_0 = arith.constant 0 : i32
    return %arg0, %c0_i32 : i32, i32
  }
  func.func @transform_1(%arg0: i32) -> (i32, i32) {
    %c0_i32 = arith.constant 0 : i32
    %c0_i32_0 = arith.constant 0 : i32
    return %arg0, %c0_i32 : i32, i32
  }
  func.func @transform_2(%arg0: i32) -> (i32, i32) {
    %c0_i32 = arith.constant 0 : i32
    %c0_i32_0 = arith.constant 0 : i32
    return %arg0, %c0_i32 : i32, i32
  }
  func.func @transform_3(%arg0: i32) -> (i32, i32) {
    %c0_i32 = arith.constant 0 : i32
    %c0_i32_0 = arith.constant 0 : i32
    return %arg0, %c0_i32 : i32, i32
  }
  func.func @transform_4(%arg0: i32) -> (i32, i32) {
    %c0_i32 = arith.constant 0 : i32
    %c0_i32_0 = arith.constant 0 : i32
    %c0_i32_1 = arith.constant 0 : i32
    return %c0_i32, %c0_i32_0 : i32, i32
  }
  func.func @transform_5(%arg0: i32) -> (i32, i32) {
    %c0_i32 = arith.constant 0 : i32
    %c0_i32_0 = arith.constant 0 : i32
    %c0_i32_1 = arith.constant 0 : i32
    return %c0_i32, %c0_i32_0 : i32, i32
  }
  func.func @transform_6(%arg0: i32) -> (i32, i32) {
    %c0_i32 = arith.constant 0 : i32
    %c0_i32_0 = arith.constant 0 : i32
    %c0_i32_1 = arith.constant 0 : i32
    return %c0_i32, %c0_i32_0 : i32, i32
  }
  func.func @transform_7(%arg0: i32) -> (i32, i32) {
    %c0_i32 = arith.constant 0 : i32
    %c0_i32_0 = arith.constant 0 : i32
    %c0_i32_1 = arith.constant 0 : i32
    return %c0_i32, %c0_i32_0 : i32, i32
  }
  func.func @transform_8(%arg0: i32) -> (i32, i32) {
    %c0_i32 = arith.constant 0 : i32
    %c0_i32_0 = arith.constant 0 : i32
    %c0_i32_1 = arith.constant 0 : i32
    return %c0_i32, %c0_i32_0 : i32, i32
  }
  func.func @transform_9(%arg0: i32) -> (i32, i32) {
    %c0_i32 = arith.constant 0 : i32
    %c0_i32_0 = arith.constant 0 : i32
    %c0_i32_1 = arith.constant 0 : i32
    return %c0_i32, %c0_i32_0 : i32, i32
  }
  func.func @transform_10(%arg0: i32) -> (i32, i32) {
    %c0_i32 = arith.constant 0 : i32
    %c0_i32_0 = arith.constant 0 : i32
    %c0_i32_1 = arith.constant 0 : i32
    return %c0_i32, %c0_i32_0 : i32, i32
  }
  func.func @transform_11(%arg0: i32) -> (i32, i32) {
    %c0_i32 = arith.constant 0 : i32
    %c0_i32_0 = arith.constant 0 : i32
    return %arg0, %c0_i32 : i32, i32
  }
  func.func @transform_12(%arg0: i32) -> (i32, i32) {
    %c0_i32 = arith.constant 0 : i32
    %c0_i32_0 = arith.constant 0 : i32
    return %arg0, %c0_i32 : i32, i32
  }
  func.func @transform_13(%arg0: i32) -> (i32, i32) {
    %c0_i32 = arith.constant 0 : i32
    %c0_i32_0 = arith.constant 0 : i32
    return %arg0, %c0_i32 : i32, i32
  }
}

module attributes {stable_mosaic.version = 14 : i64} {
  func.func @_final_body(%arg0: i32, %arg1: memref<6400x128xf32, #tpu.memory_space<vmem>>, %arg2: memref<6400x128xf32, #tpu.memory_space<vmem>>, %arg3: memref<400x16xf32, #tpu.memory_space<vmem>>, %arg4: memref<6400x16xf32, #tpu.memory_space<vmem>>, %arg5: memref<16x16xf32, #tpu.memory_space<vmem>>, %arg6: memref<1x16xf32, #tpu.memory_space<vmem>>, %arg7: memref<1x16xf32, #tpu.memory_space<vmem>>, %arg8: memref<16x128xf32, #tpu.memory_space<vmem>>, %arg9: memref<1x128xf32, #tpu.memory_space<vmem>>, %arg10: memref<1x128xf32, #tpu.memory_space<vmem>>, %arg11: memref<128x128xf32, #tpu.memory_space<vmem>>, %arg12: memref<1x128xf32, #tpu.memory_space<vmem>>, %arg13: memref<400x128xf32, #tpu.memory_space<vmem>>) attributes {dimension_semantics = [#tpu.dimension_semantics<parallel>], iteration_bounds = array<i64: 25>, scalar_prefetch = 0 : i64, scratch_operands = 0 : i64, tpu.core_type = #tpu.core_type<tc>, window_params = [{transform_indices = @transform_0, window_bounds = array<i64: 6400, 128>}, {transform_indices = @transform_1, window_bounds = array<i64: 6400, 128>}, {transform_indices = @transform_2, window_bounds = array<i64: 400, 16>}, {transform_indices = @transform_3, window_bounds = array<i64: 6400, 16>}, {pipeline_mode = #tpu.pipeline_mode<synchronous>, transform_indices = @transform_4, window_bounds = array<i64: 16, 16>}, {pipeline_mode = #tpu.pipeline_mode<synchronous>, transform_indices = @transform_5, window_bounds = array<i64: 1, 16>}, {pipeline_mode = #tpu.pipeline_mode<synchronous>, transform_indices = @transform_6, window_bounds = array<i64: 1, 16>}, {pipeline_mode = #tpu.pipeline_mode<synchronous>, transform_indices = @transform_7, window_bounds = array<i64: 16, 128>}, {pipeline_mode = #tpu.pipeline_mode<synchronous>, transform_indices = @transform_8, window_bounds = array<i64: 1, 128>}, {pipeline_mode = #tpu.pipeline_mode<synchronous>, transform_indices = @transform_9, window_bounds = array<i64: 1, 128>}, {pipeline_mode = #tpu.pipeline_mode<synchronous>, transform_indices = @transform_10, window_bounds = array<i64: 128, 128>}, {pipeline_mode = #tpu.pipeline_mode<synchronous>, transform_indices = @transform_11, window_bounds = array<i64: 1, 128>}, {transform_indices = @transform_12, window_bounds = array<i64: 400, 128>}]} {
    %get3A = arith.constant 0 : index
    %get3A_0 = arith.constant 0 : index
    %get3A_1 = vector.load %arg1[%get3A, %get3A_0] : memref<6400x128xf32, #tpu.memory_space<vmem>>, vector<6400x128xf32>
    %get3A_2 = arith.constant 0 : index
    %get3A_3 = arith.constant 0 : index
    %get3A_4 = vector.load %arg9[%get3A_2, %get3A_3] : memref<1x128xf32, #tpu.memory_space<vmem>>, vector<1x128xf32>
    %mul3A = vector.broadcast %get3A_4 : vector<1x128xf32> to vector<6400x128xf32>
    %mul3A_5 = arith.mulf %get3A_1, %mul3A : vector<6400x128xf32>
    %get3A_6 = arith.constant 0 : index
    %get3A_7 = arith.constant 0 : index
    %get3A_8 = vector.load %arg10[%get3A_6, %get3A_7] : memref<1x128xf32, #tpu.memory_space<vmem>>, vector<1x128xf32>
    %add3A = vector.broadcast %get3A_8 : vector<1x128xf32> to vector<6400x128xf32>
    %add3A_9 = arith.addf %mul3A_5, %add3A : vector<6400x128xf32>
    %max3A = arith.constant 0.000000e+00 : f32
    %max3A_10 = vector.broadcast %max3A : f32 to vector<6400x128xf32>
    %max3A_11 = arith.maximumf %add3A_9, %max3A_10 : vector<6400x128xf32>
    %get3A_12 = arith.constant 0 : index
    %get3A_13 = arith.constant 0 : index
    %get3A_14 = vector.load %arg11[%get3A_12, %get3A_13] : memref<128x128xf32, #tpu.memory_space<vmem>>, vector<128x128xf32>
    %dot_general3A = arith.constant dense<0.000000e+00> : vector<6400x128xf32>
    %dot_general3A_15 = tpu.matmul %max3A_11, %get3A_14, %dot_general3A {dimension_numbers = #tpu.dot_dimension_numbers<[1], [0], [0], [1], [0, 0, 1, 1], [], []>, transpose_lhs_hint = false} : vector<6400x128xf32>, vector<128x128xf32>, vector<6400x128xf32> -> vector<6400x128xf32>
    %get3A_16 = arith.constant 0 : index
    %get3A_17 = arith.constant 0 : index
    %get3A_18 = vector.load %arg12[%get3A_16, %get3A_17] : memref<1x128xf32, #tpu.memory_space<vmem>>, vector<1x128xf32>
    %add3A_19 = vector.broadcast %get3A_18 : vector<1x128xf32> to vector<6400x128xf32>
    %add3A_20 = arith.addf %dot_general3A_15, %add3A_19 : vector<6400x128xf32>
    %reshape3A = vector.shape_cast %add3A_20 : vector<6400x128xf32> to vector<400x16x128xf32>
    %reduce_max3A = arith.constant dense<0xFF800000> : vector<400x128xf32>
    %reduce_max3A_21 = vector.multi_reduction <maximumf>, %reshape3A, %reduce_max3A [1] : vector<400x16x128xf32> to vector<400x128xf32>
    %broadcast_in_dim3A = vector.shape_cast %reduce_max3A_21 : vector<400x128xf32> to vector<400x1x128xf32>
    %sub3A = vector.broadcast %broadcast_in_dim3A : vector<400x1x128xf32> to vector<400x16x128xf32>
    %sub3A_22 = arith.subf %reshape3A, %sub3A : vector<400x16x128xf32>
    %exp3A = math.exp %sub3A_22 : vector<400x16x128xf32>
    %reduce_sum3A = arith.constant dense<0.000000e+00> : vector<400x128xf32>
    %reduce_sum3A_23 = vector.multi_reduction <add>, %exp3A, %reduce_sum3A [1] : vector<400x16x128xf32> to vector<400x128xf32>
    %broadcast_in_dim3A_24 = vector.shape_cast %reduce_sum3A_23 : vector<400x128xf32> to vector<400x1x128xf32>
    %div3A = vector.broadcast %broadcast_in_dim3A_24 : vector<400x1x128xf32> to vector<400x16x128xf32>
    %div3A_25 = arith.divf %exp3A, %div3A : vector<400x16x128xf32>
    %get3A_26 = arith.constant 0 : index
    %get3A_27 = arith.constant 0 : index
    %get3A_28 = vector.load %arg3[%get3A_26, %get3A_27] : memref<400x16xf32, #tpu.memory_space<vmem>>, vector<400x16xf32>
    %broadcast_in_dim3A_29 = vector.shape_cast %get3A_28 : vector<400x16xf32> to vector<400x1x16xf32>
    %broadcast_in_dim3A_30 = vector.broadcast %broadcast_in_dim3A_29 : vector<400x1x16xf32> to vector<400x16x16xf32>
    %reshape3A_31 = vector.shape_cast %broadcast_in_dim3A_30 : vector<400x16x16xf32> to vector<6400x16xf32>
    %get3A_32 = arith.constant 0 : index
    %get3A_33 = arith.constant 0 : index
    %get3A_34 = vector.load %arg4[%get3A_32, %get3A_33] : memref<6400x16xf32, #tpu.memory_space<vmem>>, vector<6400x16xf32>
    %sub3A_35 = arith.subf %reshape3A_31, %get3A_34 : vector<6400x16xf32>
    %get3A_36 = arith.constant 0 : index
    %get3A_37 = arith.constant 0 : index
    %get3A_38 = vector.load %arg5[%get3A_36, %get3A_37] : memref<16x16xf32, #tpu.memory_space<vmem>>, vector<16x16xf32>
    %get3A_39 = arith.constant 0 : index
    %get3A_40 = arith.constant 0 : index
    %get3A_41 = vector.load %arg6[%get3A_39, %get3A_40] : memref<1x16xf32, #tpu.memory_space<vmem>>, vector<1x16xf32>
    %get3A_42 = arith.constant 0 : index
    %get3A_43 = arith.constant 0 : index
    %get3A_44 = vector.load %arg7[%get3A_42, %get3A_43] : memref<1x16xf32, #tpu.memory_space<vmem>>, vector<1x16xf32>
    %get3A_45 = arith.constant 0 : index
    %get3A_46 = arith.constant 0 : index
    %get3A_47 = vector.load %arg8[%get3A_45, %get3A_46] : memref<16x128xf32, #tpu.memory_space<vmem>>, vector<16x128xf32>
    %dot_general3A_48 = arith.constant dense<0.000000e+00> : vector<6400x16xf32>
    %dot_general3A_49 = tpu.matmul %sub3A_35, %get3A_38, %dot_general3A_48 {dimension_numbers = #tpu.dot_dimension_numbers<[1], [0], [0], [1], [0, 0, 1, 1], [], []>, transpose_lhs_hint = false} : vector<6400x16xf32>, vector<16x16xf32>, vector<6400x16xf32> -> vector<6400x16xf32>
    %mul3A_50 = vector.broadcast %get3A_41 : vector<1x16xf32> to vector<6400x16xf32>
    %mul3A_51 = arith.mulf %dot_general3A_49, %mul3A_50 : vector<6400x16xf32>
    %add3A_52 = vector.broadcast %get3A_44 : vector<1x16xf32> to vector<6400x16xf32>
    %add3A_53 = arith.addf %mul3A_51, %add3A_52 : vector<6400x16xf32>
    %max3A_54 = arith.constant 0.000000e+00 : f32
    %max3A_55 = vector.broadcast %max3A_54 : f32 to vector<6400x16xf32>
    %max3A_56 = arith.maximumf %add3A_53, %max3A_55 : vector<6400x16xf32>
    %dot_general3A_57 = arith.constant dense<0.000000e+00> : vector<6400x128xf32>
    %dot_general3A_58 = tpu.matmul %max3A_56, %get3A_47, %dot_general3A_57 {dimension_numbers = #tpu.dot_dimension_numbers<[1], [0], [0], [1], [0, 0, 1, 1], [], []>, transpose_lhs_hint = false} : vector<6400x16xf32>, vector<16x128xf32>, vector<6400x128xf32> -> vector<6400x128xf32>
    %get3A_59 = arith.constant 0 : index
    %get3A_60 = arith.constant 0 : index
    %get3A_61 = vector.load %arg2[%get3A_59, %get3A_60] : memref<6400x128xf32, #tpu.memory_space<vmem>>, vector<6400x128xf32>
    %add3A_62 = arith.addf %get3A_61, %dot_general3A_58 : vector<6400x128xf32>
    %reshape3A_63 = vector.shape_cast %add3A_62 : vector<6400x128xf32> to vector<400x16x128xf32>
    %mul3A_64 = arith.mulf %div3A_25, %reshape3A_63 : vector<400x16x128xf32>
    %reduce_sum3A_65 = arith.constant dense<0.000000e+00> : vector<400x128xf32>
    %reduce_sum3A_66 = vector.multi_reduction <add>, %mul3A_64, %reduce_sum3A_65 [1] : vector<400x16x128xf32> to vector<400x128xf32>
    %swap3A = arith.constant 0 : index
    %swap3A_67 = arith.constant 0 : index
    %swap3A_68 = vector.load %arg13[%swap3A, %swap3A_67] : memref<400x128xf32, #tpu.memory_space<vmem>>, vector<400x128xf32>
    tpu.vector_store %arg13[%swap3A, %swap3A_67], %reduce_sum3A_66 {strides = array<i32>} : memref<400x128xf32, #tpu.memory_space<vmem>>, vector<400x128xf32>,
    return
  }
  func.func @transform_0(%arg0: i32) -> (i32, i32) {
    %c0_i32 = arith.constant 0 : i32
    %c0_i32_0 = arith.constant 0 : i32
    return %arg0, %c0_i32 : i32, i32
  }
  func.func @transform_1(%arg0: i32) -> (i32, i32) {
    %c0_i32 = arith.constant 0 : i32
    %c0_i32_0 = arith.constant 0 : i32
    return %arg0, %c0_i32 : i32, i32
  }
  func.func @transform_2(%arg0: i32) -> (i32, i32) {
    %c0_i32 = arith.constant 0 : i32
    %c0_i32_0 = arith.constant 0 : i32
    return %arg0, %c0_i32 : i32, i32
  }
  func.func @transform_3(%arg0: i32) -> (i32, i32) {
    %c0_i32 = arith.constant 0 : i32
    %c0_i32_0 = arith.constant 0 : i32
    return %arg0, %c0_i32 : i32, i32
  }
  func.func @transform_4(%arg0: i32) -> (i32, i32) {
    %c0_i32 = arith.constant 0 : i32
    %c0_i32_0 = arith.constant 0 : i32
    %c0_i32_1 = arith.constant 0 : i32
    return %c0_i32, %c0_i32_0 : i32, i32
  }
  func.func @transform_5(%arg0: i32) -> (i32, i32) {
    %c0_i32 = arith.constant 0 : i32
    %c0_i32_0 = arith.constant 0 : i32
    %c0_i32_1 = arith.constant 0 : i32
    return %c0_i32, %c0_i32_0 : i32, i32
  }
  func.func @transform_6(%arg0: i32) -> (i32, i32) {
    %c0_i32 = arith.constant 0 : i32
    %c0_i32_0 = arith.constant 0 : i32
    %c0_i32_1 = arith.constant 0 : i32
    return %c0_i32, %c0_i32_0 : i32, i32
  }
  func.func @transform_7(%arg0: i32) -> (i32, i32) {
    %c0_i32 = arith.constant 0 : i32
    %c0_i32_0 = arith.constant 0 : i32
    %c0_i32_1 = arith.constant 0 : i32
    return %c0_i32, %c0_i32_0 : i32, i32
  }
  func.func @transform_8(%arg0: i32) -> (i32, i32) {
    %c0_i32 = arith.constant 0 : i32
    %c0_i32_0 = arith.constant 0 : i32
    %c0_i32_1 = arith.constant 0 : i32
    return %c0_i32, %c0_i32_0 : i32, i32
  }
  func.func @transform_9(%arg0: i32) -> (i32, i32) {
    %c0_i32 = arith.constant 0 : i32
    %c0_i32_0 = arith.constant 0 : i32
    %c0_i32_1 = arith.constant 0 : i32
    return %c0_i32, %c0_i32_0 : i32, i32
  }
  func.func @transform_10(%arg0: i32) -> (i32, i32) {
    %c0_i32 = arith.constant 0 : i32
    %c0_i32_0 = arith.constant 0 : i32
    %c0_i32_1 = arith.constant 0 : i32
    return %c0_i32, %c0_i32_0 : i32, i32
  }
  func.func @transform_11(%arg0: i32) -> (i32, i32) {
    %c0_i32 = arith.constant 0 : i32
    %c0_i32_0 = arith.constant 0 : i32
    %c0_i32_1 = arith.constant 0 : i32
    return %c0_i32, %c0_i32_0 : i32, i32
  }
  func.func @transform_12(%arg0: i32) -> (i32, i32) {
    %c0_i32 = arith.constant 0 : i32
    %c0_i32_0 = arith.constant 0 : i32
    return %arg0, %c0_i32 : i32, i32
  }
}

</mosaic_0001>

<sc_bundles>
// kernel: kernel.11.cloned.1.call-start
scs
__scs_entry_jumppad:
0x0: {  	(pc) =	sbr.rel $0x88, $3  }
0x1: {  	(tag) =	ssettag $0x0;
	lr =	simm.s32 $0x1  }
0x2: {  	[smem:$0x3F91] =	sst lr;
	_ =	strace $0xD0000000  }
0x3: {  	_ = 	snop  }
0x4: {  	_ = 	snop  }
0x5: {  	_ = 	snop  }
0x6: {  	_ = 	snop  }
0x7: {  	_ = 	snop  }
__scs_overlays_trampoline_lowered:
0x8: {  	[smem:$0x3FA0] =	sst s0  }
0x9: {  	[smem:$0x3FA1] =	sst s1  }
0xa: {  	[smem:$0x3FA2] =	sst s2  }
0xb: {  	[smem:$0x3FA3] =	sst s3  }
0xc: {  	[smem:$0x3FA4] =	sst s4  }
0xd: {  	[smem:$0x3FA5] =	sst s5  }
0xe: {  	[smem:$0x3FA6] =	sst s6  }
0xf: {  	[smem:$0x3FA7] =	sst s7  }
0x10: {  	[smem:$0x3FA8] =	sst s8  }
0x11: {  	[smem:$0x3FA9] =	sst s9;
	s0 =	simm.s32 @!p0 $0x0  }
0x12: {  	s1 =	sld [smem:$0x3F8F];
	s0 =	simm.s32 @p0 $0x1  }
0x13: {  	[smem:$0x3FAA] =	sst s0;
	s0 =	simm.s32 @!p1 $0x0  }
0x14: {  	s2 =	sld [smem:$0x3F8E];
	s0 =	simm.s32 @p1 $0x1  }
0x15: {  	[smem:$0x3FAB] =	sst s0;
	s0 =	simm.s32 @!p2 $0x0  }
0x16: {  	s3 =	sld [smem:$0x3FDB];
	s0 =	simm.s32 @p2 $0x1  }
0x17: {  	s4 =	simm.s32 $0x1BF5;
	[smem:$0x3FAD] =	sst s0  }
0x18: {  	s0 =	sld [smem:$0x3F90];
	_ =	swait.ge [sflag:s4], $0x0  }
0x19: {  	s7 =	sld [smem:$0x3F91]  }
0x1a: {  	s8 =	sadd.s32 $0xFFFFE003, lr  }
0x1b: {  	s9 =	sadd.s32 $0xFFFFFEF7, lr;
	s5 =	simm.s32 $0xFFFFFFFF;
	p2 =	slt.u32 s8, $0xFFFFF086  }
0x1c: {  	p1 =	slt.u32 s9, $0xF7A;
	s5 =	simm.s32 @!p2 $0x0  }
0x1d: {  	s5 =	simm.s32 @p1 $0x1;
	p0 =	seq.s32 s7, s2  }
0x1e: {  	s7 =	smul.u32 @!p0 $0xF7A, s2;
	p2 =	seq.s32 @!p0 s5, $0x0  }
0x1f: {  	s9 =	smul.u32 $0xF7A, s1;
	s8 =	simm.s32 @!p0 $0x1BF5;
	p2 =	por !p2, p0  }
0x20: {  	[sflag:s8] =	ssyncset.s32 @!p0 $0xFFFFF086;
	s6 =	sadd.s32 @!p0 s3, s7;
	s7 =	simm.s32 @!p0 $0x108  }
0x21: {  	s3 =	sadd.s32 s3, s9;
	s6 =	sadd.s32 @!p0 $0x88, s6;
	s7 =	simm.s32 @p2 $0x1082  }
0x22: {  	[simem:s7], [sflag:s8] =	dma.local @!p0 [hbm:s6], $0xF7A  }
0x23: {  	s9 =	sor.u32 $0xD0000000, s2;
	s6 =	simm.s32 $0x108;
	_ =	swait.ge @!p0 [sflag:s8], $0x0  }
0x24: {  	s3 =	sadd.s32 $0x88, s3;
	s6 =	simm.s32 @!p1 $0x1082;
	[sflag:s4] =	ssyncset.s32 $0xFFFFF086  }
0x25: {  	[simem:s6], [sflag:s4] =	dma.local [hbm:s3], $0xF7A  }
0x26: {  	[smem:$0x3F91] =	sst s1;
	(tag) =	ssettag s2;
	_ =	strace s9  }
0x27: {  	s1 =	sld [smem:$0x3FA1]  }
0x28: {  	s2 =	sld [smem:$0x3FA2]  }
0x29: {  	s4 =	sld [smem:$0x3FA4]  }
0x2a: {  	p0 =	seq.s32 s5, $0x0;
	s5 =	sld [smem:$0x3FA5]  }
0x2b: {  	s6 =	sld [smem:$0x3FA6]  }
0x2c: {  	s7 =	sld [smem:$0x3FA7]  }
0x2d: {  	s3 =	simm.s32 $0x108;
	s8 =	sld [smem:$0x3FA8]  }
0x2e: {  	s3 =	simm.s32 @!p0 $0x1082;
	s9 =	sld [smem:$0x3FA9]  }
0x2f: {  	lr =	sadd.s32 s0, s3;
	s0 =	sld [smem:$0x3FA0]  }
0x30: {  	s3 =	sld [smem:$0x3FA3]  }
0x31: {  	[smem:$0x3FAC] =	sst s10  }
0x32: {  	s10 =	sld [smem:$0x3FAA];
	_ =	sdelay $0x3  }
0x33: {  	p0 =	seq.s32 s10, $0x1;
	s10 =	sld [smem:$0x3FAC];
	_ =	sdelay $0x3  }
0x34: {  	[smem:$0x3FAC] =	sst s10  }
0x35: {  	s10 =	sld [smem:$0x3FAB];
	_ =	sdelay $0x3  }
0x36: {  	p1 =	seq.s32 s10, $0x1;
	s10 =	sld [smem:$0x3FAC];
	_ =	sdelay $0x3  }
0x37: {  	[smem:$0x3FAC] =	sst s10  }
0x38: {  	s10 =	sld [smem:$0x3FAD]  }
0x39: {  	_ = 	snop;
	(pc) =	sbr.ind lr, $3  }
0x3a: {  	_ = 	snop  }
0x3b: {  	_ = 	snop  }
0x3c: {  	p2 =	seq.s32 s10, $0x1;
	s10 =	sld [smem:$0x3FAC]  }
0x3d: {  	_ =	shalt  }
0x3e: {  	_ =	shalt  }
0x3f: {  	_ =	shalt  }
0x40: {  	_ =	shalt  }
0x41: {  	_ =	shalt  }
0x42: {  	_ =	shalt  }
0x43: {  	_ =	shalt  }
0x44: {  	_ =	shalt  }
0x45: {  	_ =	shalt  }
0x46: {  	_ =	shalt  }
0x47: {  	_ =	shalt  }
0x48: {  	_ =	shalt  }
0x49: {  	_ =	shalt  }
0x4a: {  	_ =	shalt  }
0x4b: {  	_ =	shalt  }
0x4c: {  	_ =	shalt  }
0x4d: {  	_ =	shalt  }
0x4e: {  	_ =	shalt  }
0x4f: {  	_ =	shalt  }
0x50: {  	_ =	shalt  }
0x51: {  	_ =	shalt  }
0x52: {  	_ =	shalt  }
0x53: {  	_ =	shalt  }
0x54: {  	_ =	shalt  }
0x55: {  	_ =	shalt  }
0x56: {  	_ =	shalt  }
0x57: {  	_ =	shalt  }
0x58: {  	_ =	shalt  }
0x59: {  	_ =	shalt  }
0x5a: {  	_ =	shalt  }
0x5b: {  	_ =	shalt  }
0x5c: {  	_ =	shalt  }
0x5d: {  	_ =	shalt  }
0x5e: {  	_ =	shalt  }
0x5f: {  	_ =	shalt  }
0x60: {  	_ =	shalt  }
0x61: {  	_ =	shalt  }
0x62: {  	_ =	shalt  }
0x63: {  	_ =	shalt  }
0x64: {  	_ =	shalt  }
0x65: {  	_ =	shalt  }
0x66: {  	_ =	shalt  }
0x67: {  	_ =	shalt  }
0x68: {  	_ =	shalt  }
0x69: {  	_ =	shalt  }
0x6a: {  	_ =	shalt  }
0x6b: {  	_ =	shalt  }
0x6c: {  	_ =	shalt  }
0x6d: {  	_ =	shalt  }
0x6e: {  	_ =	shalt  }
0x6f: {  	_ =	shalt  }
0x70: {  	_ =	shalt  }
0x71: {  	_ =	shalt  }
0x72: {  	_ =	shalt  }
0x73: {  	_ =	shalt  }
0x74: {  	_ =	shalt  }
0x75: {  	_ =	shalt  }
0x76: {  	_ =	shalt  }
0x77: {  	_ =	shalt  }
0x78: {  	_ =	shalt  }
0x79: {  	_ =	shalt  }
0x7a: {  	_ =	shalt  }
0x7b: {  	_ =	shalt  }
0x7c: {  	_ =	shalt  }
0x7d: {  	_ =	shalt  }
0x7e: {  	_ =	shalt  }
0x7f: {  	_ =	shalt  }
0x80: {  	_ =	shalt  }
0x81: {  	_ =	shalt  }
0x82: {  	_ =	shalt  }
0x83: {  	_ =	shalt  }
0x84: {  	_ =	shalt  }
0x85: {  	_ =	shalt  }
0x86: {  	_ =	shalt  }
0x87: {  	_ =	shalt  }
.Lfunc_end0:
.L_simem_size_0:
called_computation_lowered:
.L_overlay_start_0:
0x88: {  	s2 =	sld [smem:$0x3FD9]  }
0x89: {  	s3 =	sld [smem:$0x3FFE];
	_ =	sdelay $0x1  }
0x8a: {  	s1 =	srdreg.scid  }
0x8b: {  	s0 =	sand.u32 $0x1, s1  }
0x8c: {  	s16 =	sshll.u32 s0, $0xA;
	s2 =	sadd.s32 s3, s2  }
0x8d: {  	s2 =	sadd.s32 s2, s16  }
0x8e: {  	[smem:$0x3FB8] =	sst s2  }
0x8f: {  	_ = 	snop  }
0x90: {  	(tm) =	ssettm $0x1  }
0x91: {  	s17 =	sld [smem:$0x3FFB];
	_ =	sdelay $0x3  }
0x92: {  	_ =	strace s17  }
0x93: {  	s2 =	sld [smem:$0x3FFC];
	_ =	sdelay $0x3  }
0x94: {  	_ =	strace s2  }
0x95: {  	s2 =	sld [smem:$0x3FFD];
	_ =	sdelay $0x3  }
0x96: {  	_ =	strace s2  }
0x97: {  	_ =	strace $0x8FFFFFFF  }
0x98: {  	s18 =	sld [smem:$0x3FDB];
	_ =	sdelay $0x1  }
0x99: {  	s19 =	simm.s32 $_scs_section_size  }
0x9a: {  	s4 =	simm.s32 $_size__tile_overlayer_lowered;
	s5 =	simm.s32 $_tile_overlayer_lowered  }
0x9b: {  	s22 =	simm.s32 $0x1BFF;
	s21 =	sshll.u32 s5, $0x1;
	s2 =	sadd.s32 s19, s18  }
0x9c: {  	s6 =	simm.s32 $0x0;
	s20 =	sshll.u32 s4, $0x1;
	s4 =	sadd.s32 s21, s2  }
0x9d: {  	[timem:s6], [sflag:s22] =	dma.local [hbm:s4], s20  }
0x9e: {  	_ =	swait.ge [sflag:s22], s20  }
0x9f: {  	s3 =	ssub.s32 $0x0, s20;
	[sflag:s22] =	ssyncset.done $0x0  }
0xa0: {  	[sflag:s22] =	ssyncadd.s32 s3;
	_ =	sdelay $0x1  }
0xa1: {  	s23 =	simm.s32 $0x1B8B  }
0xa2: {  	_ =	swait.ge [sflag:s23], $0x1  }
0xa3: {  	[sflag:s23] =	ssyncset.done $0x0  }
0xa4: {  	s25 =	simm.s32 $0x1B8E;
	s24 =	sld [smem:$0x3FFE];
	[sflag:s23] =	ssyncadd.s32 $0xFFFFFFFF  }
0xa5: {  	s26 =	simm.s32 $execute0_lowered;
	[smem:$0x3FD2] =	sst s25  }
0xa6: {  	s4 =	sshll.u32 s26, $0x1;
	_ =	strace $0x80000046;
	[dreg:$0x1] =	wrdreg $0xFFFFFFFF  }
0xa7: {  	s28 =	simm.s32 $_size_execute0_lowered;
	s2 =	sadd.s32 s2, s4;
	[dreg:$0x0] =	wrdreg $0x0  }
0xa8: {  	s4 =	sshll.u32 s28, $0x1;
	[dreg:$0x2] =	wrdreg s2  }
0xa9: {  	[dreg:$0x3] =	wrdreg s4  }
0xaa: {  	[dreg:$0x4] =	wrdreg $0xC0  }
0xab: {  	_ =	task [dreg:s6], $0x5FFFF  }
0xac: {  	[dreg:$0x1] =	wrdreg $0xFFFFFFFF  }
0xad: {  	[dreg:$0x0] =	wrdreg $0x60  }
0xae: {  	[dreg:$0x2] =	wrdreg s24  }
0xaf: {  	[dreg:$0x3] =	wrdreg $0x9  }
0xb0: {  	_ =	task.clear_ibuf [dreg:s6], $0x4FFFF;
	_ =	strace $0x90000046  }
0xb1: {  	s29 =	simm.s32 $0x9;
	_ =	strace $0x80000048  }
0xb2: {  	_ =	swait.ge [sflag:s29], $0x1  }
0xb3: {  	[sflag:s29] =	ssyncadd.s32 $0xFFFFFFFF  }
0xb4: {  	_ =	strace $0x90000048  }
0xb5: {  	_ =	sfence  }
0xb6: {  	s30 =	sld [smem:$0x0];
	_ =	sdelay $0x2  }
0xb7: {  	s31 =	sshll.u32 s1, $0xD;
	s1 =	sshrl.u32 s1, $0x2  }
0xb8: {  	s3 =	sand.u32 $0x4000, s31;
	s1 =	sadd.s32 s1, s30  }
0xb9: {  	s0 =	sor.u32 s3, s0;
	s1 =	sshll.u32 s1, $0x11  }
0xba: {  	s0 =	sor.u32 s1, s0  }
0xbb: {  	s0 =	sadd.s32 $0x8F2B, s0  }
0xbc: {  	[sflag:s0] =	ssyncadd.remote.s32 $0x1  }
0xbd: {  	_ =	sfence.sel $0xFFFF  }
0xbe: {  	[dreg:$0x0] =	wrdreg $0xFFFFFFFF;
	(pc) =	sbr.abs _section_cstart, $3  }
0xbf: {  	[dreg:$0x1] =	wrdreg $0xFFFFFFFF  }
0xc0: {  	_ =	task.clear_ibuf [dreg:s6], $0x2FFFF;
	_ =	strace $0x9FFFFFFF  }
0xc1: {  	(tm) =	ssettm $0x7FFFFFFF  }
tec
execute0_lowered:
.L_overlay_start_1:
0x0: {  	(tag) =	ssettag $0x1  }
0x1: {  	s4 =	rddreg [dreg:$0x0]  }
0x2: {  	s0 =	rddreg [dreg:$0x1];
	s3 =	srdreg.scid  }
0x3: {  	s1 =	stileid.u32;
	s2 =	simm.s32 $0x0;
	s14 =	simm.s32 $0x6600  }
0x4: {  	s15 =	simm.s32 $0x1;
	s16 =	simm.s32 $0x2;
	s17 =	simm.s32 $0x3  }
0x5: {  	s18 =	simm.s32 $0x4;
	s19 =	simm.s32 $0x0;
	s6 =	sand.u32 $0x1, s3  }
0x6: {  	s26 =	sshll.u32 s1, $0x1;
	[smem:$0x7FF] =	sst s2;
	s10 =	smul.u32 $0x2710, s1  }
0x7: {  	s3 =	sadd.s32 $0x2400, s4;
	s9 =	sadd.s32 $0x29600, s4;
	s12 =	smul.u32 $0x27100, s1  }
0x8: {  	s5 =	sor.u32 s6, s26;
	s28 =	ssub.s32 $0x2, s6;
	s11 =	smul.u32 $0x1388, s6  }
0x9: {  	s7 =	sadd.s32 $0x2E600, s4;
	s5 =	smul.u32 $0x1388, s5;
	s8 =	sshrl.u32 s28, $0x1  }
0xa: {  	_ =	strace $0x80000047;
	s13 =	smul.u32 $0x13880, s6;
	s8 =	ssub.s32 s28, s8  }
0xb: {  	s10 =	sadd.s32 s11, s10;
	s11 =	simm.s32 $0xC8;
	s5 =	sadd.s32 $0x12C0, s5  }
0xc: {  	s6 =	smax.u32 s8, $0x1;
	s30 =	sadd.s32 $0xC8, s10;
	s10 =	sshrl.u32 s10, $0x3  }
0xd: {  	s29 =	sshrl.u32 s5, $0x3;
	s5 =	sshll.u32 s5, $0x4;
	s31 =	sshrl.u32 s30, $0x3  }
0xe: {  	s8 =	sadd.s32 s10, s9;
	s10 =	simm.s32 $0x5;
	s4 =	sadd.s32 s9, s29  }
0xf: {  	s5 =	sadd.s32 s7, s5;
	s7 =	sadd.s32 s12, s7;
	s9 =	sadd.s32 s31, s9  }
0x10: {  	s12 =	simm.s32 $0x200;
	s7 =	sadd.s32 s13, s7;
	s13 =	simm.s32 $0x100  }
.LBB2_1:
0x11: {  	s20 =	sadd.s32 $0x0, s8  }
0x12: {  	[tilespmem:s2], [sflag:$0x5] =	stream.linear.gather [hbm4b:s20+s2], $0xC8, $0x38;
	[tilespmem:$0xCA00] =	vst v63  }
0x13: {  	_ =	swait.ge [sflag:s10], $0xC8  }
0x14: {  	[sflag:s10] =	ssyncset.done $0x0  }
0x15: {  	[sflag:s10] =	ssyncadd.s32 $0xFFFFFF38  }
0x16: {  	[tilespmem:s12], [sflag:$0x1] =	stream.indirect.gather [hbm4b:s3+s11], $0x80, s2, s11, $0xb8;
	[tilespmem:$0xCA00] =	vst v63  }
0x17: {  	s30 =	sadd.s32 $0x0, s9  }
0x18: {  	[tilespmem:s13], [sflag:$0x5] =	stream.linear.gather [hbm4b:s30+s2], $0xC8, $0x38;
	[tilespmem:$0xCA00] =	vst v63  }
0x19: {  	_ =	swait.ge [sflag:s10], $0xC8  }
0x1a: {  	[sflag:s10] =	ssyncset.done $0x0  }
0x1b: {  	[sflag:s10] =	ssyncadd.s32 $0xFFFFFF38  }
0x1c: {  	[tilespmem:s14], [sflag:$0x2] =	stream.indirect.gather [hbm4b:s3+s11], $0x80, s13, s11, $0xb8;
	[tilespmem:$0xCA00] =	vst v63  }
0x1d: {  	_ =	swait.ge [sflag:s15], $0x6400  }
0x1e: {  	[sflag:s15] =	ssyncset.done $0x0  }
0x1f: {  	[sflag:s15] =	ssyncadd.s32 $0xFFFF9C00  }
0x20: {  	[hbm4b:s7+s2] =	stream.linear.scatter [tilespmem:s12], [sflag:$0x3], $0x6400, $0x38;
	[tilespmem:$0xCA00] =	vst v63  }
0x21: {  	_ =	swait.ge [sflag:s16], $0x6400  }
0x22: {  	[sflag:s16] =	ssyncset.done $0x0  }
0x23: {  	s31 =	sadd.s32 $0xC80, s7;
	[sflag:s16] =	ssyncadd.s32 $0xFFFF9C00  }
0x24: {  	[hbm4b:s31+s2] =	stream.linear.scatter [tilespmem:s14], [sflag:$0x4], $0x6400, $0x38;
	[tilespmem:$0xCA00] =	vst v63  }
0x25: {  	_ =	swait.ge [sflag:s17], $0x6400  }
0x26: {  	[sflag:s17] =	ssyncset.done $0x0  }
0x27: {  	[sflag:s17] =	ssyncadd.s32 $0xFFFF9C00  }
0x28: {  	s21 =	simm.s32 $0x32;
	_ =	swait.ge [sflag:s18], $0x6400  }
0x29: {  	s22 =	simm.s32 $0x64;
	s20 =	sadd.s32 $0x1900, s7;
	[sflag:s18] =	ssyncset.done $0x0  }
.LBB2_2:
0x2a: {  	s23 =	sadd.s32 s21, s8  }
0x2b: {  	[sflag:s18] =	ssyncadd.s32 $0xFFFF9C00;
	s24 =	smov.u32 s22;
	s25 =	sadd.s32 $0x32, s22  }
0x2c: {  	[tilespmem:s2], [sflag:$0x5] =	stream.linear.gather [hbm4b:s23+s2], $0xC8, $0x38;
	[tilespmem:$0xCA00] =	vst v63  }
0x2d: {  	p0 =	sne.s32 s22, $0x226;
	_ =	swait.ge [sflag:s10], $0xC8  }
0x2e: {  	[sflag:s10] =	ssyncset.done $0x0  }
0x2f: {  	[sflag:s10] =	ssyncadd.s32 $0xFFFFFF38  }
0x30: {  	[tilespmem:s12], [sflag:$0x1] =	stream.indirect.gather [hbm4b:s3+s11], $0x80, s2, s11, $0xb8;
	[tilespmem:$0xCA00] =	vst v63  }
0x31: {  	s22 =	sadd.s32 s21, s9;
	s21 =	smov.u32 s24  }
0x32: {  	[tilespmem:s13], [sflag:$0x5] =	stream.linear.gather [hbm4b:s22+s2], $0xC8, $0x38;
	[tilespmem:$0xCA00] =	vst v63  }
0x33: {  	_ =	swait.ge [sflag:s10], $0xC8  }
0x34: {  	[sflag:s10] =	ssyncset.done $0x0  }
0x35: {  	[sflag:s10] =	ssyncadd.s32 $0xFFFFFF38  }
0x36: {  	[tilespmem:s14], [sflag:$0x2] =	stream.indirect.gather [hbm4b:s3+s11], $0x80, s13, s11, $0xb8;
	[tilespmem:$0xCA00] =	vst v63  }
0x37: {  	_ =	swait.ge [sflag:s15], $0x6400  }
0x38: {  	[sflag:s15] =	ssyncset.done $0x0  }
0x39: {  	[sflag:s15] =	ssyncadd.s32 $0xFFFF9C00  }
0x3a: {  	[hbm4b:s20+s2] =	stream.linear.scatter [tilespmem:s12], [sflag:$0x3], $0x6400, $0x38;
	[tilespmem:$0xCA00] =	vst v63  }
0x3b: {  	_ =	swait.ge [sflag:s16], $0x6400  }
0x3c: {  	[sflag:s16] =	ssyncset.done $0x0  }
0x3d: {  	s22 =	sadd.s32 $0xC80, s20;
	[sflag:s16] =	ssyncadd.s32 $0xFFFF9C00  }
0x3e: {  	[hbm4b:s22+s2] =	stream.linear.scatter [tilespmem:s14], [sflag:$0x4], $0x6400, $0x38;
	[tilespmem:$0xCA00] =	vst v63  }
.Ltmp0:
0x3f: {  	_ =	swait.ge [sflag:s17], $0x6400;
	(pc) =	sbr.rel @p0 .LBB2_2-.Ltmp0, $4  }
0x40: {  	[sflag:s17] =	ssyncset.done $0x0  }
0x41: {  	[sflag:s17] =	ssyncadd.s32 $0xFFFF9C00  }
0x42: {  	_ =	swait.ge [sflag:s18], $0x6400  }
0x43: {  	s20 =	sadd.s32 $0x1900, s20;
	s22 =	smov.u32 s25;
	[sflag:s18] =	ssyncset.done $0x0  }
0x44: {  	s22 =	sadd.s32 s21, s8;
	[sflag:s18] =	ssyncadd.s32 $0xFFFF9C00  }
0x45: {  	[tilespmem:s2], [sflag:$0x5] =	stream.linear.gather [hbm4b:s22+s2], $0xC8, $0x38;
	[tilespmem:$0xCA00] =	vst v63  }
0x46: {  	_ =	swait.ge [sflag:s10], $0xC8  }
0x47: {  	[sflag:s10] =	ssyncset.done $0x0  }
0x48: {  	[sflag:s10] =	ssyncadd.s32 $0xFFFFFF38  }
0x49: {  	[tilespmem:s12], [sflag:$0x1] =	stream.indirect.gather [hbm4b:s3+s11], $0x80, s2, s11, $0xb8;
	[tilespmem:$0xCA00] =	vst v63  }
0x4a: {  	s30 =	sadd.s32 s21, s9  }
0x4b: {  	[tilespmem:s13], [sflag:$0x5] =	stream.linear.gather [hbm4b:s30+s2], $0xC8, $0x38;
	[tilespmem:$0xCA00] =	vst v63  }
0x4c: {  	_ =	swait.ge [sflag:s10], $0xC8  }
0x4d: {  	[sflag:s10] =	ssyncset.done $0x0  }
0x4e: {  	[sflag:s10] =	ssyncadd.s32 $0xFFFFFF38  }
0x4f: {  	[tilespmem:s14], [sflag:$0x2] =	stream.indirect.gather [hbm4b:s3+s11], $0x80, s13, s11, $0xb8;
	[tilespmem:$0xCA00] =	vst v63  }
0x50: {  	_ =	swait.ge [sflag:s15], $0x6400  }
0x51: {  	[sflag:s15] =	ssyncset.done $0x0  }
0x52: {  	[sflag:s15] =	ssyncadd.s32 $0xFFFF9C00  }
0x53: {  	[hbm4b:s20+s2] =	stream.linear.scatter [tilespmem:s12], [sflag:$0x3], $0x6400, $0x38;
	[tilespmem:$0xCA00] =	vst v63  }
0x54: {  	_ =	swait.ge [sflag:s16], $0x6400  }
0x55: {  	[sflag:s16] =	ssyncset.done $0x0  }
0x56: {  	s31 =	sadd.s32 $0xC80, s20;
	[sflag:s16] =	ssyncadd.s32 $0xFFFF9C00  }
0x57: {  	[hbm4b:s31+s2] =	stream.linear.scatter [tilespmem:s14], [sflag:$0x4], $0x6400, $0x38;
	[tilespmem:$0xCA00] =	vst v63  }
0x58: {  	_ =	swait.ge [sflag:s17], $0x6400  }
0x59: {  	[sflag:s17] =	ssyncset.done $0x0  }
0x5a: {  	[sflag:s17] =	ssyncadd.s32 $0xFFFF9C00  }
0x5b: {  	_ =	swait.ge [sflag:s18], $0x6400  }
0x5c: {  	[sflag:s18] =	ssyncset.done $0x0  }
0x5d: {  	[sflag:s18] =	ssyncadd.s32 $0xFFFF9C00  }
0x5e: {  	[tilespmem:s2], [sflag:$0x5] =	stream.linear.gather [hbm4b:s4+s2], $0xC8, $0x38;
	[tilespmem:$0xCA00] =	vst v63  }
0x5f: {  	_ =	swait.ge [sflag:s10], $0xC8  }
0x60: {  	[sflag:s10] =	ssyncset.done $0x0  }
0x61: {  	[sflag:s10] =	ssyncadd.s32 $0xFFFFFF38  }
0x62: {  	[tilespmem:s12], [sflag:$0x1] =	stream.indirect.gather [hbm4b:s3+s11], $0x80, s2, s11, $0xb8;
	[tilespmem:$0xCA00] =	vst v63  }
0x63: {  	s19 =	sadd.s32 $0x1, s19;
	_ =	swait.ge [sflag:s15], $0x6400  }
0x64: {  	p0 =	sne.s32 s19, s6;
	[sflag:s15] =	ssyncset.done $0x0  }
.Ltmp1:
0x65: {  	[sflag:s15] =	ssyncadd.s32 $0xFFFF9C00;
	(pc) =	sbr.rel @p0 .LBB2_1-.Ltmp1, $4  }
0x66: {  	[hbm4b:s5+s2] =	stream.linear.scatter [tilespmem:s12], [sflag:$0x5], $0x6400, $0x38;
	[tilespmem:$0xCA00] =	vst v63  }
0x67: {  	_ =	swait.ge [sflag:s10], $0x6400  }
0x68: {  	[sflag:s10] =	ssyncset.done $0x0  }
0x69: {  	[sflag:s10] =	ssyncadd.s32 $0xFFFF9C00  }
0x6a: {  	_ =	sfence.sel $0x180000  }
0x6b: {  	[bflag:$0x0] =	sbarrier.arrive $0xFFFF  }
0x6c: {  	p0 =	sne.s32 s1, $0x0;
	_ =	strace $0x90000047  }
0x6d: {  	s0 =	sadd.s32 @!p0 $0x100000, s0;
	[bflag:$0x2] =	sbarrier.arrive $0xFFFF  }
0x6e: {  	[sflag:s0] =	ssyncadd.tile.s32 @!p0 $0x1;
	_ =	shalt  }
.Lfunc_end2:
_tile_overlayer_lowered:
.L_overlay_start_2:
0x6f: {  	(tag) =	ssettag $0x2  }
0x70: {  	s0 =	rddreg [dreg:$0x0];
	s2 =	stileid.u32  }
0x71: {  	s1 =	rddreg [dreg:$0x1];
	p0 =	sne.s32 s2, $0x0  }
0x72: {  	s3 =	rddreg [dreg:$0x2];
	[bflag:$0x3] =	sbarrier.arrive $0xFFFF;
	s2 =	simm.s32 @!p0 $0x1C05  }
0x73: {  	[timem:s3], [sflag:s2] =	dma.local @!p0 [hbm:s0], s1  }
0x74: {  	s0 =	simm.s32 @!p0 $0x5  }
0x75: {  	_ =	swait.ge @!p0 [sflag:s0], s1  }
0x76: {  	s1 =	ssub.s32 @!p0 $0x0, s1;
	[sflag:s0] =	ssyncset.done @!p0 $0x0  }
0x77: {  	[sflag:s0] =	ssyncadd.s32 @!p0 s1  }
0x78: {  	[bflag:$0x3] =	sbarrier.arrive $0xFFFF  }
0x79: {  	_ =	shalt  }

// kernel: kernel.14.cloned.1.call-start
scs
__scs_entry_jumppad:
0x0: {  	(pc) =	sbr.rel $0x88, $3  }
0x1: {  	(tag) =	ssettag $0x0;
	lr =	simm.s32 $0x1  }
0x2: {  	[smem:$0x3F91] =	sst lr;
	_ =	strace $0xD0000000  }
0x3: {  	_ = 	snop  }
0x4: {  	_ = 	snop  }
0x5: {  	_ = 	snop  }
0x6: {  	_ = 	snop  }
0x7: {  	_ = 	snop  }
__scs_overlays_trampoline_lowered:
0x8: {  	[smem:$0x3FA0] =	sst s0  }
0x9: {  	[smem:$0x3FA1] =	sst s1  }
0xa: {  	[smem:$0x3FA2] =	sst s2  }
0xb: {  	[smem:$0x3FA3] =	sst s3  }
0xc: {  	[smem:$0x3FA4] =	sst s4  }
0xd: {  	[smem:$0x3FA5] =	sst s5  }
0xe: {  	[smem:$0x3FA6] =	sst s6  }
0xf: {  	[smem:$0x3FA7] =	sst s7  }
0x10: {  	[smem:$0x3FA8] =	sst s8  }
0x11: {  	[smem:$0x3FA9] =	sst s9;
	s0 =	simm.s32 @!p0 $0x0  }
0x12: {  	s1 =	sld [smem:$0x3F8F];
	s0 =	simm.s32 @p0 $0x1  }
0x13: {  	[smem:$0x3FAA] =	sst s0;
	s0 =	simm.s32 @!p1 $0x0  }
0x14: {  	s2 =	sld [smem:$0x3F8E];
	s0 =	simm.s32 @p1 $0x1  }
0x15: {  	[smem:$0x3FAB] =	sst s0;
	s0 =	simm.s32 @!p2 $0x0  }
0x16: {  	s3 =	sld [smem:$0x3FDB];
	s0 =	simm.s32 @p2 $0x1  }
0x17: {  	s4 =	simm.s32 $0x1BF5;
	[smem:$0x3FAD] =	sst s0  }
0x18: {  	s0 =	sld [smem:$0x3F90];
	_ =	swait.ge [sflag:s4], $0x0  }
0x19: {  	s7 =	sld [smem:$0x3F91]  }
0x1a: {  	s8 =	sadd.s32 $0xFFFFE003, lr  }
0x1b: {  	s9 =	sadd.s32 $0xFFFFFEF7, lr;
	s5 =	simm.s32 $0xFFFFFFFF;
	p2 =	slt.u32 s8, $0xFFFFF086  }
0x1c: {  	p1 =	slt.u32 s9, $0xF7A;
	s5 =	simm.s32 @!p2 $0x0  }
0x1d: {  	s5 =	simm.s32 @p1 $0x1;
	p0 =	seq.s32 s7, s2  }
0x1e: {  	s7 =	smul.u32 @!p0 $0xF7A, s2;
	p2 =	seq.s32 @!p0 s5, $0x0  }
0x1f: {  	s9 =	smul.u32 $0xF7A, s1;
	s8 =	simm.s32 @!p0 $0x1BF5;
	p2 =	por !p2, p0  }
0x20: {  	[sflag:s8] =	ssyncset.s32 @!p0 $0xFFFFF086;
	s6 =	sadd.s32 @!p0 s3, s7;
	s7 =	simm.s32 @!p0 $0x108  }
0x21: {  	s3 =	sadd.s32 s3, s9;
	s6 =	sadd.s32 @!p0 $0x88, s6;
	s7 =	simm.s32 @p2 $0x1082  }
0x22: {  	[simem:s7], [sflag:s8] =	dma.local @!p0 [hbm:s6], $0xF7A  }
0x23: {  	s9 =	sor.u32 $0xD0000000, s2;
	s6 =	simm.s32 $0x108;
	_ =	swait.ge @!p0 [sflag:s8], $0x0  }
0x24: {  	s3 =	sadd.s32 $0x88, s3;
	s6 =	simm.s32 @!p1 $0x1082;
	[sflag:s4] =	ssyncset.s32 $0xFFFFF086  }
0x25: {  	[simem:s6], [sflag:s4] =	dma.local [hbm:s3], $0xF7A  }
0x26: {  	[smem:$0x3F91] =	sst s1;
	(tag) =	ssettag s2;
	_ =	strace s9  }
0x27: {  	s1 =	sld [smem:$0x3FA1]  }
0x28: {  	s2 =	sld [smem:$0x3FA2]  }
0x29: {  	s4 =	sld [smem:$0x3FA4]  }
0x2a: {  	p0 =	seq.s32 s5, $0x0;
	s5 =	sld [smem:$0x3FA5]  }
0x2b: {  	s6 =	sld [smem:$0x3FA6]  }
0x2c: {  	s7 =	sld [smem:$0x3FA7]  }
0x2d: {  	s3 =	simm.s32 $0x108;
	s8 =	sld [smem:$0x3FA8]  }
0x2e: {  	s3 =	simm.s32 @!p0 $0x1082;
	s9 =	sld [smem:$0x3FA9]  }
0x2f: {  	lr =	sadd.s32 s0, s3;
	s0 =	sld [smem:$0x3FA0]  }
0x30: {  	s3 =	sld [smem:$0x3FA3]  }
0x31: {  	[smem:$0x3FAC] =	sst s10  }
0x32: {  	s10 =	sld [smem:$0x3FAA];
	_ =	sdelay $0x3  }
0x33: {  	p0 =	seq.s32 s10, $0x1;
	s10 =	sld [smem:$0x3FAC];
	_ =	sdelay $0x3  }
0x34: {  	[smem:$0x3FAC] =	sst s10  }
0x35: {  	s10 =	sld [smem:$0x3FAB];
	_ =	sdelay $0x3  }
0x36: {  	p1 =	seq.s32 s10, $0x1;
	s10 =	sld [smem:$0x3FAC];
	_ =	sdelay $0x3  }
0x37: {  	[smem:$0x3FAC] =	sst s10  }
0x38: {  	s10 =	sld [smem:$0x3FAD]  }
0x39: {  	_ = 	snop;
	(pc) =	sbr.ind lr, $3  }
0x3a: {  	_ = 	snop  }
0x3b: {  	_ = 	snop  }
0x3c: {  	p2 =	seq.s32 s10, $0x1;
	s10 =	sld [smem:$0x3FAC]  }
0x3d: {  	_ =	shalt  }
0x3e: {  	_ =	shalt  }
0x3f: {  	_ =	shalt  }
0x40: {  	_ =	shalt  }
0x41: {  	_ =	shalt  }
0x42: {  	_ =	shalt  }
0x43: {  	_ =	shalt  }
0x44: {  	_ =	shalt  }
0x45: {  	_ =	shalt  }
0x46: {  	_ =	shalt  }
0x47: {  	_ =	shalt  }
0x48: {  	_ =	shalt  }
0x49: {  	_ =	shalt  }
0x4a: {  	_ =	shalt  }
0x4b: {  	_ =	shalt  }
0x4c: {  	_ =	shalt  }
0x4d: {  	_ =	shalt  }
0x4e: {  	_ =	shalt  }
0x4f: {  	_ =	shalt  }
0x50: {  	_ =	shalt  }
0x51: {  	_ =	shalt  }
0x52: {  	_ =	shalt  }
0x53: {  	_ =	shalt  }
0x54: {  	_ =	shalt  }
0x55: {  	_ =	shalt  }
0x56: {  	_ =	shalt  }
0x57: {  	_ =	shalt  }
0x58: {  	_ =	shalt  }
0x59: {  	_ =	shalt  }
0x5a: {  	_ =	shalt  }
0x5b: {  	_ =	shalt  }
0x5c: {  	_ =	shalt  }
0x5d: {  	_ =	shalt  }
0x5e: {  	_ =	shalt  }
0x5f: {  	_ =	shalt  }
0x60: {  	_ =	shalt  }
0x61: {  	_ =	shalt  }
0x62: {  	_ =	shalt  }
0x63: {  	_ =	shalt  }
0x64: {  	_ =	shalt  }
0x65: {  	_ =	shalt  }
0x66: {  	_ =	shalt  }
0x67: {  	_ =	shalt  }
0x68: {  	_ =	shalt  }
0x69: {  	_ =	shalt  }
0x6a: {  	_ =	shalt  }
0x6b: {  	_ =	shalt  }
0x6c: {  	_ =	shalt  }
0x6d: {  	_ =	shalt  }
0x6e: {  	_ =	shalt  }
0x6f: {  	_ =	shalt  }
0x70: {  	_ =	shalt  }
0x71: {  	_ =	shalt  }
0x72: {  	_ =	shalt  }
0x73: {  	_ =	shalt  }
0x74: {  	_ =	shalt  }
0x75: {  	_ =	shalt  }
0x76: {  	_ =	shalt  }
0x77: {  	_ =	shalt  }
0x78: {  	_ =	shalt  }
0x79: {  	_ =	shalt  }
0x7a: {  	_ =	shalt  }
0x7b: {  	_ =	shalt  }
0x7c: {  	_ =	shalt  }
0x7d: {  	_ =	shalt  }
0x7e: {  	_ =	shalt  }
0x7f: {  	_ =	shalt  }
0x80: {  	_ =	shalt  }
0x81: {  	_ =	shalt  }
0x82: {  	_ =	shalt  }
0x83: {  	_ =	shalt  }
0x84: {  	_ =	shalt  }
0x85: {  	_ =	shalt  }
0x86: {  	_ =	shalt  }
0x87: {  	_ =	shalt  }
.Lfunc_end0:
.L_simem_size_0:
called_computation.1_lowered:
.L_overlay_start_0:
0x88: {  	s2 =	sld [smem:$0x3FD9]  }
0x89: {  	s3 =	sld [smem:$0x3FFE];
	_ =	sdelay $0x1  }
0x8a: {  	s1 =	srdreg.scid  }
0x8b: {  	s0 =	sand.u32 $0x1, s1  }
0x8c: {  	s17 =	sshll.u32 s0, $0xA;
	s2 =	sadd.s32 s3, s2  }
0x8d: {  	s2 =	sadd.s32 s2, s17  }
0x8e: {  	[smem:$0x3FB8] =	sst s2  }
0x8f: {  	_ = 	snop  }
0x90: {  	(tm) =	ssettm $0x1  }
0x91: {  	s18 =	sld [smem:$0x3FFB];
	_ =	sdelay $0x3  }
0x92: {  	_ =	strace s18  }
0x93: {  	s2 =	sld [smem:$0x3FFC];
	_ =	sdelay $0x3  }
0x94: {  	_ =	strace s2  }
0x95: {  	s2 =	sld [smem:$0x3FFD];
	_ =	sdelay $0x3  }
0x96: {  	_ =	strace s2  }
0x97: {  	_ =	strace $0x8FFFFFFF  }
0x98: {  	s19 =	sld [smem:$0x3FDB];
	_ =	sdelay $0x1  }
0x99: {  	s20 =	simm.s32 $_scs_section_size  }
0x9a: {  	s4 =	simm.s32 $_size__tile_overlayer_lowered;
	s5 =	simm.s32 $_tile_overlayer_lowered  }
0x9b: {  	s6 =	simm.s32 $0x1BFF;
	s21 =	sshll.u32 s5, $0x1;
	s3 =	sadd.s32 s20, s19  }
0x9c: {  	s22 =	simm.s32 $0x0;
	s4 =	sshll.u32 s4, $0x1;
	s5 =	sadd.s32 s21, s3  }
0x9d: {  	[timem:s22], [sflag:s6] =	dma.local [hbm:s5], s4  }
0x9e: {  	_ =	swait.ge [sflag:s6], s4  }
0x9f: {  	s4 =	ssub.s32 $0x0, s4;
	[sflag:s6] =	ssyncset.done $0x0  }
0xa0: {  	[sflag:s6] =	ssyncadd.s32 s4;
	_ =	sdelay $0x1  }
0xa1: {  	s23 =	simm.s32 $0x1B8B  }
0xa2: {  	_ =	swait.ge [sflag:s23], $0x1  }
0xa3: {  	[sflag:s23] =	ssyncset.done $0x0  }
0xa4: {  	[sflag:s23] =	ssyncadd.s32 $0xFFFFFFFF  }
0xa5: {  	s4 =	sld [smem:$0x0]  }
0xa6: {  	s5 =	sand.u32 $0xFFFFFFFE, s1  }
0xa7: {  	p0 =	sne.s32 s1, s5  }
0xa8: {  	s5 =	sshll.u32 @p0 s5, $0xE  }
0xa9: {  	s5 =	sadd.s32 @p0 $0x11B8D, s5;
	s6 =	sshll.u32 @p0 s4, $0x11  }
0xaa: {  	s5 =	sor.u32 @p0 s6, s5  }
0xab: {  	[sflag:s5] =	ssyncadd.remote.s32 @p0 $0x1;
	_ =	sdelay $0x1  }
0xac: {  	s5 =	simm.s32 @p0 $0x1B8D  }
0xad: {  	_ =	swait.eq @p0 [sflag:s5], $0x1  }
0xae: {  	[sflag:s5] =	ssyncadd.s32 @p0 $0xFFFFFFFF  }
0xaf: {  	s6 =	sshll.u32 @!p0 s1, $0xE  }
0xb0: {  	s6 =	sor.u32 @!p0 $0x4000, s6;
	s5 =	simm.s32 @!p0 $0x1B8D  }
0xb1: {  	s4 =	sshll.u32 @!p0 s4, $0x11;
	s6 =	sadd.s32 @!p0 $0x11B8D, s6;
	_ =	swait.eq @!p0 [sflag:s5], $0x1  }
0xb2: {  	s4 =	sor.u32 @!p0 s4, s6;
	[sflag:s5] =	ssyncadd.s32 @!p0 $0xFFFFFFFF  }
0xb3: {  	s25 =	simm.s32 $0x1B8E;
	s24 =	sld [smem:$0x3FFE];
	[sflag:s4] =	ssyncadd.remote.s32 @!p0 $0x1  }
0xb4: {  	s26 =	simm.s32 $execute0_lowered;
	[smem:$0x3FD2] =	sst s25  }
0xb5: {  	s5 =	sshll.u32 s26, $0x1;
	_ =	strace $0x80000049;
	[dreg:$0x1] =	wrdreg $0xFFFFFFFF  }
0xb6: {  	s28 =	simm.s32 $_size_execute0_lowered;
	s3 =	sadd.s32 s3, s5;
	[dreg:$0x0] =	wrdreg $0x0  }
0xb7: {  	s5 =	sshll.u32 s28, $0x1;
	[dreg:$0x2] =	wrdreg s3  }
0xb8: {  	[dreg:$0x3] =	wrdreg s5  }
0xb9: {  	[dreg:$0x4] =	wrdreg $0xC0  }
0xba: {  	_ =	task [dreg:s22], $0x5FFFF  }
0xbb: {  	[dreg:$0x1] =	wrdreg $0xFFFFFFFF  }
0xbc: {  	[dreg:$0x0] =	wrdreg $0x60  }
0xbd: {  	[dreg:$0x2] =	wrdreg s24  }
0xbe: {  	[dreg:$0x3] =	wrdreg $0xA  }
0xbf: {  	_ =	task.clear_ibuf [dreg:s22], $0x4FFFF;
	_ =	strace $0x90000049  }
0xc0: {  	s29 =	simm.s32 $0xA;
	_ =	strace $0x8000004B  }
0xc1: {  	_ =	swait.ge [sflag:s29], $0x1  }
0xc2: {  	[sflag:s29] =	ssyncadd.s32 $0xFFFFFFFF  }
0xc3: {  	_ =	strace $0x9000004B  }
0xc4: {  	_ =	sfence  }
0xc5: {  	s30 =	sld [smem:$0x0];
	_ =	sdelay $0x2  }
0xc6: {  	s31 =	sshll.u32 s1, $0xD;
	s1 =	sshrl.u32 s1, $0x2  }
0xc7: {  	s4 =	sand.u32 $0x4000, s31;
	s1 =	sadd.s32 s1, s30  }
0xc8: {  	s0 =	sor.u32 s4, s0;
	s1 =	sshll.u32 s1, $0x11  }
0xc9: {  	s0 =	sor.u32 s1, s0  }
0xca: {  	s0 =	sadd.s32 $0x8F2B, s0  }
0xcb: {  	[sflag:s0] =	ssyncadd.remote.s32 $0x1  }
0xcc: {  	_ =	sfence.sel $0xFFFF  }
0xcd: {  	[dreg:$0x0] =	wrdreg $0xFFFFFFFF;
	(pc) =	sbr.abs _section_cstart, $3  }
0xce: {  	[dreg:$0x1] =	wrdreg $0xFFFFFFFF  }
0xcf: {  	_ =	task.clear_ibuf [dreg:s22], $0x2FFFF;
	_ =	strace $0x9FFFFFFF  }
0xd0: {  	(tm) =	ssettm $0x7FFFFFFF  }
0xd1: {  	_ =	shalt  }
tec
execute0_lowered:
.L_overlay_start_1:
0x0: {  	(tag) =	ssettag $0x1  }
0x1: {  	s4 =	rddreg [dreg:$0x0]  }
0x2: {  	s0 =	rddreg [dreg:$0x1];
	s2 =	simm.s32 $0x0  }
0x3: {  	s3 =	srdreg.scid;
	s1 =	stileid.u32;
	s14 =	simm.s32 $0x6600  }
0x4: {  	s15 =	simm.s32 $0x1;
	s16 =	simm.s32 $0x2;
	s17 =	simm.s32 $0x3  }
0x5: {  	s18 =	simm.s32 $0x4;
	s19 =	simm.s32 $0x0;
	[smem:$0x7FF] =	sst s2  }
0x6: {  	s6 =	sand.u32 $0x1, s3;
	s26 =	sshll.u32 s1, $0x1;
	s10 =	smul.u32 $0x2710, s1  }
0x7: {  	s3 =	sadd.s32 $0x29F600, s4;
	s9 =	sadd.s32 $0x29600, s4;
	s12 =	smul.u32 $0x27100, s1  }
0x8: {  	s5 =	sor.u32 s6, s26;
	s28 =	ssub.s32 $0x2, s6;
	s11 =	smul.u32 $0x1388, s6  }
0x9: {  	s7 =	sadd.s32 $0x314C00, s4;
	s5 =	smul.u32 $0x1388, s5;
	s8 =	sshrl.u32 s28, $0x1  }
0xa: {  	_ =	strace $0x8000004A;
	s13 =	smul.u32 $0x13880, s6;
	s8 =	ssub.s32 s28, s8  }
0xb: {  	s10 =	sadd.s32 s11, s10;
	s11 =	simm.s32 $0xC8;
	s5 =	sadd.s32 $0x12C0, s5  }
0xc: {  	s6 =	smax.u32 s8, $0x1;
	s30 =	sadd.s32 $0xC8, s10;
	s10 =	sshrl.u32 s10, $0x3  }
0xd: {  	s29 =	sshrl.u32 s5, $0x3;
	s5 =	sshll.u32 s5, $0x4;
	s31 =	sshrl.u32 s30, $0x3  }
0xe: {  	s8 =	sadd.s32 s10, s9;
	s10 =	simm.s32 $0x5;
	s4 =	sadd.s32 s9, s29  }
0xf: {  	s5 =	sadd.s32 s7, s5;
	s7 =	sadd.s32 s12, s7;
	s9 =	sadd.s32 s31, s9  }
0x10: {  	s12 =	simm.s32 $0x200;
	s7 =	sadd.s32 s13, s7;
	s13 =	simm.s32 $0x100  }
.LBB2_1:
0x11: {  	s20 =	sadd.s32 $0x0, s8  }
0x12: {  	[tilespmem:s2], [sflag:$0x5] =	stream.linear.gather [hbm4b:s20+s2], $0xC8, $0x38;
	[tilespmem:$0xCA00] =	vst v63  }
0x13: {  	_ =	swait.ge [sflag:s10], $0xC8  }
0x14: {  	[sflag:s10] =	ssyncset.done $0x0  }
0x15: {  	[sflag:s10] =	ssyncadd.s32 $0xFFFFFF38  }
0x16: {  	[tilespmem:s12], [sflag:$0x1] =	stream.indirect.gather [hbm4b:s3+s11], $0x80, s2, s11, $0xb8;
	[tilespmem:$0xCA00] =	vst v63  }
0x17: {  	s30 =	sadd.s32 $0x0, s9  }
0x18: {  	[tilespmem:s13], [sflag:$0x5] =	stream.linear.gather [hbm4b:s30+s2], $0xC8, $0x38;
	[tilespmem:$0xCA00] =	vst v63  }
0x19: {  	_ =	swait.ge [sflag:s10], $0xC8  }
0x1a: {  	[sflag:s10] =	ssyncset.done $0x0  }
0x1b: {  	[sflag:s10] =	ssyncadd.s32 $0xFFFFFF38  }
0x1c: {  	[tilespmem:s14], [sflag:$0x2] =	stream.indirect.gather [hbm4b:s3+s11], $0x80, s13, s11, $0xb8;
	[tilespmem:$0xCA00] =	vst v63  }
0x1d: {  	_ =	swait.ge [sflag:s15], $0x6400  }
0x1e: {  	[sflag:s15] =	ssyncset.done $0x0  }
0x1f: {  	[sflag:s15] =	ssyncadd.s32 $0xFFFF9C00  }
0x20: {  	[hbm4b:s7+s2] =	stream.linear.scatter [tilespmem:s12], [sflag:$0x3], $0x6400, $0x38;
	[tilespmem:$0xCA00] =	vst v63  }
0x21: {  	_ =	swait.ge [sflag:s16], $0x6400  }
0x22: {  	[sflag:s16] =	ssyncset.done $0x0  }
0x23: {  	s31 =	sadd.s32 $0xC80, s7;
	[sflag:s16] =	ssyncadd.s32 $0xFFFF9C00  }
0x24: {  	[hbm4b:s31+s2] =	stream.linear.scatter [tilespmem:s14], [sflag:$0x4], $0x6400, $0x38;
	[tilespmem:$0xCA00] =	vst v63  }
0x25: {  	_ =	swait.ge [sflag:s17], $0x6400  }
0x26: {  	[sflag:s17] =	ssyncset.done $0x0  }
0x27: {  	[sflag:s17] =	ssyncadd.s32 $0xFFFF9C00  }
0x28: {  	s21 =	simm.s32 $0x32;
	_ =	swait.ge [sflag:s18], $0x6400  }
0x29: {  	s22 =	simm.s32 $0x64;
	s20 =	sadd.s32 $0x1900, s7;
	[sflag:s18] =	ssyncset.done $0x0  }
.LBB2_2:
0x2a: {  	s23 =	sadd.s32 s21, s8  }
0x2b: {  	[sflag:s18] =	ssyncadd.s32 $0xFFFF9C00;
	s24 =	smov.u32 s22;
	s25 =	sadd.s32 $0x32, s22  }
0x2c: {  	[tilespmem:s2], [sflag:$0x5] =	stream.linear.gather [hbm4b:s23+s2], $0xC8, $0x38;
	[tilespmem:$0xCA00] =	vst v63  }
0x2d: {  	p0 =	sne.s32 s22, $0x226;
	_ =	swait.ge [sflag:s10], $0xC8  }
0x2e: {  	[sflag:s10] =	ssyncset.done $0x0  }
0x2f: {  	[sflag:s10] =	ssyncadd.s32 $0xFFFFFF38  }
0x30: {  	[tilespmem:s12], [sflag:$0x1] =	stream.indirect.gather [hbm4b:s3+s11], $0x80, s2, s11, $0xb8;
	[tilespmem:$0xCA00] =	vst v63  }
0x31: {  	s22 =	sadd.s32 s21, s9;
	s21 =	smov.u32 s24  }
0x32: {  	[tilespmem:s13], [sflag:$0x5] =	stream.linear.gather [hbm4b:s22+s2], $0xC8, $0x38;
	[tilespmem:$0xCA00] =	vst v63  }
0x33: {  	_ =	swait.ge [sflag:s10], $0xC8  }
0x34: {  	[sflag:s10] =	ssyncset.done $0x0  }
0x35: {  	[sflag:s10] =	ssyncadd.s32 $0xFFFFFF38  }
0x36: {  	[tilespmem:s14], [sflag:$0x2] =	stream.indirect.gather [hbm4b:s3+s11], $0x80, s13, s11, $0xb8;
	[tilespmem:$0xCA00] =	vst v63  }
0x37: {  	_ =	swait.ge [sflag:s15], $0x6400  }
0x38: {  	[sflag:s15] =	ssyncset.done $0x0  }
0x39: {  	[sflag:s15] =	ssyncadd.s32 $0xFFFF9C00  }
0x3a: {  	[hbm4b:s20+s2] =	stream.linear.scatter [tilespmem:s12], [sflag:$0x3], $0x6400, $0x38;
	[tilespmem:$0xCA00] =	vst v63  }
0x3b: {  	_ =	swait.ge [sflag:s16], $0x6400  }
0x3c: {  	[sflag:s16] =	ssyncset.done $0x0  }
0x3d: {  	s22 =	sadd.s32 $0xC80, s20;
	[sflag:s16] =	ssyncadd.s32 $0xFFFF9C00  }
0x3e: {  	[hbm4b:s22+s2] =	stream.linear.scatter [tilespmem:s14], [sflag:$0x4], $0x6400, $0x38;
	[tilespmem:$0xCA00] =	vst v63  }
.Ltmp0:
0x3f: {  	_ =	swait.ge [sflag:s17], $0x6400;
	(pc) =	sbr.rel @p0 .LBB2_2-.Ltmp0, $4  }
0x40: {  	[sflag:s17] =	ssyncset.done $0x0  }
0x41: {  	[sflag:s17] =	ssyncadd.s32 $0xFFFF9C00  }
0x42: {  	_ =	swait.ge [sflag:s18], $0x6400  }
0x43: {  	s20 =	sadd.s32 $0x1900, s20;
	s22 =	smov.u32 s25;
	[sflag:s18] =	ssyncset.done $0x0  }
0x44: {  	s22 =	sadd.s32 s21, s8;
	[sflag:s18] =	ssyncadd.s32 $0xFFFF9C00  }
0x45: {  	[tilespmem:s2], [sflag:$0x5] =	stream.linear.gather [hbm4b:s22+s2], $0xC8, $0x38;
	[tilespmem:$0xCA00] =	vst v63  }
0x46: {  	_ =	swait.ge [sflag:s10], $0xC8  }
0x47: {  	[sflag:s10] =	ssyncset.done $0x0  }
0x48: {  	[sflag:s10] =	ssyncadd.s32 $0xFFFFFF38  }
0x49: {  	[tilespmem:s12], [sflag:$0x1] =	stream.indirect.gather [hbm4b:s3+s11], $0x80, s2, s11, $0xb8;
	[tilespmem:$0xCA00] =	vst v63  }
0x4a: {  	s30 =	sadd.s32 s21, s9  }
0x4b: {  	[tilespmem:s13], [sflag:$0x5] =	stream.linear.gather [hbm4b:s30+s2], $0xC8, $0x38;
	[tilespmem:$0xCA00] =	vst v63  }
0x4c: {  	_ =	swait.ge [sflag:s10], $0xC8  }
0x4d: {  	[sflag:s10] =	ssyncset.done $0x0  }
0x4e: {  	[sflag:s10] =	ssyncadd.s32 $0xFFFFFF38  }
0x4f: {  	[tilespmem:s14], [sflag:$0x2] =	stream.indirect.gather [hbm4b:s3+s11], $0x80, s13, s11, $0xb8;
	[tilespmem:$0xCA00] =	vst v63  }
0x50: {  	_ =	swait.ge [sflag:s15], $0x6400  }
0x51: {  	[sflag:s15] =	ssyncset.done $0x0  }
0x52: {  	[sflag:s15] =	ssyncadd.s32 $0xFFFF9C00  }
0x53: {  	[hbm4b:s20+s2] =	stream.linear.scatter [tilespmem:s12], [sflag:$0x3], $0x6400, $0x38;
	[tilespmem:$0xCA00] =	vst v63  }
0x54: {  	_ =	swait.ge [sflag:s16], $0x6400  }
0x55: {  	[sflag:s16] =	ssyncset.done $0x0  }
0x56: {  	s31 =	sadd.s32 $0xC80, s20;
	[sflag:s16] =	ssyncadd.s32 $0xFFFF9C00  }
0x57: {  	[hbm4b:s31+s2] =	stream.linear.scatter [tilespmem:s14], [sflag:$0x4], $0x6400, $0x38;
	[tilespmem:$0xCA00] =	vst v63  }
0x58: {  	_ =	swait.ge [sflag:s17], $0x6400  }
0x59: {  	[sflag:s17] =	ssyncset.done $0x0  }
0x5a: {  	[sflag:s17] =	ssyncadd.s32 $0xFFFF9C00  }
0x5b: {  	_ =	swait.ge [sflag:s18], $0x6400  }
0x5c: {  	[sflag:s18] =	ssyncset.done $0x0  }
0x5d: {  	[sflag:s18] =	ssyncadd.s32 $0xFFFF9C00  }
0x5e: {  	[tilespmem:s2], [sflag:$0x5] =	stream.linear.gather [hbm4b:s4+s2], $0xC8, $0x38;
	[tilespmem:$0xCA00] =	vst v63  }
0x5f: {  	_ =	swait.ge [sflag:s10], $0xC8  }
0x60: {  	[sflag:s10] =	ssyncset.done $0x0  }
0x61: {  	[sflag:s10] =	ssyncadd.s32 $0xFFFFFF38  }
0x62: {  	[tilespmem:s12], [sflag:$0x1] =	stream.indirect.gather [hbm4b:s3+s11], $0x80, s2, s11, $0xb8;
	[tilespmem:$0xCA00] =	vst v63  }
0x63: {  	s19 =	sadd.s32 $0x1, s19;
	_ =	swait.ge [sflag:s15], $0x6400  }
0x64: {  	p0 =	sne.s32 s19, s6;
	[sflag:s15] =	ssyncset.done $0x0  }
.Ltmp1:
0x65: {  	[sflag:s15] =	ssyncadd.s32 $0xFFFF9C00;
	(pc) =	sbr.rel @p0 .LBB2_1-.Ltmp1, $4  }
0x66: {  	[hbm4b:s5+s2] =	stream.linear.scatter [tilespmem:s12], [sflag:$0x5], $0x6400, $0x38;
	[tilespmem:$0xCA00] =	vst v63  }
0x67: {  	_ =	swait.ge [sflag:s10], $0x6400  }
0x68: {  	[sflag:s10] =	ssyncset.done $0x0  }
0x69: {  	[sflag:s10] =	ssyncadd.s32 $0xFFFF9C00  }
0x6a: {  	_ =	sfence.sel $0x180000  }
0x6b: {  	[bflag:$0x0] =	sbarrier.arrive $0xFFFF  }
0x6c: {  	p0 =	sne.s32 s1, $0x0;
	_ =	strace $0x9000004A  }
0x6d: {  	s0 =	sadd.s32 @!p0 $0x100000, s0;
	[bflag:$0x2] =	sbarrier.arrive $0xFFFF  }
0x6e: {  	[sflag:s0] =	ssyncadd.tile.s32 @!p0 $0x1;
	_ =	shalt  }
.Lfunc_end2:
_tile_overlayer_lowered:
.L_overlay_start_2:
0x6f: {  	(tag) =	ssettag $0x2  }
0x70: {  	s0 =	rddreg [dreg:$0x0];
	s2 =	stileid.u32  }
0x71: {  	s1 =	rddreg [dreg:$0x1];
	p0 =	sne.s32 s2, $0x0  }
0x72: {  	s3 =	rddreg [dreg:$0x2];
	[bflag:$0x3] =	sbarrier.arrive $0xFFFF;
	s2 =	simm.s32 @!p0 $0x1C05  }
0x73: {  	[timem:s3], [sflag:s2] =	dma.local @!p0 [hbm:s0], s1  }
0x74: {  	s0 =	simm.s32 @!p0 $0x5  }
0x75: {  	_ =	swait.ge @!p0 [sflag:s0], s1  }
0x76: {  	s1 =	ssub.s32 @!p0 $0x0, s1;
	[sflag:s0] =	ssyncset.done @!p0 $0x0  }
0x77: {  	[sflag:s0] =	ssyncadd.s32 @!p0 s1  }
0x78: {  	[bflag:$0x3] =	sbarrier.arrive $0xFFFF  }
0x79: {  	_ =	shalt  }

// kernel: kernel.17.cloned.1.call-start
scs
__scs_entry_jumppad:
0x0: {  	(pc) =	sbr.rel $0x88, $3  }
0x1: {  	(tag) =	ssettag $0x0;
	lr =	simm.s32 $0x1  }
0x2: {  	[smem:$0x3F91] =	sst lr;
	_ =	strace $0xD0000000  }
0x3: {  	_ = 	snop  }
0x4: {  	_ = 	snop  }
0x5: {  	_ = 	snop  }
0x6: {  	_ = 	snop  }
0x7: {  	_ = 	snop  }
__scs_overlays_trampoline_lowered:
0x8: {  	[smem:$0x3FA0] =	sst s0  }
0x9: {  	[smem:$0x3FA1] =	sst s1  }
0xa: {  	[smem:$0x3FA2] =	sst s2  }
0xb: {  	[smem:$0x3FA3] =	sst s3  }
0xc: {  	[smem:$0x3FA4] =	sst s4  }
0xd: {  	[smem:$0x3FA5] =	sst s5  }
0xe: {  	[smem:$0x3FA6] =	sst s6  }
0xf: {  	[smem:$0x3FA7] =	sst s7  }
0x10: {  	[smem:$0x3FA8] =	sst s8  }
0x11: {  	[smem:$0x3FA9] =	sst s9;
	s0 =	simm.s32 @!p0 $0x0  }
0x12: {  	s1 =	sld [smem:$0x3F8F];
	s0 =	simm.s32 @p0 $0x1  }
0x13: {  	[smem:$0x3FAA] =	sst s0;
	s0 =	simm.s32 @!p1 $0x0  }
0x14: {  	s2 =	sld [smem:$0x3F8E];
	s0 =	simm.s32 @p1 $0x1  }
0x15: {  	[smem:$0x3FAB] =	sst s0;
	s0 =	simm.s32 @!p2 $0x0  }
0x16: {  	s3 =	sld [smem:$0x3FDB];
	s0 =	simm.s32 @p2 $0x1  }
0x17: {  	s4 =	simm.s32 $0x1BF5;
	[smem:$0x3FAD] =	sst s0  }
0x18: {  	s0 =	sld [smem:$0x3F90];
	_ =	swait.ge [sflag:s4], $0x0  }
0x19: {  	s7 =	sld [smem:$0x3F91]  }
0x1a: {  	s8 =	sadd.s32 $0xFFFFE003, lr  }
0x1b: {  	s9 =	sadd.s32 $0xFFFFFEF7, lr;
	s5 =	simm.s32 $0xFFFFFFFF;
	p2 =	slt.u32 s8, $0xFFFFF086  }
0x1c: {  	p1 =	slt.u32 s9, $0xF7A;
	s5 =	simm.s32 @!p2 $0x0  }
0x1d: {  	s5 =	simm.s32 @p1 $0x1;
	p0 =	seq.s32 s7, s2  }
0x1e: {  	s7 =	smul.u32 @!p0 $0xF7A, s2;
	p2 =	seq.s32 @!p0 s5, $0x0  }
0x1f: {  	s9 =	smul.u32 $0xF7A, s1;
	s8 =	simm.s32 @!p0 $0x1BF5;
	p2 =	por !p2, p0  }
0x20: {  	[sflag:s8] =	ssyncset.s32 @!p0 $0xFFFFF086;
	s6 =	sadd.s32 @!p0 s3, s7;
	s7 =	simm.s32 @!p0 $0x108  }
0x21: {  	s3 =	sadd.s32 s3, s9;
	s6 =	sadd.s32 @!p0 $0x88, s6;
	s7 =	simm.s32 @p2 $0x1082  }
0x22: {  	[simem:s7], [sflag:s8] =	dma.local @!p0 [hbm:s6], $0xF7A  }
0x23: {  	s9 =	sor.u32 $0xD0000000, s2;
	s6 =	simm.s32 $0x108;
	_ =	swait.ge @!p0 [sflag:s8], $0x0  }
0x24: {  	s3 =	sadd.s32 $0x88, s3;
	s6 =	simm.s32 @!p1 $0x1082;
	[sflag:s4] =	ssyncset.s32 $0xFFFFF086  }
0x25: {  	[simem:s6], [sflag:s4] =	dma.local [hbm:s3], $0xF7A  }
0x26: {  	[smem:$0x3F91] =	sst s1;
	(tag) =	ssettag s2;
	_ =	strace s9  }
0x27: {  	s1 =	sld [smem:$0x3FA1]  }
0x28: {  	s2 =	sld [smem:$0x3FA2]  }
0x29: {  	s4 =	sld [smem:$0x3FA4]  }
0x2a: {  	p0 =	seq.s32 s5, $0x0;
	s5 =	sld [smem:$0x3FA5]  }
0x2b: {  	s6 =	sld [smem:$0x3FA6]  }
0x2c: {  	s7 =	sld [smem:$0x3FA7]  }
0x2d: {  	s3 =	simm.s32 $0x108;
	s8 =	sld [smem:$0x3FA8]  }
0x2e: {  	s3 =	simm.s32 @!p0 $0x1082;
	s9 =	sld [smem:$0x3FA9]  }
0x2f: {  	lr =	sadd.s32 s0, s3;
	s0 =	sld [smem:$0x3FA0]  }
0x30: {  	s3 =	sld [smem:$0x3FA3]  }
0x31: {  	[smem:$0x3FAC] =	sst s10  }
0x32: {  	s10 =	sld [smem:$0x3FAA];
	_ =	sdelay $0x3  }
0x33: {  	p0 =	seq.s32 s10, $0x1;
	s10 =	sld [smem:$0x3FAC];
	_ =	sdelay $0x3  }
0x34: {  	[smem:$0x3FAC] =	sst s10  }
0x35: {  	s10 =	sld [smem:$0x3FAB];
	_ =	sdelay $0x3  }
0x36: {  	p1 =	seq.s32 s10, $0x1;
	s10 =	sld [smem:$0x3FAC];
	_ =	sdelay $0x3  }
0x37: {  	[smem:$0x3FAC] =	sst s10  }
0x38: {  	s10 =	sld [smem:$0x3FAD]  }
0x39: {  	_ = 	snop;
	(pc) =	sbr.ind lr, $3  }
0x3a: {  	_ = 	snop  }
0x3b: {  	_ = 	snop  }
0x3c: {  	p2 =	seq.s32 s10, $0x1;
	s10 =	sld [smem:$0x3FAC]  }
0x3d: {  	_ =	shalt  }
0x3e: {  	_ =	shalt  }
0x3f: {  	_ =	shalt  }
0x40: {  	_ =	shalt  }
0x41: {  	_ =	shalt  }
0x42: {  	_ =	shalt  }
0x43: {  	_ =	shalt  }
0x44: {  	_ =	shalt  }
0x45: {  	_ =	shalt  }
0x46: {  	_ =	shalt  }
0x47: {  	_ =	shalt  }
0x48: {  	_ =	shalt  }
0x49: {  	_ =	shalt  }
0x4a: {  	_ =	shalt  }
0x4b: {  	_ =	shalt  }
0x4c: {  	_ =	shalt  }
0x4d: {  	_ =	shalt  }
0x4e: {  	_ =	shalt  }
0x4f: {  	_ =	shalt  }
0x50: {  	_ =	shalt  }
0x51: {  	_ =	shalt  }
0x52: {  	_ =	shalt  }
0x53: {  	_ =	shalt  }
0x54: {  	_ =	shalt  }
0x55: {  	_ =	shalt  }
0x56: {  	_ =	shalt  }
0x57: {  	_ =	shalt  }
0x58: {  	_ =	shalt  }
0x59: {  	_ =	shalt  }
0x5a: {  	_ =	shalt  }
0x5b: {  	_ =	shalt  }
0x5c: {  	_ =	shalt  }
0x5d: {  	_ =	shalt  }
0x5e: {  	_ =	shalt  }
0x5f: {  	_ =	shalt  }
0x60: {  	_ =	shalt  }
0x61: {  	_ =	shalt  }
0x62: {  	_ =	shalt  }
0x63: {  	_ =	shalt  }
0x64: {  	_ =	shalt  }
0x65: {  	_ =	shalt  }
0x66: {  	_ =	shalt  }
0x67: {  	_ =	shalt  }
0x68: {  	_ =	shalt  }
0x69: {  	_ =	shalt  }
0x6a: {  	_ =	shalt  }
0x6b: {  	_ =	shalt  }
0x6c: {  	_ =	shalt  }
0x6d: {  	_ =	shalt  }
0x6e: {  	_ =	shalt  }
0x6f: {  	_ =	shalt  }
0x70: {  	_ =	shalt  }
0x71: {  	_ =	shalt  }
0x72: {  	_ =	shalt  }
0x73: {  	_ =	shalt  }
0x74: {  	_ =	shalt  }
0x75: {  	_ =	shalt  }
0x76: {  	_ =	shalt  }
0x77: {  	_ =	shalt  }
0x78: {  	_ =	shalt  }
0x79: {  	_ =	shalt  }
0x7a: {  	_ =	shalt  }
0x7b: {  	_ =	shalt  }
0x7c: {  	_ =	shalt  }
0x7d: {  	_ =	shalt  }
0x7e: {  	_ =	shalt  }
0x7f: {  	_ =	shalt  }
0x80: {  	_ =	shalt  }
0x81: {  	_ =	shalt  }
0x82: {  	_ =	shalt  }
0x83: {  	_ =	shalt  }
0x84: {  	_ =	shalt  }
0x85: {  	_ =	shalt  }
0x86: {  	_ =	shalt  }
0x87: {  	_ =	shalt  }
.Lfunc_end0:
.L_simem_size_0:
called_computation.2_lowered:
.L_overlay_start_0:
0x88: {  	s2 =	sld [smem:$0x3FD9]  }
0x89: {  	s3 =	sld [smem:$0x3FFE];
	_ =	sdelay $0x1  }
0x8a: {  	s1 =	srdreg.scid  }
0x8b: {  	s0 =	sand.u32 $0x1, s1  }
0x8c: {  	s17 =	sshll.u32 s0, $0xA;
	s2 =	sadd.s32 s3, s2  }
0x8d: {  	s2 =	sadd.s32 s2, s17  }
0x8e: {  	[smem:$0x3FB8] =	sst s2  }
0x8f: {  	_ = 	snop  }
0x90: {  	(tm) =	ssettm $0x1  }
0x91: {  	s18 =	sld [smem:$0x3FFB];
	_ =	sdelay $0x3  }
0x92: {  	_ =	strace s18  }
0x93: {  	s2 =	sld [smem:$0x3FFC];
	_ =	sdelay $0x3  }
0x94: {  	_ =	strace s2  }
0x95: {  	s2 =	sld [smem:$0x3FFD];
	_ =	sdelay $0x3  }
0x96: {  	_ =	strace s2  }
0x97: {  	_ =	strace $0x8FFFFFFF  }
0x98: {  	s19 =	sld [smem:$0x3FDB];
	_ =	sdelay $0x1  }
0x99: {  	s20 =	simm.s32 $_scs_section_size  }
0x9a: {  	s4 =	simm.s32 $_size__tile_overlayer_lowered;
	s5 =	simm.s32 $_tile_overlayer_lowered  }
0x9b: {  	s6 =	simm.s32 $0x1BFF;
	s21 =	sshll.u32 s5, $0x1;
	s3 =	sadd.s32 s20, s19  }
0x9c: {  	s22 =	simm.s32 $0x0;
	s4 =	sshll.u32 s4, $0x1;
	s5 =	sadd.s32 s21, s3  }
0x9d: {  	[timem:s22], [sflag:s6] =	dma.local [hbm:s5], s4  }
0x9e: {  	_ =	swait.ge [sflag:s6], s4  }
0x9f: {  	s4 =	ssub.s32 $0x0, s4;
	[sflag:s6] =	ssyncset.done $0x0  }
0xa0: {  	[sflag:s6] =	ssyncadd.s32 s4;
	_ =	sdelay $0x1  }
0xa1: {  	s23 =	simm.s32 $0x1B8B  }
0xa2: {  	_ =	swait.ge [sflag:s23], $0x1  }
0xa3: {  	[sflag:s23] =	ssyncset.done $0x0  }
0xa4: {  	[sflag:s23] =	ssyncadd.s32 $0xFFFFFFFF  }
0xa5: {  	s4 =	sld [smem:$0x0]  }
0xa6: {  	s5 =	sand.u32 $0xFFFFFFFE, s1  }
0xa7: {  	p0 =	sne.s32 s1, s5  }
0xa8: {  	s5 =	sshll.u32 @p0 s5, $0xE  }
0xa9: {  	s5 =	sadd.s32 @p0 $0x11B8D, s5;
	s6 =	sshll.u32 @p0 s4, $0x11  }
0xaa: {  	s5 =	sor.u32 @p0 s6, s5  }
0xab: {  	[sflag:s5] =	ssyncadd.remote.s32 @p0 $0x1;
	_ =	sdelay $0x1  }
0xac: {  	s5 =	simm.s32 @p0 $0x1B8D  }
0xad: {  	_ =	swait.eq @p0 [sflag:s5], $0x1  }
0xae: {  	[sflag:s5] =	ssyncadd.s32 @p0 $0xFFFFFFFF  }
0xaf: {  	s6 =	sshll.u32 @!p0 s1, $0xE  }
0xb0: {  	s6 =	sor.u32 @!p0 $0x4000, s6;
	s5 =	simm.s32 @!p0 $0x1B8D  }
0xb1: {  	s4 =	sshll.u32 @!p0 s4, $0x11;
	s6 =	sadd.s32 @!p0 $0x11B8D, s6;
	_ =	swait.eq @!p0 [sflag:s5], $0x1  }
0xb2: {  	s4 =	sor.u32 @!p0 s4, s6;
	[sflag:s5] =	ssyncadd.s32 @!p0 $0xFFFFFFFF  }
0xb3: {  	s25 =	simm.s32 $0x1B8E;
	s24 =	sld [smem:$0x3FFE];
	[sflag:s4] =	ssyncadd.remote.s32 @!p0 $0x1  }
0xb4: {  	s26 =	simm.s32 $execute0_lowered;
	[smem:$0x3FD2] =	sst s25  }
0xb5: {  	s5 =	sshll.u32 s26, $0x1;
	_ =	strace $0x8000004C;
	[dreg:$0x1] =	wrdreg $0xFFFFFFFF  }
0xb6: {  	s28 =	simm.s32 $_size_execute0_lowered;
	s3 =	sadd.s32 s3, s5;
	[dreg:$0x0] =	wrdreg $0x0  }
0xb7: {  	s5 =	sshll.u32 s28, $0x1;
	[dreg:$0x2] =	wrdreg s3  }
0xb8: {  	[dreg:$0x3] =	wrdreg s5  }
0xb9: {  	[dreg:$0x4] =	wrdreg $0xC0  }
0xba: {  	_ =	task [dreg:s22], $0x5FFFF  }
0xbb: {  	[dreg:$0x1] =	wrdreg $0xFFFFFFFF  }
0xbc: {  	[dreg:$0x0] =	wrdreg $0x60  }
0xbd: {  	[dreg:$0x2] =	wrdreg s24  }
0xbe: {  	[dreg:$0x3] =	wrdreg $0xB  }
0xbf: {  	_ =	task.clear_ibuf [dreg:s22], $0x4FFFF;
	_ =	strace $0x9000004C  }
0xc0: {  	s29 =	simm.s32 $0xB;
	_ =	strace $0x8000004E  }
0xc1: {  	_ =	swait.ge [sflag:s29], $0x1  }
0xc2: {  	[sflag:s29] =	ssyncadd.s32 $0xFFFFFFFF  }
0xc3: {  	_ =	strace $0x9000004E  }
0xc4: {  	_ =	sfence  }
0xc5: {  	s30 =	sld [smem:$0x0];
	_ =	sdelay $0x2  }
0xc6: {  	s31 =	sshll.u32 s1, $0xD;
	s1 =	sshrl.u32 s1, $0x2  }
0xc7: {  	s4 =	sand.u32 $0x4000, s31;
	s1 =	sadd.s32 s1, s30  }
0xc8: {  	s0 =	sor.u32 s4, s0;
	s1 =	sshll.u32 s1, $0x11  }
0xc9: {  	s0 =	sor.u32 s1, s0  }
0xca: {  	s0 =	sadd.s32 $0x8F2B, s0  }
0xcb: {  	[sflag:s0] =	ssyncadd.remote.s32 $0x1  }
0xcc: {  	_ =	sfence.sel $0xFFFF  }
0xcd: {  	[dreg:$0x0] =	wrdreg $0xFFFFFFFF;
	(pc) =	sbr.abs _section_cstart, $3  }
0xce: {  	[dreg:$0x1] =	wrdreg $0xFFFFFFFF  }
0xcf: {  	_ =	task.clear_ibuf [dreg:s22], $0x2FFFF;
	_ =	strace $0x9FFFFFFF  }
0xd0: {  	(tm) =	ssettm $0x7FFFFFFF  }
0xd1: {  	_ =	shalt  }
tec
execute0_lowered:
.L_overlay_start_1:
0x0: {  	(tag) =	ssettag $0x1  }
0x1: {  	s4 =	rddreg [dreg:$0x0]  }
0x2: {  	s0 =	rddreg [dreg:$0x1];
	s2 =	simm.s32 $0x0  }
0x3: {  	s3 =	srdreg.scid;
	s1 =	stileid.u32;
	s14 =	simm.s32 $0x6600  }
0x4: {  	s15 =	simm.s32 $0x1;
	s16 =	simm.s32 $0x2;
	s17 =	simm.s32 $0x3  }
0x5: {  	s18 =	simm.s32 $0x4;
	s19 =	simm.s32 $0x0;
	[smem:$0x7FF] =	sst s2  }
0x6: {  	s6 =	sand.u32 $0x1, s3;
	s26 =	sshll.u32 s1, $0x1;
	s10 =	smul.u32 $0x2710, s1  }
0x7: {  	s3 =	sadd.s32 $0x2C6800, s4;
	s9 =	sadd.s32 $0x29600, s4;
	s12 =	smul.u32 $0x27100, s1  }
0x8: {  	s5 =	sor.u32 s6, s26;
	s28 =	ssub.s32 $0x2, s6;
	s11 =	smul.u32 $0x1388, s6  }
0x9: {  	s7 =	sadd.s32 $0x585C00, s4;
	s5 =	smul.u32 $0x1388, s5;
	s8 =	sshrl.u32 s28, $0x1  }
0xa: {  	_ =	strace $0x8000004D;
	s13 =	smul.u32 $0x13880, s6;
	s8 =	ssub.s32 s28, s8  }
0xb: {  	s10 =	sadd.s32 s11, s10;
	s11 =	simm.s32 $0xC8;
	s5 =	sadd.s32 $0x12C0, s5  }
0xc: {  	s6 =	smax.u32 s8, $0x1;
	s30 =	sadd.s32 $0xC8, s10;
	s10 =	sshrl.u32 s10, $0x3  }
0xd: {  	s29 =	sshrl.u32 s5, $0x3;
	s5 =	sshll.u32 s5, $0x4;
	s31 =	sshrl.u32 s30, $0x3  }
0xe: {  	s8 =	sadd.s32 s10, s9;
	s10 =	simm.s32 $0x5;
	s4 =	sadd.s32 s9, s29  }
0xf: {  	s5 =	sadd.s32 s7, s5;
	s7 =	sadd.s32 s12, s7;
	s9 =	sadd.s32 s31, s9  }
0x10: {  	s12 =	simm.s32 $0x200;
	s7 =	sadd.s32 s13, s7;
	s13 =	simm.s32 $0x100  }
.LBB2_1:
0x11: {  	s20 =	sadd.s32 $0x0, s8  }
0x12: {  	[tilespmem:s2], [sflag:$0x5] =	stream.linear.gather [hbm4b:s20+s2], $0xC8, $0x38;
	[tilespmem:$0xCA00] =	vst v63  }
0x13: {  	_ =	swait.ge [sflag:s10], $0xC8  }
0x14: {  	[sflag:s10] =	ssyncset.done $0x0  }
0x15: {  	[sflag:s10] =	ssyncadd.s32 $0xFFFFFF38  }
0x16: {  	[tilespmem:s12], [sflag:$0x1] =	stream.indirect.gather [hbm4b:s3+s11], $0x80, s2, s11, $0xb8;
	[tilespmem:$0xCA00] =	vst v63  }
0x17: {  	s30 =	sadd.s32 $0x0, s9  }
0x18: {  	[tilespmem:s13], [sflag:$0x5] =	stream.linear.gather [hbm4b:s30+s2], $0xC8, $0x38;
	[tilespmem:$0xCA00] =	vst v63  }
0x19: {  	_ =	swait.ge [sflag:s10], $0xC8  }
0x1a: {  	[sflag:s10] =	ssyncset.done $0x0  }
0x1b: {  	[sflag:s10] =	ssyncadd.s32 $0xFFFFFF38  }
0x1c: {  	[tilespmem:s14], [sflag:$0x2] =	stream.indirect.gather [hbm4b:s3+s11], $0x80, s13, s11, $0xb8;
	[tilespmem:$0xCA00] =	vst v63  }
0x1d: {  	_ =	swait.ge [sflag:s15], $0x6400  }
0x1e: {  	[sflag:s15] =	ssyncset.done $0x0  }
0x1f: {  	[sflag:s15] =	ssyncadd.s32 $0xFFFF9C00  }
0x20: {  	[hbm4b:s7+s2] =	stream.linear.scatter [tilespmem:s12], [sflag:$0x3], $0x6400, $0x38;
	[tilespmem:$0xCA00] =	vst v63  }
0x21: {  	_ =	swait.ge [sflag:s16], $0x6400  }
0x22: {  	[sflag:s16] =	ssyncset.done $0x0  }
0x23: {  	s31 =	sadd.s32 $0xC80, s7;
	[sflag:s16] =	ssyncadd.s32 $0xFFFF9C00  }
0x24: {  	[hbm4b:s31+s2] =	stream.linear.scatter [tilespmem:s14], [sflag:$0x4], $0x6400, $0x38;
	[tilespmem:$0xCA00] =	vst v63  }
0x25: {  	_ =	swait.ge [sflag:s17], $0x6400  }
0x26: {  	[sflag:s17] =	ssyncset.done $0x0  }
0x27: {  	[sflag:s17] =	ssyncadd.s32 $0xFFFF9C00  }
0x28: {  	s21 =	simm.s32 $0x32;
	_ =	swait.ge [sflag:s18], $0x6400  }
0x29: {  	s22 =	simm.s32 $0x64;
	s20 =	sadd.s32 $0x1900, s7;
	[sflag:s18] =	ssyncset.done $0x0  }
.LBB2_2:
0x2a: {  	s23 =	sadd.s32 s21, s8  }
0x2b: {  	[sflag:s18] =	ssyncadd.s32 $0xFFFF9C00;
	s24 =	smov.u32 s22;
	s25 =	sadd.s32 $0x32, s22  }
0x2c: {  	[tilespmem:s2], [sflag:$0x5] =	stream.linear.gather [hbm4b:s23+s2], $0xC8, $0x38;
	[tilespmem:$0xCA00] =	vst v63  }
0x2d: {  	p0 =	sne.s32 s22, $0x226;
	_ =	swait.ge [sflag:s10], $0xC8  }
0x2e: {  	[sflag:s10] =	ssyncset.done $0x0  }
0x2f: {  	[sflag:s10] =	ssyncadd.s32 $0xFFFFFF38  }
0x30: {  	[tilespmem:s12], [sflag:$0x1] =	stream.indirect.gather [hbm4b:s3+s11], $0x80, s2, s11, $0xb8;
	[tilespmem:$0xCA00] =	vst v63  }
0x31: {  	s22 =	sadd.s32 s21, s9;
	s21 =	smov.u32 s24  }
0x32: {  	[tilespmem:s13], [sflag:$0x5] =	stream.linear.gather [hbm4b:s22+s2], $0xC8, $0x38;
	[tilespmem:$0xCA00] =	vst v63  }
0x33: {  	_ =	swait.ge [sflag:s10], $0xC8  }
0x34: {  	[sflag:s10] =	ssyncset.done $0x0  }
0x35: {  	[sflag:s10] =	ssyncadd.s32 $0xFFFFFF38  }
0x36: {  	[tilespmem:s14], [sflag:$0x2] =	stream.indirect.gather [hbm4b:s3+s11], $0x80, s13, s11, $0xb8;
	[tilespmem:$0xCA00] =	vst v63  }
0x37: {  	_ =	swait.ge [sflag:s15], $0x6400  }
0x38: {  	[sflag:s15] =	ssyncset.done $0x0  }
0x39: {  	[sflag:s15] =	ssyncadd.s32 $0xFFFF9C00  }
0x3a: {  	[hbm4b:s20+s2] =	stream.linear.scatter [tilespmem:s12], [sflag:$0x3], $0x6400, $0x38;
	[tilespmem:$0xCA00] =	vst v63  }
0x3b: {  	_ =	swait.ge [sflag:s16], $0x6400  }
0x3c: {  	[sflag:s16] =	ssyncset.done $0x0  }
0x3d: {  	s22 =	sadd.s32 $0xC80, s20;
	[sflag:s16] =	ssyncadd.s32 $0xFFFF9C00  }
0x3e: {  	[hbm4b:s22+s2] =	stream.linear.scatter [tilespmem:s14], [sflag:$0x4], $0x6400, $0x38;
	[tilespmem:$0xCA00] =	vst v63  }
.Ltmp0:
0x3f: {  	_ =	swait.ge [sflag:s17], $0x6400;
	(pc) =	sbr.rel @p0 .LBB2_2-.Ltmp0, $4  }
0x40: {  	[sflag:s17] =	ssyncset.done $0x0  }
0x41: {  	[sflag:s17] =	ssyncadd.s32 $0xFFFF9C00  }
0x42: {  	_ =	swait.ge [sflag:s18], $0x6400  }
0x43: {  	s20 =	sadd.s32 $0x1900, s20;
	s22 =	smov.u32 s25;
	[sflag:s18] =	ssyncset.done $0x0  }
0x44: {  	s22 =	sadd.s32 s21, s8;
	[sflag:s18] =	ssyncadd.s32 $0xFFFF9C00  }
0x45: {  	[tilespmem:s2], [sflag:$0x5] =	stream.linear.gather [hbm4b:s22+s2], $0xC8, $0x38;
	[tilespmem:$0xCA00] =	vst v63  }
0x46: {  	_ =	swait.ge [sflag:s10], $0xC8  }
0x47: {  	[sflag:s10] =	ssyncset.done $0x0  }
0x48: {  	[sflag:s10] =	ssyncadd.s32 $0xFFFFFF38  }
0x49: {  	[tilespmem:s12], [sflag:$0x1] =	stream.indirect.gather [hbm4b:s3+s11], $0x80, s2, s11, $0xb8;
	[tilespmem:$0xCA00] =	vst v63  }
0x4a: {  	s30 =	sadd.s32 s21, s9  }
0x4b: {  	[tilespmem:s13], [sflag:$0x5] =	stream.linear.gather [hbm4b:s30+s2], $0xC8, $0x38;
	[tilespmem:$0xCA00] =	vst v63  }
0x4c: {  	_ =	swait.ge [sflag:s10], $0xC8  }
0x4d: {  	[sflag:s10] =	ssyncset.done $0x0  }
0x4e: {  	[sflag:s10] =	ssyncadd.s32 $0xFFFFFF38  }
0x4f: {  	[tilespmem:s14], [sflag:$0x2] =	stream.indirect.gather [hbm4b:s3+s11], $0x80, s13, s11, $0xb8;
	[tilespmem:$0xCA00] =	vst v63  }
0x50: {  	_ =	swait.ge [sflag:s15], $0x6400  }
0x51: {  	[sflag:s15] =	ssyncset.done $0x0  }
0x52: {  	[sflag:s15] =	ssyncadd.s32 $0xFFFF9C00  }
0x53: {  	[hbm4b:s20+s2] =	stream.linear.scatter [tilespmem:s12], [sflag:$0x3], $0x6400, $0x38;
	[tilespmem:$0xCA00] =	vst v63  }
0x54: {  	_ =	swait.ge [sflag:s16], $0x6400  }
0x55: {  	[sflag:s16] =	ssyncset.done $0x0  }
0x56: {  	s31 =	sadd.s32 $0xC80, s20;
	[sflag:s16] =	ssyncadd.s32 $0xFFFF9C00  }
0x57: {  	[hbm4b:s31+s2] =	stream.linear.scatter [tilespmem:s14], [sflag:$0x4], $0x6400, $0x38;
	[tilespmem:$0xCA00] =	vst v63  }
0x58: {  	_ =	swait.ge [sflag:s17], $0x6400  }
0x59: {  	[sflag:s17] =	ssyncset.done $0x0  }
0x5a: {  	[sflag:s17] =	ssyncadd.s32 $0xFFFF9C00  }
0x5b: {  	_ =	swait.ge [sflag:s18], $0x6400  }
0x5c: {  	[sflag:s18] =	ssyncset.done $0x0  }
0x5d: {  	[sflag:s18] =	ssyncadd.s32 $0xFFFF9C00  }
0x5e: {  	[tilespmem:s2], [sflag:$0x5] =	stream.linear.gather [hbm4b:s4+s2], $0xC8, $0x38;
	[tilespmem:$0xCA00] =	vst v63  }
0x5f: {  	_ =	swait.ge [sflag:s10], $0xC8  }
0x60: {  	[sflag:s10] =	ssyncset.done $0x0  }
0x61: {  	[sflag:s10] =	ssyncadd.s32 $0xFFFFFF38  }
0x62: {  	[tilespmem:s12], [sflag:$0x1] =	stream.indirect.gather [hbm4b:s3+s11], $0x80, s2, s11, $0xb8;
	[tilespmem:$0xCA00] =	vst v63  }
0x63: {  	s19 =	sadd.s32 $0x1, s19;
	_ =	swait.ge [sflag:s15], $0x6400  }
0x64: {  	p0 =	sne.s32 s19, s6;
	[sflag:s15] =	ssyncset.done $0x0  }
.Ltmp1:
0x65: {  	[sflag:s15] =	ssyncadd.s32 $0xFFFF9C00;
	(pc) =	sbr.rel @p0 .LBB2_1-.Ltmp1, $4  }
0x66: {  	[hbm4b:s5+s2] =	stream.linear.scatter [tilespmem:s12], [sflag:$0x5], $0x6400, $0x38;
	[tilespmem:$0xCA00] =	vst v63  }
0x67: {  	_ =	swait.ge [sflag:s10], $0x6400  }
0x68: {  	[sflag:s10] =	ssyncset.done $0x0  }
0x69: {  	[sflag:s10] =	ssyncadd.s32 $0xFFFF9C00  }
0x6a: {  	_ =	sfence.sel $0x180000  }
0x6b: {  	[bflag:$0x0] =	sbarrier.arrive $0xFFFF  }
0x6c: {  	p0 =	sne.s32 s1, $0x0;
	_ =	strace $0x9000004D  }
0x6d: {  	s0 =	sadd.s32 @!p0 $0x100000, s0;
	[bflag:$0x2] =	sbarrier.arrive $0xFFFF  }
0x6e: {  	[sflag:s0] =	ssyncadd.tile.s32 @!p0 $0x1;
	_ =	shalt  }
.Lfunc_end2:
_tile_overlayer_lowered:
.L_overlay_start_2:
0x6f: {  	(tag) =	ssettag $0x2  }
0x70: {  	s0 =	rddreg [dreg:$0x0];
	s2 =	stileid.u32  }
0x71: {  	s1 =	rddreg [dreg:$0x1];
	p0 =	sne.s32 s2, $0x0  }
0x72: {  	s3 =	rddreg [dreg:$0x2];
	[bflag:$0x3] =	sbarrier.arrive $0xFFFF;
	s2 =	simm.s32 @!p0 $0x1C05  }
0x73: {  	[timem:s3], [sflag:s2] =	dma.local @!p0 [hbm:s0], s1  }
0x74: {  	s0 =	simm.s32 @!p0 $0x5  }
0x75: {  	_ =	swait.ge @!p0 [sflag:s0], s1  }
0x76: {  	s1 =	ssub.s32 @!p0 $0x0, s1;
	[sflag:s0] =	ssyncset.done @!p0 $0x0  }
0x77: {  	[sflag:s0] =	ssyncadd.s32 @!p0 s1  }
0x78: {  	[bflag:$0x3] =	sbarrier.arrive $0xFFFF  }
0x79: {  	_ =	shalt  }

</sc_bundles>
